<compile_context>
chip_gen: v7x
topology: tpu7x:2x2x1
jax: 0.10.2.dev20260603
libtpu: 0.0.44.dev20260713+nightly
codegen_flags: <defaults>
</compile_context>

<pallas_src>
import jax
import jax.numpy as jnp
from jax import lax
from jax.experimental import pallas as pl
from jax.experimental.pallas import tpu as pltpu
from jax.experimental.pallas import tpu_sc as plsc

N_TOK = 1024
D = 128
NC = 2
NS = 16
NW = NC * NS
IPW = N_TOK // NW
JCH = 512
NJC = N_TOK // JCH
BUF_ROWS = JCH + IPW


def _sc_body(table_hbm, out_hbm, buf, sem_out):
    c = lax.axis_index("c")
    s = lax.axis_index("s")
    wid = s * NC + c
    i0 = wid * IPW
    for jc in range(NJC):
        j0 = jc * JCH
        s0 = (N_TOK - 1) + j0 - i0 - (IPW - 1)
        pltpu.sync_copy(table_hbm.at[pl.ds(s0 * D, BUF_ROWS * D)], buf)
        copies = []
        for ii in range(IPW):
            i = i0 + ii
            cp = pltpu.make_async_copy(
                buf.at[pl.ds((IPW - 1 - ii) * D, JCH * D)],
                out_hbm.at[pl.ds((i * N_TOK + j0) * D, JCH * D)],
                sem_out,
            )
            cp.start()
            copies.append(cp)
        for cp in copies:
            cp.wait()


def kernel(x, emb_table):
    del x
    table_flat = jnp.concatenate(
        [emb_table, jnp.zeros((1, D), jnp.float32)], axis=0
    ).reshape(-1)
    flat = pl.kernel(
        _sc_body,
        out_type=jax.ShapeDtypeStruct((N_TOK * N_TOK * D,), jnp.float32),
        scratch_types=[
            pltpu.VMEM((BUF_ROWS * D,), jnp.float32),
            pltpu.SemaphoreType.DMA,
        ],
        mesh=plsc.VectorSubcoreMesh(core_axis_name="c", subcore_axis_name="s"),
    )(table_flat)
    return flat.reshape(N_TOK, N_TOK, D)

# --- scband reference (transcript-rebuilt; emitter-appended) ---
"""Pipeline reference for scband-relative-positional-encoding-83889301225930 (READ-ONLY COPY).

The authoritative reference and input builder live on the scoring server;
editing this copy changes nothing except your own understanding.
"""

import jax, jax.numpy as jnp
import numpy as np

N_TOKENS = 1024
D_MODEL = 128

def setup_inputs(seed: int = 0) -> dict:
    key = jax.random.key(seed)
    k1, k2 = jax.random.split(key)
    x = jax.random.normal(k1, (4, N_TOKENS, D_MODEL), dtype=jnp.float32)
    # nn.Embedding default init: N(0, 1)
    emb_table = jax.random.normal(k2, (2 * N_TOKENS - 1, D_MODEL), dtype=jnp.float32)
    return {"x": x, "emb_table": emb_table}

def reference(x, emb_table):
    n_tokens = N_TOKENS
    pos = jnp.arange(n_tokens, dtype=jnp.float32)
    offsets = pos[jnp.newaxis, :] - pos[:, jnp.newaxis]
    offsets = offsets + (n_tokens - 1)
    idx = offsets.astype(jnp.int32)
    pe = jnp.take(emb_table, idx, axis=0)  # (n_tokens, n_tokens, d_model)
    return pe

if __name__ == "__main__":
    import jax
    _d = setup_inputs()
    print(jax.jit(kernel)(*tuple(_d.values())))

</pallas_src>

<mosaic_0001>
#map = affine_map<(d0, d1) -> (0)>
module attributes {stable_mosaic.version = 14 : i64} {
  func.func @_sc_body(%arg0: i32, %arg1: i32, %arg2: memref<262144xf32, #tpu.memory_space<hbm>>, %arg3: memref<134217728xf32, #tpu.memory_space<hbm>>, %arg4: memref<69632xf32, #tpu.memory_space<vmem>>, %arg5: memref<!tpu.dma_semaphore, #tpu.memory_space<semaphore_mem>>) attributes {dimension_semantics = [#tpu.dimension_semantics<core_parallel>, #tpu.dimension_semantics<subcore_parallel>], iteration_bounds = array<i64: 2, 16>, scalar_prefetch = 0 : i64, scratch_operands = 2 : i64, tpu.core_type = #tpu.core_type<sc_vector_subcore>, window_params = [{transform_indices = #map}, {transform_indices = #map}]} {
    %mul3A = arith.constant 2 : i32
    %mul3A_0 = arith.muli %arg1, %mul3A : i32
    %add3A = arith.addi %mul3A_0, %arg0 : i32
    %mul3A_1 = arith.constant 32 : i32
    %mul3A_2 = arith.muli %add3A, %mul3A_1 : i32
    %sub3A = arith.constant 1023 : i32
    %sub3A_3 = arith.subi %sub3A, %mul3A_2 : i32
    %sub3A_4 = arith.constant 31 : i32
    %sub3A_5 = arith.subi %sub3A_3, %sub3A_4 : i32
    %mul3A_6 = arith.constant 128 : i32
    %mul3A_7 = arith.muli %sub3A_5, %mul3A_6 : i32
    "tpu.region"() ({
      %run_scoped3A = tpu.sem_alloc : memref<!tpu.dma_semaphore, #tpu.memory_space<semaphore_mem>>
      %dma_start3A_1292 = tpu.memref_slice %arg2[%mul3A_7] : memref<262144xf32, #tpu.memory_space<hbm>> -> memref<69632xf32, #tpu.memory_space<hbm>>
      %dma_start3A_1293 = tpu.memref_slice %arg2[%mul3A_7] : memref<262144xf32, #tpu.memory_space<hbm>> -> memref<69632xf32, #tpu.memory_space<hbm>>
      tpu.enqueue_dma source(%dma_start3A_1293 : memref<69632xf32, #tpu.memory_space<hbm>>) target(%arg4 : memref<69632xf32, #tpu.memory_space<vmem>>) target_semaphore(%run_scoped3A : memref<!tpu.dma_semaphore, #tpu.memory_space<semaphore_mem>>)
      %dma_wait3A_1294 = tpu.memref_slice %arg2[%mul3A_7] : memref<262144xf32, #tpu.memory_space<hbm>> -> memref<69632xf32, #tpu.memory_space<hbm>>
      %dma_wait3A_1295 = tpu.memref_slice %arg2[%mul3A_7] : memref<262144xf32, #tpu.memory_space<hbm>> -> memref<69632xf32, #tpu.memory_space<hbm>>
      tpu.wait_dma2 semaphore(%run_scoped3A : memref<!tpu.dma_semaphore, #tpu.memory_space<semaphore_mem>>) src(%dma_wait3A_1295 : memref<69632xf32, #tpu.memory_space<hbm>>) dst(%arg4 : memref<69632xf32, #tpu.memory_space<vmem>>)
      tpu.yield
    }) : () -> ()
    %add3A_8 = arith.constant 0 : i32
    %add3A_9 = arith.addi %mul3A_2, %add3A_8 : i32
    %mul3A_10 = arith.constant 1024 : i32
    %mul3A_11 = arith.muli %add3A_9, %mul3A_10 : i32
    %add3A_12 = arith.constant 0 : i32
    %add3A_13 = arith.addi %mul3A_11, %add3A_12 : i32
    %mul3A_14 = arith.constant 128 : i32
    %mul3A_15 = arith.muli %add3A_13, %mul3A_14 : i32
    %dma_start3A = arith.constant 3968 : i32
    %dma_start3A_16 = tpu.memref_slice %arg4[%dma_start3A] : memref<69632xf32, #tpu.memory_space<vmem>> -> memref<65536xf32, #tpu.memory_space<vmem>>
    %dma_start3A_17 = tpu.memref_slice %arg3[%mul3A_15] : memref<134217728xf32, #tpu.memory_space<hbm>> -> memref<65536xf32, #tpu.memory_space<hbm>>
    %dma_start3A_18 = tpu.memref_slice %arg3[%mul3A_15] : memref<134217728xf32, #tpu.memory_space<hbm>> -> memref<65536xf32, #tpu.memory_space<hbm>>
    %dma_start3A_19 = arith.constant 3968 : i32
    %dma_start3A_20 = tpu.memref_slice %arg4[%dma_start3A_19] : memref<69632xf32, #tpu.memory_space<vmem>> -> memref<65536xf32, #tpu.memory_space<vmem>>
    tpu.enqueue_dma source(%dma_start3A_20 : memref<65536xf32, #tpu.memory_space<vmem>>) target(%dma_start3A_18 : memref<65536xf32, #tpu.memory_space<hbm>>) target_semaphore(%arg5 : memref<!tpu.dma_semaphore, #tpu.memory_space<semaphore_mem>>)
    %add3A_21 = arith.constant 1 : i32
    %add3A_22 = arith.addi %mul3A_2, %add3A_21 : i32
    %mul3A_23 = arith.constant 1024 : i32
    %mul3A_24 = arith.muli %add3A_22, %mul3A_23 : i32
    %add3A_25 = arith.constant 0 : i32
    %add3A_26 = arith.addi %mul3A_24, %add3A_25 : i32
    %mul3A_27 = arith.constant 128 : i32
    %mul3A_28 = arith.muli %add3A_26, %mul3A_27 : i32
    %dma_start3A_29 = arith.constant 3840 : i32
    %dma_start3A_30 = tpu.memref_slice %arg4[%dma_start3A_29] : memref<69632xf32, #tpu.memory_space<vmem>> -> memref<65536xf32, #tpu.memory_space<vmem>>
    %dma_start3A_31 = tpu.memref_slice %arg3[%mul3A_28] : memref<134217728xf32, #tpu.memory_space<hbm>> -> memref<65536xf32, #tpu.memory_space<hbm>>
    %dma_start3A_32 = tpu.memref_slice %arg3[%mul3A_28] : memref<134217728xf32, #tpu.memory_space<hbm>> -> memref<65536xf32, #tpu.memory_space<hbm>>
    %dma_start3A_33 = arith.constant 3840 : i32
    %dma_start3A_34 = tpu.memref_slice %arg4[%dma_start3A_33] : memref<69632xf32, #tpu.memory_space<vmem>> -> memref<65536xf32, #tpu.memory_space<vmem>>
    tpu.enqueue_dma source(%dma_start3A_34 : memref<65536xf32, #tpu.memory_space<vmem>>) target(%dma_start3A_32 : memref<65536xf32, #tpu.memory_space<hbm>>) target_semaphore(%arg5 : memref<!tpu.dma_semaphore, #tpu.memory_space<semaphore_mem>>)
    %add3A_35 = arith.constant 2 : i32
    %add3A_36 = arith.addi %mul3A_2, %add3A_35 : i32
    %mul3A_37 = arith.constant 1024 : i32
    %mul3A_38 = arith.muli %add3A_36, %mul3A_37 : i32
    %add3A_39 = arith.constant 0 : i32
    %add3A_40 = arith.addi %mul3A_38, %add3A_39 : i32
    %mul3A_41 = arith.constant 128 : i32
    %mul3A_42 = arith.muli %add3A_40, %mul3A_41 : i32
    %dma_start3A_43 = arith.constant 3712 : i32
    %dma_start3A_44 = tpu.memref_slice %arg4[%dma_start3A_43] : memref<69632xf32, #tpu.memory_space<vmem>> -> memref<65536xf32, #tpu.memory_space<vmem>>
    %dma_start3A_45 = tpu.memref_slice %arg3[%mul3A_42] : memref<134217728xf32, #tpu.memory_space<hbm>> -> memref<65536xf32, #tpu.memory_space<hbm>>
    %dma_start3A_46 = tpu.memref_slice %arg3[%mul3A_42] : memref<134217728xf32, #tpu.memory_space<hbm>> -> memref<65536xf32, #tpu.memory_space<hbm>>
    %dma_start3A_47 = arith.constant 3712 : i32
    %dma_start3A_48 = tpu.memref_slice %arg4[%dma_start3A_47] : memref<69632xf32, #tpu.memory_space<vmem>> -> memref<65536xf32, #tpu.memory_space<vmem>>
    tpu.enqueue_dma source(%dma_start3A_48 : memref<65536xf32, #tpu.memory_space<vmem>>) target(%dma_start3A_46 : memref<65536xf32, #tpu.memory_space<hbm>>) target_semaphore(%arg5 : memref<!tpu.dma_semaphore, #tpu.memory_space<semaphore_mem>>)
    %add3A_49 = arith.constant 3 : i32
    %add3A_50 = arith.addi %mul3A_2, %add3A_49 : i32
    %mul3A_51 = arith.constant 1024 : i32
    %mul3A_52 = arith.muli %add3A_50, %mul3A_51 : i32
    %add3A_53 = arith.constant 0 : i32
    %add3A_54 = arith.addi %mul3A_52, %add3A_53 : i32
    %mul3A_55 = arith.constant 128 : i32
    %mul3A_56 = arith.muli %add3A_54, %mul3A_55 : i32
    %dma_start3A_57 = arith.constant 3584 : i32
    %dma_start3A_58 = tpu.memref_slice %arg4[%dma_start3A_57] : memref<69632xf32, #tpu.memory_space<vmem>> -> memref<65536xf32, #tpu.memory_space<vmem>>
    %dma_start3A_59 = tpu.memref_slice %arg3[%mul3A_56] : memref<134217728xf32, #tpu.memory_space<hbm>> -> memref<65536xf32, #tpu.memory_space<hbm>>
    %dma_start3A_60 = tpu.memref_slice %arg3[%mul3A_56] : memref<134217728xf32, #tpu.memory_space<hbm>> -> memref<65536xf32, #tpu.memory_space<hbm>>
    %dma_start3A_61 = arith.constant 3584 : i32
    %dma_start3A_62 = tpu.memref_slice %arg4[%dma_start3A_61] : memref<69632xf32, #tpu.memory_space<vmem>> -> memref<65536xf32, #tpu.memory_space<vmem>>
    tpu.enqueue_dma source(%dma_start3A_62 : memref<65536xf32, #tpu.memory_space<vmem>>) target(%dma_start3A_60 : memref<65536xf32, #tpu.memory_space<hbm>>) target_semaphore(%arg5 : memref<!tpu.dma_semaphore, #tpu.memory_space<semaphore_mem>>)
    %add3A_63 = arith.constant 4 : i32
    %add3A_64 = arith.addi %mul3A_2, %add3A_63 : i32
    %mul3A_65 = arith.constant 1024 : i32
    %mul3A_66 = arith.muli %add3A_64, %mul3A_65 : i32
    %add3A_67 = arith.constant 0 : i32
    %add3A_68 = arith.addi %mul3A_66, %add3A_67 : i32
    %mul3A_69 = arith.constant 128 : i32
    %mul3A_70 = arith.muli %add3A_68, %mul3A_69 : i32
    %dma_start3A_71 = arith.constant 3456 : i32
    %dma_start3A_72 = tpu.memref_slice %arg4[%dma_start3A_71] : memref<69632xf32, #tpu.memory_space<vmem>> -> memref<65536xf32, #tpu.memory_space<vmem>>
    %dma_start3A_73 = tpu.memref_slice %arg3[%mul3A_70] : memref<134217728xf32, #tpu.memory_space<hbm>> -> memref<65536xf32, #tpu.memory_space<hbm>>
    %dma_start3A_74 = tpu.memref_slice %arg3[%mul3A_70] : memref<134217728xf32, #tpu.memory_space<hbm>> -> memref<65536xf32, #tpu.memory_space<hbm>>
    %dma_start3A_75 = arith.constant 3456 : i32
    %dma_start3A_76 = tpu.memref_slice %arg4[%dma_start3A_75] : memref<69632xf32, #tpu.memory_space<vmem>> -> memref<65536xf32, #tpu.memory_space<vmem>>
    tpu.enqueue_dma source(%dma_start3A_76 : memref<65536xf32, #tpu.memory_space<vmem>>) target(%dma_start3A_74 : memref<65536xf32, #tpu.memory_space<hbm>>) target_semaphore(%arg5 : memref<!tpu.dma_semaphore, #tpu.memory_space<semaphore_mem>>)
    %add3A_77 = arith.constant 5 : i32
    %add3A_78 = arith.addi %mul3A_2, %add3A_77 : i32
    %mul3A_79 = arith.constant 1024 : i32
    %mul3A_80 = arith.muli %add3A_78, %mul3A_79 : i32
    %add3A_81 = arith.constant 0 : i32
    %add3A_82 = arith.addi %mul3A_80, %add3A_81 : i32
    %mul3A_83 = arith.constant 128 : i32
    %mul3A_84 = arith.muli %add3A_82, %mul3A_83 : i32
    %dma_start3A_85 = arith.constant 3328 : i32
    %dma_start3A_86 = tpu.memref_slice %arg4[%dma_start3A_85] : memref<69632xf32, #tpu.memory_space<vmem>> -> memref<65536xf32, #tpu.memory_space<vmem>>
    %dma_start3A_87 = tpu.memref_slice %arg3[%mul3A_84] : memref<134217728xf32, #tpu.memory_space<hbm>> -> memref<65536xf32, #tpu.memory_space<hbm>>
    %dma_start3A_88 = tpu.memref_slice %arg3[%mul3A_84] : memref<134217728xf32, #tpu.memory_space<hbm>> -> memref<65536xf32, #tpu.memory_space<hbm>>
    %dma_start3A_89 = arith.constant 3328 : i32
    %dma_start3A_90 = tpu.memref_slice %arg4[%dma_start3A_89] : memref<69632xf32, #tpu.memory_space<vmem>> -> memref<65536xf32, #tpu.memory_space<vmem>>
    tpu.enqueue_dma source(%dma_start3A_90 : memref<65536xf32, #tpu.memory_space<vmem>>) target(%dma_start3A_88 : memref<65536xf32, #tpu.memory_space<hbm>>) target_semaphore(%arg5 : memref<!tpu.dma_semaphore, #tpu.memory_space<semaphore_mem>>)
    %add3A_91 = arith.constant 6 : i32
    %add3A_92 = arith.addi %mul3A_2, %add3A_91 : i32
    %mul3A_93 = arith.constant 1024 : i32
    %mul3A_94 = arith.muli %add3A_92, %mul3A_93 : i32
    %add3A_95 = arith.constant 0 : i32
    %add3A_96 = arith.addi %mul3A_94, %add3A_95 : i32
    %mul3A_97 = arith.constant 128 : i32
    %mul3A_98 = arith.muli %add3A_96, %mul3A_97 : i32
    %dma_start3A_99 = arith.constant 3200 : i32
    %dma_start3A_100 = tpu.memref_slice %arg4[%dma_start3A_99] : memref<69632xf32, #tpu.memory_space<vmem>> -> memref<65536xf32, #tpu.memory_space<vmem>>
    %dma_start3A_101 = tpu.memref_slice %arg3[%mul3A_98] : memref<134217728xf32, #tpu.memory_space<hbm>> -> memref<65536xf32, #tpu.memory_space<hbm>>
    %dma_start3A_102 = tpu.memref_slice %arg3[%mul3A_98] : memref<134217728xf32, #tpu.memory_space<hbm>> -> memref<65536xf32, #tpu.memory_space<hbm>>
    %dma_start3A_103 = arith.constant 3200 : i32
    %dma_start3A_104 = tpu.memref_slice %arg4[%dma_start3A_103] : memref<69632xf32, #tpu.memory_space<vmem>> -> memref<65536xf32, #tpu.memory_space<vmem>>
    tpu.enqueue_dma source(%dma_start3A_104 : memref<65536xf32, #tpu.memory_space<vmem>>) target(%dma_start3A_102 : memref<65536xf32, #tpu.memory_space<hbm>>) target_semaphore(%arg5 : memref<!tpu.dma_semaphore, #tpu.memory_space<semaphore_mem>>)
    %add3A_105 = arith.constant 7 : i32
    %add3A_106 = arith.addi %mul3A_2, %add3A_105 : i32
    %mul3A_107 = arith.constant 1024 : i32
    %mul3A_108 = arith.muli %add3A_106, %mul3A_107 : i32
    %add3A_109 = arith.constant 0 : i32
    %add3A_110 = arith.addi %mul3A_108, %add3A_109 : i32
    %mul3A_111 = arith.constant 128 : i32
    %mul3A_112 = arith.muli %add3A_110, %mul3A_111 : i32
    %dma_start3A_113 = arith.constant 3072 : i32
    %dma_start3A_114 = tpu.memref_slice %arg4[%dma_start3A_113] : memref<69632xf32, #tpu.memory_space<vmem>> -> memref<65536xf32, #tpu.memory_space<vmem>>
    %dma_start3A_115 = tpu.memref_slice %arg3[%mul3A_112] : memref<134217728xf32, #tpu.memory_space<hbm>> -> memref<65536xf32, #tpu.memory_space<hbm>>
    %dma_start3A_116 = tpu.memref_slice %arg3[%mul3A_112] : memref<134217728xf32, #tpu.memory_space<hbm>> -> memref<65536xf32, #tpu.memory_space<hbm>>
    %dma_start3A_117 = arith.constant 3072 : i32
    %dma_start3A_118 = tpu.memref_slice %arg4[%dma_start3A_117] : memref<69632xf32, #tpu.memory_space<vmem>> -> memref<65536xf32, #tpu.memory_space<vmem>>
    tpu.enqueue_dma source(%dma_start3A_118 : memref<65536xf32, #tpu.memory_space<vmem>>) target(%dma_start3A_116 : memref<65536xf32, #tpu.memory_space<hbm>>) target_semaphore(%arg5 : memref<!tpu.dma_semaphore, #tpu.memory_space<semaphore_mem>>)
    %add3A_119 = arith.constant 8 : i32
    %add3A_120 = arith.addi %mul3A_2, %add3A_119 : i32
    %mul3A_121 = arith.constant 1024 : i32
    %mul3A_122 = arith.muli %add3A_120, %mul3A_121 : i32
    %add3A_123 = arith.constant 0 : i32
    %add3A_124 = arith.addi %mul3A_122, %add3A_123 : i32
    %mul3A_125 = arith.constant 128 : i32
    %mul3A_126 = arith.muli %add3A_124, %mul3A_125 : i32
    %dma_start3A_127 = arith.constant 2944 : i32
    %dma_start3A_128 = tpu.memref_slice %arg4[%dma_start3A_127] : memref<69632xf32, #tpu.memory_space<vmem>> -> memref<65536xf32, #tpu.memory_space<vmem>>
    %dma_start3A_129 = tpu.memref_slice %arg3[%mul3A_126] : memref<134217728xf32, #tpu.memory_space<hbm>> -> memref<65536xf32, #tpu.memory_space<hbm>>
    %dma_start3A_130 = tpu.memref_slice %arg3[%mul3A_126] : memref<134217728xf32, #tpu.memory_space<hbm>> -> memref<65536xf32, #tpu.memory_space<hbm>>
    %dma_start3A_131 = arith.constant 2944 : i32
    %dma_start3A_132 = tpu.memref_slice %arg4[%dma_start3A_131] : memref<69632xf32, #tpu.memory_space<vmem>> -> memref<65536xf32, #tpu.memory_space<vmem>>
    tpu.enqueue_dma source(%dma_start3A_132 : memref<65536xf32, #tpu.memory_space<vmem>>) target(%dma_start3A_130 : memref<65536xf32, #tpu.memory_space<hbm>>) target_semaphore(%arg5 : memref<!tpu.dma_semaphore, #tpu.memory_space<semaphore_mem>>)
    %add3A_133 = arith.constant 9 : i32
    %add3A_134 = arith.addi %mul3A_2, %add3A_133 : i32
    %mul3A_135 = arith.constant 1024 : i32
    %mul3A_136 = arith.muli %add3A_134, %mul3A_135 : i32
    %add3A_137 = arith.constant 0 : i32
    %add3A_138 = arith.addi %mul3A_136, %add3A_137 : i32
    %mul3A_139 = arith.constant 128 : i32
    %mul3A_140 = arith.muli %add3A_138, %mul3A_139 : i32
    %dma_start3A_141 = arith.constant 2816 : i32
    %dma_start3A_142 = tpu.memref_slice %arg4[%dma_start3A_141] : memref<69632xf32, #tpu.memory_space<vmem>> -> memref<65536xf32, #tpu.memory_space<vmem>>
    %dma_start3A_143 = tpu.memref_slice %arg3[%mul3A_140] : memref<134217728xf32, #tpu.memory_space<hbm>> -> memref<65536xf32, #tpu.memory_space<hbm>>
    %dma_start3A_144 = tpu.memref_slice %arg3[%mul3A_140] : memref<134217728xf32, #tpu.memory_space<hbm>> -> memref<65536xf32, #tpu.memory_space<hbm>>
    %dma_start3A_145 = arith.constant 2816 : i32
    %dma_start3A_146 = tpu.memref_slice %arg4[%dma_start3A_145] : memref<69632xf32, #tpu.memory_space<vmem>> -> memref<65536xf32, #tpu.memory_space<vmem>>
    tpu.enqueue_dma source(%dma_start3A_146 : memref<65536xf32, #tpu.memory_space<vmem>>) target(%dma_start3A_144 : memref<65536xf32, #tpu.memory_space<hbm>>) target_semaphore(%arg5 : memref<!tpu.dma_semaphore, #tpu.memory_space<semaphore_mem>>)
    %add3A_147 = arith.constant 10 : i32
    %add3A_148 = arith.addi %mul3A_2, %add3A_147 : i32
    %mul3A_149 = arith.constant 1024 : i32
    %mul3A_150 = arith.muli %add3A_148, %mul3A_149 : i32
    %add3A_151 = arith.constant 0 : i32
    %add3A_152 = arith.addi %mul3A_150, %add3A_151 : i32
    %mul3A_153 = arith.constant 128 : i32
    %mul3A_154 = arith.muli %add3A_152, %mul3A_153 : i32
    %dma_start3A_155 = arith.constant 2688 : i32
    %dma_start3A_156 = tpu.memref_slice %arg4[%dma_start3A_155] : memref<69632xf32, #tpu.memory_space<vmem>> -> memref<65536xf32, #tpu.memory_space<vmem>>
    %dma_start3A_157 = tpu.memref_slice %arg3[%mul3A_154] : memref<134217728xf32, #tpu.memory_space<hbm>> -> memref<65536xf32, #tpu.memory_space<hbm>>
    %dma_start3A_158 = tpu.memref_slice %arg3[%mul3A_154] : memref<134217728xf32, #tpu.memory_space<hbm>> -> memref<65536xf32, #tpu.memory_space<hbm>>
    %dma_start3A_159 = arith.constant 2688 : i32
    %dma_start3A_160 = tpu.memref_slice %arg4[%dma_start3A_159] : memref<69632xf32, #tpu.memory_space<vmem>> -> memref<65536xf32, #tpu.memory_space<vmem>>
    tpu.enqueue_dma source(%dma_start3A_160 : memref<65536xf32, #tpu.memory_space<vmem>>) target(%dma_start3A_158 : memref<65536xf32, #tpu.memory_space<hbm>>) target_semaphore(%arg5 : memref<!tpu.dma_semaphore, #tpu.memory_space<semaphore_mem>>)
    %add3A_161 = arith.constant 11 : i32
    %add3A_162 = arith.addi %mul3A_2, %add3A_161 : i32
    %mul3A_163 = arith.constant 1024 : i32
    %mul3A_164 = arith.muli %add3A_162, %mul3A_163 : i32
    %add3A_165 = arith.constant 0 : i32
    %add3A_166 = arith.addi %mul3A_164, %add3A_165 : i32
    %mul3A_167 = arith.constant 128 : i32
    %mul3A_168 = arith.muli %add3A_166, %mul3A_167 : i32
    %dma_start3A_169 = arith.constant 2560 : i32
    %dma_start3A_170 = tpu.memref_slice %arg4[%dma_start3A_169] : memref<69632xf32, #tpu.memory_space<vmem>> -> memref<65536xf32, #tpu.memory_space<vmem>>
    %dma_start3A_171 = tpu.memref_slice %arg3[%mul3A_168] : memref<134217728xf32, #tpu.memory_space<hbm>> -> memref<65536xf32, #tpu.memory_space<hbm>>
    %dma_start3A_172 = tpu.memref_slice %arg3[%mul3A_168] : memref<134217728xf32, #tpu.memory_space<hbm>> -> memref<65536xf32, #tpu.memory_space<hbm>>
    %dma_start3A_173 = arith.constant 2560 : i32
    %dma_start3A_174 = tpu.memref_slice %arg4[%dma_start3A_173] : memref<69632xf32, #tpu.memory_space<vmem>> -> memref<65536xf32, #tpu.memory_space<vmem>>
    tpu.enqueue_dma source(%dma_start3A_174 : memref<65536xf32, #tpu.memory_space<vmem>>) target(%dma_start3A_172 : memref<65536xf32, #tpu.memory_space<hbm>>) target_semaphore(%arg5 : memref<!tpu.dma_semaphore, #tpu.memory_space<semaphore_mem>>)
    %add3A_175 = arith.constant 12 : i32
    %add3A_176 = arith.addi %mul3A_2, %add3A_175 : i32
    %mul3A_177 = arith.constant 1024 : i32
    %mul3A_178 = arith.muli %add3A_176, %mul3A_177 : i32
    %add3A_179 = arith.constant 0 : i32
    %add3A_180 = arith.addi %mul3A_178, %add3A_179 : i32
    %mul3A_181 = arith.constant 128 : i32
    %mul3A_182 = arith.muli %add3A_180, %mul3A_181 : i32
    %dma_start3A_183 = arith.constant 2432 : i32
    %dma_start3A_184 = tpu.memref_slice %arg4[%dma_start3A_183] : memref<69632xf32, #tpu.memory_space<vmem>> -> memref<65536xf32, #tpu.memory_space<vmem>>
    %dma_start3A_185 = tpu.memref_slice %arg3[%mul3A_182] : memref<134217728xf32, #tpu.memory_space<hbm>> -> memref<65536xf32, #tpu.memory_space<hbm>>
    %dma_start3A_186 = tpu.memref_slice %arg3[%mul3A_182] : memref<134217728xf32, #tpu.memory_space<hbm>> -> memref<65536xf32, #tpu.memory_space<hbm>>
    %dma_start3A_187 = arith.constant 2432 : i32
    %dma_start3A_188 = tpu.memref_slice %arg4[%dma_start3A_187] : memref<69632xf32, #tpu.memory_space<vmem>> -> memref<65536xf32, #tpu.memory_space<vmem>>
    tpu.enqueue_dma source(%dma_start3A_188 : memref<65536xf32, #tpu.memory_space<vmem>>) target(%dma_start3A_186 : memref<65536xf32, #tpu.memory_space<hbm>>) target_semaphore(%arg5 : memref<!tpu.dma_semaphore, #tpu.memory_space<semaphore_mem>>)
    %add3A_189 = arith.constant 13 : i32
    %add3A_190 = arith.addi %mul3A_2, %add3A_189 : i32
    %mul3A_191 = arith.constant 1024 : i32
    %mul3A_192 = arith.muli %add3A_190, %mul3A_191 : i32
    %add3A_193 = arith.constant 0 : i32
    %add3A_194 = arith.addi %mul3A_192, %add3A_193 : i32
    %mul3A_195 = arith.constant 128 : i32
    %mul3A_196 = arith.muli %add3A_194, %mul3A_195 : i32
    %dma_start3A_197 = arith.constant 2304 : i32
    %dma_start3A_198 = tpu.memref_slice %arg4[%dma_start3A_197] : memref<69632xf32, #tpu.memory_space<vmem>> -> memref<65536xf32, #tpu.memory_space<vmem>>
    %dma_start3A_199 = tpu.memref_slice %arg3[%mul3A_196] : memref<134217728xf32, #tpu.memory_space<hbm>> -> memref<65536xf32, #tpu.memory_space<hbm>>
    %dma_start3A_200 = tpu.memref_slice %arg3[%mul3A_196] : memref<134217728xf32, #tpu.memory_space<hbm>> -> memref<65536xf32, #tpu.memory_space<hbm>>
    %dma_start3A_201 = arith.constant 2304 : i32
    %dma_start3A_202 = tpu.memref_slice %arg4[%dma_start3A_201] : memref<69632xf32, #tpu.memory_space<vmem>> -> memref<65536xf32, #tpu.memory_space<vmem>>
    tpu.enqueue_dma source(%dma_start3A_202 : memref<65536xf32, #tpu.memory_space<vmem>>) target(%dma_start3A_200 : memref<65536xf32, #tpu.memory_space<hbm>>) target_semaphore(%arg5 : memref<!tpu.dma_semaphore, #tpu.memory_space<semaphore_mem>>)
    %add3A_203 = arith.constant 14 : i32
    %add3A_204 = arith.addi %mul3A_2, %add3A_203 : i32
    %mul3A_205 = arith.constant 1024 : i32
    %mul3A_206 = arith.muli %add3A_204, %mul3A_205 : i32
    %add3A_207 = arith.constant 0 : i32
    %add3A_208 = arith.addi %mul3A_206, %add3A_207 : i32
    %mul3A_209 = arith.constant 128 : i32
    %mul3A_210 = arith.muli %add3A_208, %mul3A_209 : i32
    %dma_start3A_211 = arith.constant 2176 : i32
    %dma_start3A_212 = tpu.memref_slice %arg4[%dma_start3A_211] : memref<69632xf32, #tpu.memory_space<vmem>> -> memref<65536xf32, #tpu.memory_space<vmem>>
    %dma_start3A_213 = tpu.memref_slice %arg3[%mul3A_210] : memref<134217728xf32, #tpu.memory_space<hbm>> -> memref<65536xf32, #tpu.memory_space<hbm>>
    %dma_start3A_214 = tpu.memref_slice %arg3[%mul3A_210] : memref<134217728xf32, #tpu.memory_space<hbm>> -> memref<65536xf32, #tpu.memory_space<hbm>>
    %dma_start3A_215 = arith.constant 2176 : i32
    %dma_start3A_216 = tpu.memref_slice %arg4[%dma_start3A_215] : memref<69632xf32, #tpu.memory_space<vmem>> -> memref<65536xf32, #tpu.memory_space<vmem>>
    tpu.enqueue_dma source(%dma_start3A_216 : memref<65536xf32, #tpu.memory_space<vmem>>) target(%dma_start3A_214 : memref<65536xf32, #tpu.memory_space<hbm>>) target_semaphore(%arg5 : memref<!tpu.dma_semaphore, #tpu.memory_space<semaphore_mem>>)
    %add3A_217 = arith.constant 15 : i32
    %add3A_218 = arith.addi %mul3A_2, %add3A_217 : i32
    %mul3A_219 = arith.constant 1024 : i32
    %mul3A_220 = arith.muli %add3A_218, %mul3A_219 : i32
    %add3A_221 = arith.constant 0 : i32
    %add3A_222 = arith.addi %mul3A_220, %add3A_221 : i32
    %mul3A_223 = arith.constant 128 : i32
    %mul3A_224 = arith.muli %add3A_222, %mul3A_223 : i32
    %dma_start3A_225 = arith.constant 2048 : i32
    %dma_start3A_226 = tpu.memref_slice %arg4[%dma_start3A_225] : memref<69632xf32, #tpu.memory_space<vmem>> -> memref<65536xf32, #tpu.memory_space<vmem>>
    %dma_start3A_227 = tpu.memref_slice %arg3[%mul3A_224] : memref<134217728xf32, #tpu.memory_space<hbm>> -> memref<65536xf32, #tpu.memory_space<hbm>>
    %dma_start3A_228 = tpu.memref_slice %arg3[%mul3A_224] : memref<134217728xf32, #tpu.memory_space<hbm>> -> memref<65536xf32, #tpu.memory_space<hbm>>
    %dma_start3A_229 = arith.constant 2048 : i32
    %dma_start3A_230 = tpu.memref_slice %arg4[%dma_start3A_229] : memref<69632xf32, #tpu.memory_space<vmem>> -> memref<65536xf32, #tpu.memory_space<vmem>>
    tpu.enqueue_dma source(%dma_start3A_230 : memref<65536xf32, #tpu.memory_space<vmem>>) target(%dma_start3A_228 : memref<65536xf32, #tpu.memory_space<hbm>>) target_semaphore(%arg5 : memref<!tpu.dma_semaphore, #tpu.memory_space<semaphore_mem>>)
    %add3A_231 = arith.constant 16 : i32
    %add3A_232 = arith.addi %mul3A_2, %add3A_231 : i32
    %mul3A_233 = arith.constant 1024 : i32
    %mul3A_234 = arith.muli %add3A_232, %mul3A_233 : i32
    %add3A_235 = arith.constant 0 : i32
    %add3A_236 = arith.addi %mul3A_234, %add3A_235 : i32
    %mul3A_237 = arith.constant 128 : i32
    %mul3A_238 = arith.muli %add3A_236, %mul3A_237 : i32
    %dma_start3A_239 = arith.constant 1920 : i32
    %dma_start3A_240 = tpu.memref_slice %arg4[%dma_start3A_239] : memref<69632xf32, #tpu.memory_space<vmem>> -> memref<65536xf32, #tpu.memory_space<vmem>>
    %dma_start3A_241 = tpu.memref_slice %arg3[%mul3A_238] : memref<134217728xf32, #tpu.memory_space<hbm>> -> memref<65536xf32, #tpu.memory_space<hbm>>
    %dma_start3A_242 = tpu.memref_slice %arg3[%mul3A_238] : memref<134217728xf32, #tpu.memory_space<hbm>> -> memref<65536xf32, #tpu.memory_space<hbm>>
    %dma_start3A_243 = arith.constant 1920 : i32
    %dma_start3A_244 = tpu.memref_slice %arg4[%dma_start3A_243] : memref<69632xf32, #tpu.memory_space<vmem>> -> memref<65536xf32, #tpu.memory_space<vmem>>
    tpu.enqueue_dma source(%dma_start3A_244 : memref<65536xf32, #tpu.memory_space<vmem>>) target(%dma_start3A_242 : memref<65536xf32, #tpu.memory_space<hbm>>) target_semaphore(%arg5 : memref<!tpu.dma_semaphore, #tpu.memory_space<semaphore_mem>>)
    %add3A_245 = arith.constant 17 : i32
    %add3A_246 = arith.addi %mul3A_2, %add3A_245 : i32
    %mul3A_247 = arith.constant 1024 : i32
    %mul3A_248 = arith.muli %add3A_246, %mul3A_247 : i32
    %add3A_249 = arith.constant 0 : i32
    %add3A_250 = arith.addi %mul3A_248, %add3A_249 : i32
    %mul3A_251 = arith.constant 128 : i32
    %mul3A_252 = arith.muli %add3A_250, %mul3A_251 : i32
    %dma_start3A_253 = arith.constant 1792 : i32
    %dma_start3A_254 = tpu.memref_slice %arg4[%dma_start3A_253] : memref<69632xf32, #tpu.memory_space<vmem>> -> memref<65536xf32, #tpu.memory_space<vmem>>
    %dma_start3A_255 = tpu.memref_slice %arg3[%mul3A_252] : memref<134217728xf32, #tpu.memory_space<hbm>> -> memref<65536xf32, #tpu.memory_space<hbm>>
    %dma_start3A_256 = tpu.memref_slice %arg3[%mul3A_252] : memref<134217728xf32, #tpu.memory_space<hbm>> -> memref<65536xf32, #tpu.memory_space<hbm>>
    %dma_start3A_257 = arith.constant 1792 : i32
    %dma_start3A_258 = tpu.memref_slice %arg4[%dma_start3A_257] : memref<69632xf32, #tpu.memory_space<vmem>> -> memref<65536xf32, #tpu.memory_space<vmem>>
    tpu.enqueue_dma source(%dma_start3A_258 : memref<65536xf32, #tpu.memory_space<vmem>>) target(%dma_start3A_256 : memref<65536xf32, #tpu.memory_space<hbm>>) target_semaphore(%arg5 : memref<!tpu.dma_semaphore, #tpu.memory_space<semaphore_mem>>)
    %add3A_259 = arith.constant 18 : i32
    %add3A_260 = arith.addi %mul3A_2, %add3A_259 : i32
    %mul3A_261 = arith.constant 1024 : i32
    %mul3A_262 = arith.muli %add3A_260, %mul3A_261 : i32
    %add3A_263 = arith.constant 0 : i32
    %add3A_264 = arith.addi %mul3A_262, %add3A_263 : i32
    %mul3A_265 = arith.constant 128 : i32
    %mul3A_266 = arith.muli %add3A_264, %mul3A_265 : i32
    %dma_start3A_267 = arith.constant 1664 : i32
    %dma_start3A_268 = tpu.memref_slice %arg4[%dma_start3A_267] : memref<69632xf32, #tpu.memory_space<vmem>> -> memref<65536xf32, #tpu.memory_space<vmem>>
    %dma_start3A_269 = tpu.memref_slice %arg3[%mul3A_266] : memref<134217728xf32, #tpu.memory_space<hbm>> -> memref<65536xf32, #tpu.memory_space<hbm>>
    %dma_start3A_270 = tpu.memref_slice %arg3[%mul3A_266] : memref<134217728xf32, #tpu.memory_space<hbm>> -> memref<65536xf32, #tpu.memory_space<hbm>>
    %dma_start3A_271 = arith.constant 1664 : i32
    %dma_start3A_272 = tpu.memref_slice %arg4[%dma_start3A_271] : memref<69632xf32, #tpu.memory_space<vmem>> -> memref<65536xf32, #tpu.memory_space<vmem>>
    tpu.enqueue_dma source(%dma_start3A_272 : memref<65536xf32, #tpu.memory_space<vmem>>) target(%dma_start3A_270 : memref<65536xf32, #tpu.memory_space<hbm>>) target_semaphore(%arg5 : memref<!tpu.dma_semaphore, #tpu.memory_space<semaphore_mem>>)
    %add3A_273 = arith.constant 19 : i32
    %add3A_274 = arith.addi %mul3A_2, %add3A_273 : i32
    %mul3A_275 = arith.constant 1024 : i32
    %mul3A_276 = arith.muli %add3A_274, %mul3A_275 : i32
    %add3A_277 = arith.constant 0 : i32
    %add3A_278 = arith.addi %mul3A_276, %add3A_277 : i32
    %mul3A_279 = arith.constant 128 : i32
    %mul3A_280 = arith.muli %add3A_278, %mul3A_279 : i32
    %dma_start3A_281 = arith.constant 1536 : i32
    %dma_start3A_282 = tpu.memref_slice %arg4[%dma_start3A_281] : memref<69632xf32, #tpu.memory_space<vmem>> -> memref<65536xf32, #tpu.memory_space<vmem>>
    %dma_start3A_283 = tpu.memref_slice %arg3[%mul3A_280] : memref<134217728xf32, #tpu.memory_space<hbm>> -> memref<65536xf32, #tpu.memory_space<hbm>>
    %dma_start3A_284 = tpu.memref_slice %arg3[%mul3A_280] : memref<134217728xf32, #tpu.memory_space<hbm>> -> memref<65536xf32, #tpu.memory_space<hbm>>
    %dma_start3A_285 = arith.constant 1536 : i32
    %dma_start3A_286 = tpu.memref_slice %arg4[%dma_start3A_285] : memref<69632xf32, #tpu.memory_space<vmem>> -> memref<65536xf32, #tpu.memory_space<vmem>>
    tpu.enqueue_dma source(%dma_start3A_286 : memref<65536xf32, #tpu.memory_space<vmem>>) target(%dma_start3A_284 : memref<65536xf32, #tpu.memory_space<hbm>>) target_semaphore(%arg5 : memref<!tpu.dma_semaphore, #tpu.memory_space<semaphore_mem>>)
    %add3A_287 = arith.constant 20 : i32
    %add3A_288 = arith.addi %mul3A_2, %add3A_287 : i32
    %mul3A_289 = arith.constant 1024 : i32
    %mul3A_290 = arith.muli %add3A_288, %mul3A_289 : i32
    %add3A_291 = arith.constant 0 : i32
    %add3A_292 = arith.addi %mul3A_290, %add3A_291 : i32
    %mul3A_293 = arith.constant 128 : i32
    %mul3A_294 = arith.muli %add3A_292, %mul3A_293 : i32
    %dma_start3A_295 = arith.constant 1408 : i32
    %dma_start3A_296 = tpu.memref_slice %arg4[%dma_start3A_295] : memref<69632xf32, #tpu.memory_space<vmem>> -> memref<65536xf32, #tpu.memory_space<vmem>>
    %dma_start3A_297 = tpu.memref_slice %arg3[%mul3A_294] : memref<134217728xf32, #tpu.memory_space<hbm>> -> memref<65536xf32, #tpu.memory_space<hbm>>
    %dma_start3A_298 = tpu.memref_slice %arg3[%mul3A_294] : memref<134217728xf32, #tpu.memory_space<hbm>> -> memref<65536xf32, #tpu.memory_space<hbm>>
    %dma_start3A_299 = arith.constant 1408 : i32
    %dma_start3A_300 = tpu.memref_slice %arg4[%dma_start3A_299] : memref<69632xf32, #tpu.memory_space<vmem>> -> memref<65536xf32, #tpu.memory_space<vmem>>
    tpu.enqueue_dma source(%dma_start3A_300 : memref<65536xf32, #tpu.memory_space<vmem>>) target(%dma_start3A_298 : memref<65536xf32, #tpu.memory_space<hbm>>) target_semaphore(%arg5 : memref<!tpu.dma_semaphore, #tpu.memory_space<semaphore_mem>>)
    %add3A_301 = arith.constant 21 : i32
    %add3A_302 = arith.addi %mul3A_2, %add3A_301 : i32
    %mul3A_303 = arith.constant 1024 : i32
    %mul3A_304 = arith.muli %add3A_302, %mul3A_303 : i32
    %add3A_305 = arith.constant 0 : i32
    %add3A_306 = arith.addi %mul3A_304, %add3A_305 : i32
    %mul3A_307 = arith.constant 128 : i32
    %mul3A_308 = arith.muli %add3A_306, %mul3A_307 : i32
    %dma_start3A_309 = arith.constant 1280 : i32
    %dma_start3A_310 = tpu.memref_slice %arg4[%dma_start3A_309] : memref<69632xf32, #tpu.memory_space<vmem>> -> memref<65536xf32, #tpu.memory_space<vmem>>
    %dma_start3A_311 = tpu.memref_slice %arg3[%mul3A_308] : memref<134217728xf32, #tpu.memory_space<hbm>> -> memref<65536xf32, #tpu.memory_space<hbm>>
    %dma_start3A_312 = tpu.memref_slice %arg3[%mul3A_308] : memref<134217728xf32, #tpu.memory_space<hbm>> -> memref<65536xf32, #tpu.memory_space<hbm>>
    %dma_start3A_313 = arith.constant 1280 : i32
    %dma_start3A_314 = tpu.memref_slice %arg4[%dma_start3A_313] : memref<69632xf32, #tpu.memory_space<vmem>> -> memref<65536xf32, #tpu.memory_space<vmem>>
    tpu.enqueue_dma source(%dma_start3A_314 : memref<65536xf32, #tpu.memory_space<vmem>>) target(%dma_start3A_312 : memref<65536xf32, #tpu.memory_space<hbm>>) target_semaphore(%arg5 : memref<!tpu.dma_semaphore, #tpu.memory_space<semaphore_mem>>)
    %add3A_315 = arith.constant 22 : i32
    %add3A_316 = arith.addi %mul3A_2, %add3A_315 : i32
    %mul3A_317 = arith.constant 1024 : i32
    %mul3A_318 = arith.muli %add3A_316, %mul3A_317 : i32
    %add3A_319 = arith.constant 0 : i32
    %add3A_320 = arith.addi %mul3A_318, %add3A_319 : i32
    %mul3A_321 = arith.constant 128 : i32
    %mul3A_322 = arith.muli %add3A_320, %mul3A_321 : i32
    %dma_start3A_323 = arith.constant 1152 : i32
    %dma_start3A_324 = tpu.memref_slice %arg4[%dma_start3A_323] : memref<69632xf32, #tpu.memory_space<vmem>> -> memref<65536xf32, #tpu.memory_space<vmem>>
    %dma_start3A_325 = tpu.memref_slice %arg3[%mul3A_322] : memref<134217728xf32, #tpu.memory_space<hbm>> -> memref<65536xf32, #tpu.memory_space<hbm>>
    %dma_start3A_326 = tpu.memref_slice %arg3[%mul3A_322] : memref<134217728xf32, #tpu.memory_space<hbm>> -> memref<65536xf32, #tpu.memory_space<hbm>>
    %dma_start3A_327 = arith.constant 1152 : i32
    %dma_start3A_328 = tpu.memref_slice %arg4[%dma_start3A_327] : memref<69632xf32, #tpu.memory_space<vmem>> -> memref<65536xf32, #tpu.memory_space<vmem>>
    tpu.enqueue_dma source(%dma_start3A_328 : memref<65536xf32, #tpu.memory_space<vmem>>) target(%dma_start3A_326 : memref<65536xf32, #tpu.memory_space<hbm>>) target_semaphore(%arg5 : memref<!tpu.dma_semaphore, #tpu.memory_space<semaphore_mem>>)
    %add3A_329 = arith.constant 23 : i32
    %add3A_330 = arith.addi %mul3A_2, %add3A_329 : i32
    %mul3A_331 = arith.constant 1024 : i32
    %mul3A_332 = arith.muli %add3A_330, %mul3A_331 : i32
    %add3A_333 = arith.constant 0 : i32
    %add3A_334 = arith.addi %mul3A_332, %add3A_333 : i32
    %mul3A_335 = arith.constant 128 : i32
    %mul3A_336 = arith.muli %add3A_334, %mul3A_335 : i32
    %dma_start3A_337 = arith.constant 1024 : i32
    %dma_start3A_338 = tpu.memref_slice %arg4[%dma_start3A_337] : memref<69632xf32, #tpu.memory_space<vmem>> -> memref<65536xf32, #tpu.memory_space<vmem>>
    %dma_start3A_339 = tpu.memref_slice %arg3[%mul3A_336] : memref<134217728xf32, #tpu.memory_space<hbm>> -> memref<65536xf32, #tpu.memory_space<hbm>>
    %dma_start3A_340 = tpu.memref_slice %arg3[%mul3A_336] : memref<134217728xf32, #tpu.memory_space<hbm>> -> memref<65536xf32, #tpu.memory_space<hbm>>
    %dma_start3A_341 = arith.constant 1024 : i32
    %dma_start3A_342 = tpu.memref_slice %arg4[%dma_start3A_341] : memref<69632xf32, #tpu.memory_space<vmem>> -> memref<65536xf32, #tpu.memory_space<vmem>>
    tpu.enqueue_dma source(%dma_start3A_342 : memref<65536xf32, #tpu.memory_space<vmem>>) target(%dma_start3A_340 : memref<65536xf32, #tpu.memory_space<hbm>>) target_semaphore(%arg5 : memref<!tpu.dma_semaphore, #tpu.memory_space<semaphore_mem>>)
    %add3A_343 = arith.constant 24 : i32
    %add3A_344 = arith.addi %mul3A_2, %add3A_343 : i32
    %mul3A_345 = arith.constant 1024 : i32
    %mul3A_346 = arith.muli %add3A_344, %mul3A_345 : i32
    %add3A_347 = arith.constant 0 : i32
    %add3A_348 = arith.addi %mul3A_346, %add3A_347 : i32
    %mul3A_349 = arith.constant 128 : i32
    %mul3A_350 = arith.muli %add3A_348, %mul3A_349 : i32
    %dma_start3A_351 = arith.constant 896 : i32
    %dma_start3A_352 = tpu.memref_slice %arg4[%dma_start3A_351] : memref<69632xf32, #tpu.memory_space<vmem>> -> memref<65536xf32, #tpu.memory_space<vmem>>
    %dma_start3A_353 = tpu.memref_slice %arg3[%mul3A_350] : memref<134217728xf32, #tpu.memory_space<hbm>> -> memref<65536xf32, #tpu.memory_space<hbm>>
    %dma_start3A_354 = tpu.memref_slice %arg3[%mul3A_350] : memref<134217728xf32, #tpu.memory_space<hbm>> -> memref<65536xf32, #tpu.memory_space<hbm>>
    %dma_start3A_355 = arith.constant 896 : i32
    %dma_start3A_356 = tpu.memref_slice %arg4[%dma_start3A_355] : memref<69632xf32, #tpu.memory_space<vmem>> -> memref<65536xf32, #tpu.memory_space<vmem>>
    tpu.enqueue_dma source(%dma_start3A_356 : memref<65536xf32, #tpu.memory_space<vmem>>) target(%dma_start3A_354 : memref<65536xf32, #tpu.memory_space<hbm>>) target_semaphore(%arg5 : memref<!tpu.dma_semaphore, #tpu.memory_space<semaphore_mem>>)
    %add3A_357 = arith.constant 25 : i32
    %add3A_358 = arith.addi %mul3A_2, %add3A_357 : i32
    %mul3A_359 = arith.constant 1024 : i32
    %mul3A_360 = arith.muli %add3A_358, %mul3A_359 : i32
    %add3A_361 = arith.constant 0 : i32
    %add3A_362 = arith.addi %mul3A_360, %add3A_361 : i32
    %mul3A_363 = arith.constant 128 : i32
    %mul3A_364 = arith.muli %add3A_362, %mul3A_363 : i32
    %dma_start3A_365 = arith.constant 768 : i32
    %dma_start3A_366 = tpu.memref_slice %arg4[%dma_start3A_365] : memref<69632xf32, #tpu.memory_space<vmem>> -> memref<65536xf32, #tpu.memory_space<vmem>>
    %dma_start3A_367 = tpu.memref_slice %arg3[%mul3A_364] : memref<134217728xf32, #tpu.memory_space<hbm>> -> memref<65536xf32, #tpu.memory_space<hbm>>
    %dma_start3A_368 = tpu.memref_slice %arg3[%mul3A_364] : memref<134217728xf32, #tpu.memory_space<hbm>> -> memref<65536xf32, #tpu.memory_space<hbm>>
    %dma_start3A_369 = arith.constant 768 : i32
    %dma_start3A_370 = tpu.memref_slice %arg4[%dma_start3A_369] : memref<69632xf32, #tpu.memory_space<vmem>> -> memref<65536xf32, #tpu.memory_space<vmem>>
    tpu.enqueue_dma source(%dma_start3A_370 : memref<65536xf32, #tpu.memory_space<vmem>>) target(%dma_start3A_368 : memref<65536xf32, #tpu.memory_space<hbm>>) target_semaphore(%arg5 : memref<!tpu.dma_semaphore, #tpu.memory_space<semaphore_mem>>)
    %add3A_371 = arith.constant 26 : i32
    %add3A_372 = arith.addi %mul3A_2, %add3A_371 : i32
    %mul3A_373 = arith.constant 1024 : i32
    %mul3A_374 = arith.muli %add3A_372, %mul3A_373 : i32
    %add3A_375 = arith.constant 0 : i32
    %add3A_376 = arith.addi %mul3A_374, %add3A_375 : i32
    %mul3A_377 = arith.constant 128 : i32
    %mul3A_378 = arith.muli %add3A_376, %mul3A_377 : i32
    %dma_start3A_379 = arith.constant 640 : i32
    %dma_start3A_380 = tpu.memref_slice %arg4[%dma_start3A_379] : memref<69632xf32, #tpu.memory_space<vmem>> -> memref<65536xf32, #tpu.memory_space<vmem>>
    %dma_start3A_381 = tpu.memref_slice %arg3[%mul3A_378] : memref<134217728xf32, #tpu.memory_space<hbm>> -> memref<65536xf32, #tpu.memory_space<hbm>>
    %dma_start3A_382 = tpu.memref_slice %arg3[%mul3A_378] : memref<134217728xf32, #tpu.memory_space<hbm>> -> memref<65536xf32, #tpu.memory_space<hbm>>
    %dma_start3A_383 = arith.constant 640 : i32
    %dma_start3A_384 = tpu.memref_slice %arg4[%dma_start3A_383] : memref<69632xf32, #tpu.memory_space<vmem>> -> memref<65536xf32, #tpu.memory_space<vmem>>
    tpu.enqueue_dma source(%dma_start3A_384 : memref<65536xf32, #tpu.memory_space<vmem>>) target(%dma_start3A_382 : memref<65536xf32, #tpu.memory_space<hbm>>) target_semaphore(%arg5 : memref<!tpu.dma_semaphore, #tpu.memory_space<semaphore_mem>>)
    %add3A_385 = arith.constant 27 : i32
    %add3A_386 = arith.addi %mul3A_2, %add3A_385 : i32
    %mul3A_387 = arith.constant 1024 : i32
    %mul3A_388 = arith.muli %add3A_386, %mul3A_387 : i32
    %add3A_389 = arith.constant 0 : i32
    %add3A_390 = arith.addi %mul3A_388, %add3A_389 : i32
    %mul3A_391 = arith.constant 128 : i32
    %mul3A_392 = arith.muli %add3A_390, %mul3A_391 : i32
    %dma_start3A_393 = arith.constant 512 : i32
    %dma_start3A_394 = tpu.memref_slice %arg4[%dma_start3A_393] : memref<69632xf32, #tpu.memory_space<vmem>> -> memref<65536xf32, #tpu.memory_space<vmem>>
    %dma_start3A_395 = tpu.memref_slice %arg3[%mul3A_392] : memref<134217728xf32, #tpu.memory_space<hbm>> -> memref<65536xf32, #tpu.memory_space<hbm>>
    %dma_start3A_396 = tpu.memref_slice %arg3[%mul3A_392] : memref<134217728xf32, #tpu.memory_space<hbm>> -> memref<65536xf32, #tpu.memory_space<hbm>>
    %dma_start3A_397 = arith.constant 512 : i32
    %dma_start3A_398 = tpu.memref_slice %arg4[%dma_start3A_397] : memref<69632xf32, #tpu.memory_space<vmem>> -> memref<65536xf32, #tpu.memory_space<vmem>>
    tpu.enqueue_dma source(%dma_start3A_398 : memref<65536xf32, #tpu.memory_space<vmem>>) target(%dma_start3A_396 : memref<65536xf32, #tpu.memory_space<hbm>>) target_semaphore(%arg5 : memref<!tpu.dma_semaphore, #tpu.memory_space<semaphore_mem>>)
    %add3A_399 = arith.constant 28 : i32
    %add3A_400 = arith.addi %mul3A_2, %add3A_399 : i32
    %mul3A_401 = arith.constant 1024 : i32
    %mul3A_402 = arith.muli %add3A_400, %mul3A_401 : i32
    %add3A_403 = arith.constant 0 : i32
    %add3A_404 = arith.addi %mul3A_402, %add3A_403 : i32
    %mul3A_405 = arith.constant 128 : i32
    %mul3A_406 = arith.muli %add3A_404, %mul3A_405 : i32
    %dma_start3A_407 = arith.constant 384 : i32
    %dma_start3A_408 = tpu.memref_slice %arg4[%dma_start3A_407] : memref<69632xf32, #tpu.memory_space<vmem>> -> memref<65536xf32, #tpu.memory_space<vmem>>
    %dma_start3A_409 = tpu.memref_slice %arg3[%mul3A_406] : memref<134217728xf32, #tpu.memory_space<hbm>> -> memref<65536xf32, #tpu.memory_space<hbm>>
    %dma_start3A_410 = tpu.memref_slice %arg3[%mul3A_406] : memref<134217728xf32, #tpu.memory_space<hbm>> -> memref<65536xf32, #tpu.memory_space<hbm>>
    %dma_start3A_411 = arith.constant 384 : i32
    %dma_start3A_412 = tpu.memref_slice %arg4[%dma_start3A_411] : memref<69632xf32, #tpu.memory_space<vmem>> -> memref<65536xf32, #tpu.memory_space<vmem>>
    tpu.enqueue_dma source(%dma_start3A_412 : memref<65536xf32, #tpu.memory_space<vmem>>) target(%dma_start3A_410 : memref<65536xf32, #tpu.memory_space<hbm>>) target_semaphore(%arg5 : memref<!tpu.dma_semaphore, #tpu.memory_space<semaphore_mem>>)
    %add3A_413 = arith.constant 29 : i32
    %add3A_414 = arith.addi %mul3A_2, %add3A_413 : i32
    %mul3A_415 = arith.constant 1024 : i32
    %mul3A_416 = arith.muli %add3A_414, %mul3A_415 : i32
    %add3A_417 = arith.constant 0 : i32
    %add3A_418 = arith.addi %mul3A_416, %add3A_417 : i32
    %mul3A_419 = arith.constant 128 : i32
    %mul3A_420 = arith.muli %add3A_418, %mul3A_419 : i32
    %dma_start3A_421 = arith.constant 256 : i32
    %dma_start3A_422 = tpu.memref_slice %arg4[%dma_start3A_421] : memref<69632xf32, #tpu.memory_space<vmem>> -> memref<65536xf32, #tpu.memory_space<vmem>>
    %dma_start3A_423 = tpu.memref_slice %arg3[%mul3A_420] : memref<134217728xf32, #tpu.memory_space<hbm>> -> memref<65536xf32, #tpu.memory_space<hbm>>
    %dma_start3A_424 = tpu.memref_slice %arg3[%mul3A_420] : memref<134217728xf32, #tpu.memory_space<hbm>> -> memref<65536xf32, #tpu.memory_space<hbm>>
    %dma_start3A_425 = arith.constant 256 : i32
    %dma_start3A_426 = tpu.memref_slice %arg4[%dma_start3A_425] : memref<69632xf32, #tpu.memory_space<vmem>> -> memref<65536xf32, #tpu.memory_space<vmem>>
    tpu.enqueue_dma source(%dma_start3A_426 : memref<65536xf32, #tpu.memory_space<vmem>>) target(%dma_start3A_424 : memref<65536xf32, #tpu.memory_space<hbm>>) target_semaphore(%arg5 : memref<!tpu.dma_semaphore, #tpu.memory_space<semaphore_mem>>)
    %add3A_427 = arith.constant 30 : i32
    %add3A_428 = arith.addi %mul3A_2, %add3A_427 : i32
    %mul3A_429 = arith.constant 1024 : i32
    %mul3A_430 = arith.muli %add3A_428, %mul3A_429 : i32
    %add3A_431 = arith.constant 0 : i32
    %add3A_432 = arith.addi %mul3A_430, %add3A_431 : i32
    %mul3A_433 = arith.constant 128 : i32
    %mul3A_434 = arith.muli %add3A_432, %mul3A_433 : i32
    %dma_start3A_435 = arith.constant 128 : i32
    %dma_start3A_436 = tpu.memref_slice %arg4[%dma_start3A_435] : memref<69632xf32, #tpu.memory_space<vmem>> -> memref<65536xf32, #tpu.memory_space<vmem>>
    %dma_start3A_437 = tpu.memref_slice %arg3[%mul3A_434] : memref<134217728xf32, #tpu.memory_space<hbm>> -> memref<65536xf32, #tpu.memory_space<hbm>>
    %dma_start3A_438 = tpu.memref_slice %arg3[%mul3A_434] : memref<134217728xf32, #tpu.memory_space<hbm>> -> memref<65536xf32, #tpu.memory_space<hbm>>
    %dma_start3A_439 = arith.constant 128 : i32
    %dma_start3A_440 = tpu.memref_slice %arg4[%dma_start3A_439] : memref<69632xf32, #tpu.memory_space<vmem>> -> memref<65536xf32, #tpu.memory_space<vmem>>
    tpu.enqueue_dma source(%dma_start3A_440 : memref<65536xf32, #tpu.memory_space<vmem>>) target(%dma_start3A_438 : memref<65536xf32, #tpu.memory_space<hbm>>) target_semaphore(%arg5 : memref<!tpu.dma_semaphore, #tpu.memory_space<semaphore_mem>>)
    %add3A_441 = arith.constant 31 : i32
    %add3A_442 = arith.addi %mul3A_2, %add3A_441 : i32
    %mul3A_443 = arith.constant 1024 : i32
    %mul3A_444 = arith.muli %add3A_442, %mul3A_443 : i32
    %add3A_445 = arith.constant 0 : i32
    %add3A_446 = arith.addi %mul3A_444, %add3A_445 : i32
    %mul3A_447 = arith.constant 128 : i32
    %mul3A_448 = arith.muli %add3A_446, %mul3A_447 : i32
    %dma_start3A_449 = arith.constant 0 : i32
    %dma_start3A_450 = tpu.memref_slice %arg4[%dma_start3A_449] : memref<69632xf32, #tpu.memory_space<vmem>> -> memref<65536xf32, #tpu.memory_space<vmem>>
    %dma_start3A_451 = tpu.memref_slice %arg3[%mul3A_448] : memref<134217728xf32, #tpu.memory_space<hbm>> -> memref<65536xf32, #tpu.memory_space<hbm>>
    %dma_start3A_452 = tpu.memref_slice %arg3[%mul3A_448] : memref<134217728xf32, #tpu.memory_space<hbm>> -> memref<65536xf32, #tpu.memory_space<hbm>>
    %dma_start3A_453 = arith.constant 0 : i32
    %dma_start3A_454 = tpu.memref_slice %arg4[%dma_start3A_453] : memref<69632xf32, #tpu.memory_space<vmem>> -> memref<65536xf32, #tpu.memory_space<vmem>>
    tpu.enqueue_dma source(%dma_start3A_454 : memref<65536xf32, #tpu.memory_space<vmem>>) target(%dma_start3A_452 : memref<65536xf32, #tpu.memory_space<hbm>>) target_semaphore(%arg5 : memref<!tpu.dma_semaphore, #tpu.memory_space<semaphore_mem>>)
    %dma_wait3A = arith.constant 3968 : i32
    %dma_wait3A_455 = tpu.memref_slice %arg4[%dma_wait3A] : memref<69632xf32, #tpu.memory_space<vmem>> -> memref<65536xf32, #tpu.memory_space<vmem>>
    %dma_wait3A_456 = tpu.memref_slice %arg3[%mul3A_15] : memref<134217728xf32, #tpu.memory_space<hbm>> -> memref<65536xf32, #tpu.memory_space<hbm>>
    %dma_wait3A_457 = tpu.memref_slice %arg3[%mul3A_15] : memref<134217728xf32, #tpu.memory_space<hbm>> -> memref<65536xf32, #tpu.memory_space<hbm>>
    %dma_wait3A_458 = arith.constant 3968 : i32
    %dma_wait3A_459 = tpu.memref_slice %arg4[%dma_wait3A_458] : memref<69632xf32, #tpu.memory_space<vmem>> -> memref<65536xf32, #tpu.memory_space<vmem>>
    tpu.wait_dma2 semaphore(%arg5 : memref<!tpu.dma_semaphore, #tpu.memory_space<semaphore_mem>>) src(%dma_wait3A_459 : memref<65536xf32, #tpu.memory_space<vmem>>) dst(%dma_wait3A_457 : memref<65536xf32, #tpu.memory_space<hbm>>)
    %dma_wait3A_460 = arith.constant 3840 : i32
    %dma_wait3A_461 = tpu.memref_slice %arg4[%dma_wait3A_460] : memref<69632xf32, #tpu.memory_space<vmem>> -> memref<65536xf32, #tpu.memory_space<vmem>>
    %dma_wait3A_462 = tpu.memref_slice %arg3[%mul3A_28] : memref<134217728xf32, #tpu.memory_space<hbm>> -> memref<65536xf32, #tpu.memory_space<hbm>>
    %dma_wait3A_463 = tpu.memref_slice %arg3[%mul3A_28] : memref<134217728xf32, #tpu.memory_space<hbm>> -> memref<65536xf32, #tpu.memory_space<hbm>>
    %dma_wait3A_464 = arith.constant 3840 : i32
    %dma_wait3A_465 = tpu.memref_slice %arg4[%dma_wait3A_464] : memref<69632xf32, #tpu.memory_space<vmem>> -> memref<65536xf32, #tpu.memory_space<vmem>>
    tpu.wait_dma2 semaphore(%arg5 : memref<!tpu.dma_semaphore, #tpu.memory_space<semaphore_mem>>) src(%dma_wait3A_465 : memref<65536xf32, #tpu.memory_space<vmem>>) dst(%dma_wait3A_463 : memref<65536xf32, #tpu.memory_space<hbm>>)
    %dma_wait3A_466 = arith.constant 3712 : i32
    %dma_wait3A_467 = tpu.memref_slice %arg4[%dma_wait3A_466] : memref<69632xf32, #tpu.memory_space<vmem>> -> memref<65536xf32, #tpu.memory_space<vmem>>
    %dma_wait3A_468 = tpu.memref_slice %arg3[%mul3A_42] : memref<134217728xf32, #tpu.memory_space<hbm>> -> memref<65536xf32, #tpu.memory_space<hbm>>
    %dma_wait3A_469 = tpu.memref_slice %arg3[%mul3A_42] : memref<134217728xf32, #tpu.memory_space<hbm>> -> memref<65536xf32, #tpu.memory_space<hbm>>
    %dma_wait3A_470 = arith.constant 3712 : i32
    %dma_wait3A_471 = tpu.memref_slice %arg4[%dma_wait3A_470] : memref<69632xf32, #tpu.memory_space<vmem>> -> memref<65536xf32, #tpu.memory_space<vmem>>
    tpu.wait_dma2 semaphore(%arg5 : memref<!tpu.dma_semaphore, #tpu.memory_space<semaphore_mem>>) src(%dma_wait3A_471 : memref<65536xf32, #tpu.memory_space<vmem>>) dst(%dma_wait3A_469 : memref<65536xf32, #tpu.memory_space<hbm>>)
    %dma_wait3A_472 = arith.constant 3584 : i32
    %dma_wait3A_473 = tpu.memref_slice %arg4[%dma_wait3A_472] : memref<69632xf32, #tpu.memory_space<vmem>> -> memref<65536xf32, #tpu.memory_space<vmem>>
    %dma_wait3A_474 = tpu.memref_slice %arg3[%mul3A_56] : memref<134217728xf32, #tpu.memory_space<hbm>> -> memref<65536xf32, #tpu.memory_space<hbm>>
    %dma_wait3A_475 = tpu.memref_slice %arg3[%mul3A_56] : memref<134217728xf32, #tpu.memory_space<hbm>> -> memref<65536xf32, #tpu.memory_space<hbm>>
    %dma_wait3A_476 = arith.constant 3584 : i32
    %dma_wait3A_477 = tpu.memref_slice %arg4[%dma_wait3A_476] : memref<69632xf32, #tpu.memory_space<vmem>> -> memref<65536xf32, #tpu.memory_space<vmem>>
    tpu.wait_dma2 semaphore(%arg5 : memref<!tpu.dma_semaphore, #tpu.memory_space<semaphore_mem>>) src(%dma_wait3A_477 : memref<65536xf32, #tpu.memory_space<vmem>>) dst(%dma_wait3A_475 : memref<65536xf32, #tpu.memory_space<hbm>>)
    %dma_wait3A_478 = arith.constant 3456 : i32
    %dma_wait3A_479 = tpu.memref_slice %arg4[%dma_wait3A_478] : memref<69632xf32, #tpu.memory_space<vmem>> -> memref<65536xf32, #tpu.memory_space<vmem>>
    %dma_wait3A_480 = tpu.memref_slice %arg3[%mul3A_70] : memref<134217728xf32, #tpu.memory_space<hbm>> -> memref<65536xf32, #tpu.memory_space<hbm>>
    %dma_wait3A_481 = tpu.memref_slice %arg3[%mul3A_70] : memref<134217728xf32, #tpu.memory_space<hbm>> -> memref<65536xf32, #tpu.memory_space<hbm>>
    %dma_wait3A_482 = arith.constant 3456 : i32
    %dma_wait3A_483 = tpu.memref_slice %arg4[%dma_wait3A_482] : memref<69632xf32, #tpu.memory_space<vmem>> -> memref<65536xf32, #tpu.memory_space<vmem>>
    tpu.wait_dma2 semaphore(%arg5 : memref<!tpu.dma_semaphore, #tpu.memory_space<semaphore_mem>>) src(%dma_wait3A_483 : memref<65536xf32, #tpu.memory_space<vmem>>) dst(%dma_wait3A_481 : memref<65536xf32, #tpu.memory_space<hbm>>)
    %dma_wait3A_484 = arith.constant 3328 : i32
    %dma_wait3A_485 = tpu.memref_slice %arg4[%dma_wait3A_484] : memref<69632xf32, #tpu.memory_space<vmem>> -> memref<65536xf32, #tpu.memory_space<vmem>>
    %dma_wait3A_486 = tpu.memref_slice %arg3[%mul3A_84] : memref<134217728xf32, #tpu.memory_space<hbm>> -> memref<65536xf32, #tpu.memory_space<hbm>>
    %dma_wait3A_487 = tpu.memref_slice %arg3[%mul3A_84] : memref<134217728xf32, #tpu.memory_space<hbm>> -> memref<65536xf32, #tpu.memory_space<hbm>>
    %dma_wait3A_488 = arith.constant 3328 : i32
    %dma_wait3A_489 = tpu.memref_slice %arg4[%dma_wait3A_488] : memref<69632xf32, #tpu.memory_space<vmem>> -> memref<65536xf32, #tpu.memory_space<vmem>>
    tpu.wait_dma2 semaphore(%arg5 : memref<!tpu.dma_semaphore, #tpu.memory_space<semaphore_mem>>) src(%dma_wait3A_489 : memref<65536xf32, #tpu.memory_space<vmem>>) dst(%dma_wait3A_487 : memref<65536xf32, #tpu.memory_space<hbm>>)
    %dma_wait3A_490 = arith.constant 3200 : i32
    %dma_wait3A_491 = tpu.memref_slice %arg4[%dma_wait3A_490] : memref<69632xf32, #tpu.memory_space<vmem>> -> memref<65536xf32, #tpu.memory_space<vmem>>
    %dma_wait3A_492 = tpu.memref_slice %arg3[%mul3A_98] : memref<134217728xf32, #tpu.memory_space<hbm>> -> memref<65536xf32, #tpu.memory_space<hbm>>
    %dma_wait3A_493 = tpu.memref_slice %arg3[%mul3A_98] : memref<134217728xf32, #tpu.memory_space<hbm>> -> memref<65536xf32, #tpu.memory_space<hbm>>
    %dma_wait3A_494 = arith.constant 3200 : i32
    %dma_wait3A_495 = tpu.memref_slice %arg4[%dma_wait3A_494] : memref<69632xf32, #tpu.memory_space<vmem>> -> memref<65536xf32, #tpu.memory_space<vmem>>
    tpu.wait_dma2 semaphore(%arg5 : memref<!tpu.dma_semaphore, #tpu.memory_space<semaphore_mem>>) src(%dma_wait3A_495 : memref<65536xf32, #tpu.memory_space<vmem>>) dst(%dma_wait3A_493 : memref<65536xf32, #tpu.memory_space<hbm>>)
    %dma_wait3A_496 = arith.constant 3072 : i32
    %dma_wait3A_497 = tpu.memref_slice %arg4[%dma_wait3A_496] : memref<69632xf32, #tpu.memory_space<vmem>> -> memref<65536xf32, #tpu.memory_space<vmem>>
    %dma_wait3A_498 = tpu.memref_slice %arg3[%mul3A_112] : memref<134217728xf32, #tpu.memory_space<hbm>> -> memref<65536xf32, #tpu.memory_space<hbm>>
    %dma_wait3A_499 = tpu.memref_slice %arg3[%mul3A_112] : memref<134217728xf32, #tpu.memory_space<hbm>> -> memref<65536xf32, #tpu.memory_space<hbm>>
    %dma_wait3A_500 = arith.constant 3072 : i32
    %dma_wait3A_501 = tpu.memref_slice %arg4[%dma_wait3A_500] : memref<69632xf32, #tpu.memory_space<vmem>> -> memref<65536xf32, #tpu.memory_space<vmem>>
    tpu.wait_dma2 semaphore(%arg5 : memref<!tpu.dma_semaphore, #tpu.memory_space<semaphore_mem>>) src(%dma_wait3A_501 : memref<65536xf32, #tpu.memory_space<vmem>>) dst(%dma_wait3A_499 : memref<65536xf32, #tpu.memory_space<hbm>>)
    %dma_wait3A_502 = arith.constant 2944 : i32
    %dma_wait3A_503 = tpu.memref_slice %arg4[%dma_wait3A_502] : memref<69632xf32, #tpu.memory_space<vmem>> -> memref<65536xf32, #tpu.memory_space<vmem>>
    %dma_wait3A_504 = tpu.memref_slice %arg3[%mul3A_126] : memref<134217728xf32, #tpu.memory_space<hbm>> -> memref<65536xf32, #tpu.memory_space<hbm>>
    %dma_wait3A_505 = tpu.memref_slice %arg3[%mul3A_126] : memref<134217728xf32, #tpu.memory_space<hbm>> -> memref<65536xf32, #tpu.memory_space<hbm>>
    %dma_wait3A_506 = arith.constant 2944 : i32
    %dma_wait3A_507 = tpu.memref_slice %arg4[%dma_wait3A_506] : memref<69632xf32, #tpu.memory_space<vmem>> -> memref<65536xf32, #tpu.memory_space<vmem>>
    tpu.wait_dma2 semaphore(%arg5 : memref<!tpu.dma_semaphore, #tpu.memory_space<semaphore_mem>>) src(%dma_wait3A_507 : memref<65536xf32, #tpu.memory_space<vmem>>) dst(%dma_wait3A_505 : memref<65536xf32, #tpu.memory_space<hbm>>)
    %dma_wait3A_508 = arith.constant 2816 : i32
    %dma_wait3A_509 = tpu.memref_slice %arg4[%dma_wait3A_508] : memref<69632xf32, #tpu.memory_space<vmem>> -> memref<65536xf32, #tpu.memory_space<vmem>>
    %dma_wait3A_510 = tpu.memref_slice %arg3[%mul3A_140] : memref<134217728xf32, #tpu.memory_space<hbm>> -> memref<65536xf32, #tpu.memory_space<hbm>>
    %dma_wait3A_511 = tpu.memref_slice %arg3[%mul3A_140] : memref<134217728xf32, #tpu.memory_space<hbm>> -> memref<65536xf32, #tpu.memory_space<hbm>>
    %dma_wait3A_512 = arith.constant 2816 : i32
    %dma_wait3A_513 = tpu.memref_slice %arg4[%dma_wait3A_512] : memref<69632xf32, #tpu.memory_space<vmem>> -> memref<65536xf32, #tpu.memory_space<vmem>>
    tpu.wait_dma2 semaphore(%arg5 : memref<!tpu.dma_semaphore, #tpu.memory_space<semaphore_mem>>) src(%dma_wait3A_513 : memref<65536xf32, #tpu.memory_space<vmem>>) dst(%dma_wait3A_511 : memref<65536xf32, #tpu.memory_space<hbm>>)
    %dma_wait3A_514 = arith.constant 2688 : i32
    %dma_wait3A_515 = tpu.memref_slice %arg4[%dma_wait3A_514] : memref<69632xf32, #tpu.memory_space<vmem>> -> memref<65536xf32, #tpu.memory_space<vmem>>
    %dma_wait3A_516 = tpu.memref_slice %arg3[%mul3A_154] : memref<134217728xf32, #tpu.memory_space<hbm>> -> memref<65536xf32, #tpu.memory_space<hbm>>
    %dma_wait3A_517 = tpu.memref_slice %arg3[%mul3A_154] : memref<134217728xf32, #tpu.memory_space<hbm>> -> memref<65536xf32, #tpu.memory_space<hbm>>
    %dma_wait3A_518 = arith.constant 2688 : i32
    %dma_wait3A_519 = tpu.memref_slice %arg4[%dma_wait3A_518] : memref<69632xf32, #tpu.memory_space<vmem>> -> memref<65536xf32, #tpu.memory_space<vmem>>
    tpu.wait_dma2 semaphore(%arg5 : memref<!tpu.dma_semaphore, #tpu.memory_space<semaphore_mem>>) src(%dma_wait3A_519 : memref<65536xf32, #tpu.memory_space<vmem>>) dst(%dma_wait3A_517 : memref<65536xf32, #tpu.memory_space<hbm>>)
    %dma_wait3A_520 = arith.constant 2560 : i32
    %dma_wait3A_521 = tpu.memref_slice %arg4[%dma_wait3A_520] : memref<69632xf32, #tpu.memory_space<vmem>> -> memref<65536xf32, #tpu.memory_space<vmem>>
    %dma_wait3A_522 = tpu.memref_slice %arg3[%mul3A_168] : memref<134217728xf32, #tpu.memory_space<hbm>> -> memref<65536xf32, #tpu.memory_space<hbm>>
    %dma_wait3A_523 = tpu.memref_slice %arg3[%mul3A_168] : memref<134217728xf32, #tpu.memory_space<hbm>> -> memref<65536xf32, #tpu.memory_space<hbm>>
    %dma_wait3A_524 = arith.constant 2560 : i32
    %dma_wait3A_525 = tpu.memref_slice %arg4[%dma_wait3A_524] : memref<69632xf32, #tpu.memory_space<vmem>> -> memref<65536xf32, #tpu.memory_space<vmem>>
    tpu.wait_dma2 semaphore(%arg5 : memref<!tpu.dma_semaphore, #tpu.memory_space<semaphore_mem>>) src(%dma_wait3A_525 : memref<65536xf32, #tpu.memory_space<vmem>>) dst(%dma_wait3A_523 : memref<65536xf32, #tpu.memory_space<hbm>>)
    %dma_wait3A_526 = arith.constant 2432 : i32
    %dma_wait3A_527 = tpu.memref_slice %arg4[%dma_wait3A_526] : memref<69632xf32, #tpu.memory_space<vmem>> -> memref<65536xf32, #tpu.memory_space<vmem>>
    %dma_wait3A_528 = tpu.memref_slice %arg3[%mul3A_182] : memref<134217728xf32, #tpu.memory_space<hbm>> -> memref<65536xf32, #tpu.memory_space<hbm>>
    %dma_wait3A_529 = tpu.memref_slice %arg3[%mul3A_182] : memref<134217728xf32, #tpu.memory_space<hbm>> -> memref<65536xf32, #tpu.memory_space<hbm>>
    %dma_wait3A_530 = arith.constant 2432 : i32
    %dma_wait3A_531 = tpu.memref_slice %arg4[%dma_wait3A_530] : memref<69632xf32, #tpu.memory_space<vmem>> -> memref<65536xf32, #tpu.memory_space<vmem>>
    tpu.wait_dma2 semaphore(%arg5 : memref<!tpu.dma_semaphore, #tpu.memory_space<semaphore_mem>>) src(%dma_wait3A_531 : memref<65536xf32, #tpu.memory_space<vmem>>) dst(%dma_wait3A_529 : memref<65536xf32, #tpu.memory_space<hbm>>)
    %dma_wait3A_532 = arith.constant 2304 : i32
    %dma_wait3A_533 = tpu.memref_slice %arg4[%dma_wait3A_532] : memref<69632xf32, #tpu.memory_space<vmem>> -> memref<65536xf32, #tpu.memory_space<vmem>>
    %dma_wait3A_534 = tpu.memref_slice %arg3[%mul3A_196] : memref<134217728xf32, #tpu.memory_space<hbm>> -> memref<65536xf32, #tpu.memory_space<hbm>>
    %dma_wait3A_535 = tpu.memref_slice %arg3[%mul3A_196] : memref<134217728xf32, #tpu.memory_space<hbm>> -> memref<65536xf32, #tpu.memory_space<hbm>>
    %dma_wait3A_536 = arith.constant 2304 : i32
    %dma_wait3A_537 = tpu.memref_slice %arg4[%dma_wait3A_536] : memref<69632xf32, #tpu.memory_space<vmem>> -> memref<65536xf32, #tpu.memory_space<vmem>>
    tpu.wait_dma2 semaphore(%arg5 : memref<!tpu.dma_semaphore, #tpu.memory_space<semaphore_mem>>) src(%dma_wait3A_537 : memref<65536xf32, #tpu.memory_space<vmem>>) dst(%dma_wait3A_535 : memref<65536xf32, #tpu.memory_space<hbm>>)
    %dma_wait3A_538 = arith.constant 2176 : i32
    %dma_wait3A_539 = tpu.memref_slice %arg4[%dma_wait3A_538] : memref<69632xf32, #tpu.memory_space<vmem>> -> memref<65536xf32, #tpu.memory_space<vmem>>
    %dma_wait3A_540 = tpu.memref_slice %arg3[%mul3A_210] : memref<134217728xf32, #tpu.memory_space<hbm>> -> memref<65536xf32, #tpu.memory_space<hbm>>
    %dma_wait3A_541 = tpu.memref_slice %arg3[%mul3A_210] : memref<134217728xf32, #tpu.memory_space<hbm>> -> memref<65536xf32, #tpu.memory_space<hbm>>
    %dma_wait3A_542 = arith.constant 2176 : i32
    %dma_wait3A_543 = tpu.memref_slice %arg4[%dma_wait3A_542] : memref<69632xf32, #tpu.memory_space<vmem>> -> memref<65536xf32, #tpu.memory_space<vmem>>
    tpu.wait_dma2 semaphore(%arg5 : memref<!tpu.dma_semaphore, #tpu.memory_space<semaphore_mem>>) src(%dma_wait3A_543 : memref<65536xf32, #tpu.memory_space<vmem>>) dst(%dma_wait3A_541 : memref<65536xf32, #tpu.memory_space<hbm>>)
    %dma_wait3A_544 = arith.constant 2048 : i32
    %dma_wait3A_545 = tpu.memref_slice %arg4[%dma_wait3A_544] : memref<69632xf32, #tpu.memory_space<vmem>> -> memref<65536xf32, #tpu.memory_space<vmem>>
    %dma_wait3A_546 = tpu.memref_slice %arg3[%mul3A_224] : memref<134217728xf32, #tpu.memory_space<hbm>> -> memref<65536xf32, #tpu.memory_space<hbm>>
    %dma_wait3A_547 = tpu.memref_slice %arg3[%mul3A_224] : memref<134217728xf32, #tpu.memory_space<hbm>> -> memref<65536xf32, #tpu.memory_space<hbm>>
    %dma_wait3A_548 = arith.constant 2048 : i32
    %dma_wait3A_549 = tpu.memref_slice %arg4[%dma_wait3A_548] : memref<69632xf32, #tpu.memory_space<vmem>> -> memref<65536xf32, #tpu.memory_space<vmem>>
    tpu.wait_dma2 semaphore(%arg5 : memref<!tpu.dma_semaphore, #tpu.memory_space<semaphore_mem>>) src(%dma_wait3A_549 : memref<65536xf32, #tpu.memory_space<vmem>>) dst(%dma_wait3A_547 : memref<65536xf32, #tpu.memory_space<hbm>>)
    %dma_wait3A_550 = arith.constant 1920 : i32
    %dma_wait3A_551 = tpu.memref_slice %arg4[%dma_wait3A_550] : memref<69632xf32, #tpu.memory_space<vmem>> -> memref<65536xf32, #tpu.memory_space<vmem>>
    %dma_wait3A_552 = tpu.memref_slice %arg3[%mul3A_238] : memref<134217728xf32, #tpu.memory_space<hbm>> -> memref<65536xf32, #tpu.memory_space<hbm>>
    %dma_wait3A_553 = tpu.memref_slice %arg3[%mul3A_238] : memref<134217728xf32, #tpu.memory_space<hbm>> -> memref<65536xf32, #tpu.memory_space<hbm>>
    %dma_wait3A_554 = arith.constant 1920 : i32
    %dma_wait3A_555 = tpu.memref_slice %arg4[%dma_wait3A_554] : memref<69632xf32, #tpu.memory_space<vmem>> -> memref<65536xf32, #tpu.memory_space<vmem>>
    tpu.wait_dma2 semaphore(%arg5 : memref<!tpu.dma_semaphore, #tpu.memory_space<semaphore_mem>>) src(%dma_wait3A_555 : memref<65536xf32, #tpu.memory_space<vmem>>) dst(%dma_wait3A_553 : memref<65536xf32, #tpu.memory_space<hbm>>)
    %dma_wait3A_556 = arith.constant 1792 : i32
    %dma_wait3A_557 = tpu.memref_slice %arg4[%dma_wait3A_556] : memref<69632xf32, #tpu.memory_space<vmem>> -> memref<65536xf32, #tpu.memory_space<vmem>>
    %dma_wait3A_558 = tpu.memref_slice %arg3[%mul3A_252] : memref<134217728xf32, #tpu.memory_space<hbm>> -> memref<65536xf32, #tpu.memory_space<hbm>>
    %dma_wait3A_559 = tpu.memref_slice %arg3[%mul3A_252] : memref<134217728xf32, #tpu.memory_space<hbm>> -> memref<65536xf32, #tpu.memory_space<hbm>>
    %dma_wait3A_560 = arith.constant 1792 : i32
    %dma_wait3A_561 = tpu.memref_slice %arg4[%dma_wait3A_560] : memref<69632xf32, #tpu.memory_space<vmem>> -> memref<65536xf32, #tpu.memory_space<vmem>>
    tpu.wait_dma2 semaphore(%arg5 : memref<!tpu.dma_semaphore, #tpu.memory_space<semaphore_mem>>) src(%dma_wait3A_561 : memref<65536xf32, #tpu.memory_space<vmem>>) dst(%dma_wait3A_559 : memref<65536xf32, #tpu.memory_space<hbm>>)
    %dma_wait3A_562 = arith.constant 1664 : i32
    %dma_wait3A_563 = tpu.memref_slice %arg4[%dma_wait3A_562] : memref<69632xf32, #tpu.memory_space<vmem>> -> memref<65536xf32, #tpu.memory_space<vmem>>
    %dma_wait3A_564 = tpu.memref_slice %arg3[%mul3A_266] : memref<134217728xf32, #tpu.memory_space<hbm>> -> memref<65536xf32, #tpu.memory_space<hbm>>
    %dma_wait3A_565 = tpu.memref_slice %arg3[%mul3A_266] : memref<134217728xf32, #tpu.memory_space<hbm>> -> memref<65536xf32, #tpu.memory_space<hbm>>
    %dma_wait3A_566 = arith.constant 1664 : i32
    %dma_wait3A_567 = tpu.memref_slice %arg4[%dma_wait3A_566] : memref<69632xf32, #tpu.memory_space<vmem>> -> memref<65536xf32, #tpu.memory_space<vmem>>
    tpu.wait_dma2 semaphore(%arg5 : memref<!tpu.dma_semaphore, #tpu.memory_space<semaphore_mem>>) src(%dma_wait3A_567 : memref<65536xf32, #tpu.memory_space<vmem>>) dst(%dma_wait3A_565 : memref<65536xf32, #tpu.memory_space<hbm>>)
    %dma_wait3A_568 = arith.constant 1536 : i32
    %dma_wait3A_569 = tpu.memref_slice %arg4[%dma_wait3A_568] : memref<69632xf32, #tpu.memory_space<vmem>> -> memref<65536xf32, #tpu.memory_space<vmem>>
    %dma_wait3A_570 = tpu.memref_slice %arg3[%mul3A_280] : memref<134217728xf32, #tpu.memory_space<hbm>> -> memref<65536xf32, #tpu.memory_space<hbm>>
    %dma_wait3A_571 = tpu.memref_slice %arg3[%mul3A_280] : memref<134217728xf32, #tpu.memory_space<hbm>> -> memref<65536xf32, #tpu.memory_space<hbm>>
    %dma_wait3A_572 = arith.constant 1536 : i32
    %dma_wait3A_573 = tpu.memref_slice %arg4[%dma_wait3A_572] : memref<69632xf32, #tpu.memory_space<vmem>> -> memref<65536xf32, #tpu.memory_space<vmem>>
    tpu.wait_dma2 semaphore(%arg5 : memref<!tpu.dma_semaphore, #tpu.memory_space<semaphore_mem>>) src(%dma_wait3A_573 : memref<65536xf32, #tpu.memory_space<vmem>>) dst(%dma_wait3A_571 : memref<65536xf32, #tpu.memory_space<hbm>>)
    %dma_wait3A_574 = arith.constant 1408 : i32
    %dma_wait3A_575 = tpu.memref_slice %arg4[%dma_wait3A_574] : memref<69632xf32, #tpu.memory_space<vmem>> -> memref<65536xf32, #tpu.memory_space<vmem>>
    %dma_wait3A_576 = tpu.memref_slice %arg3[%mul3A_294] : memref<134217728xf32, #tpu.memory_space<hbm>> -> memref<65536xf32, #tpu.memory_space<hbm>>
    %dma_wait3A_577 = tpu.memref_slice %arg3[%mul3A_294] : memref<134217728xf32, #tpu.memory_space<hbm>> -> memref<65536xf32, #tpu.memory_space<hbm>>
    %dma_wait3A_578 = arith.constant 1408 : i32
    %dma_wait3A_579 = tpu.memref_slice %arg4[%dma_wait3A_578] : memref<69632xf32, #tpu.memory_space<vmem>> -> memref<65536xf32, #tpu.memory_space<vmem>>
    tpu.wait_dma2 semaphore(%arg5 : memref<!tpu.dma_semaphore, #tpu.memory_space<semaphore_mem>>) src(%dma_wait3A_579 : memref<65536xf32, #tpu.memory_space<vmem>>) dst(%dma_wait3A_577 : memref<65536xf32, #tpu.memory_space<hbm>>)
    %dma_wait3A_580 = arith.constant 1280 : i32
    %dma_wait3A_581 = tpu.memref_slice %arg4[%dma_wait3A_580] : memref<69632xf32, #tpu.memory_space<vmem>> -> memref<65536xf32, #tpu.memory_space<vmem>>
    %dma_wait3A_582 = tpu.memref_slice %arg3[%mul3A_308] : memref<134217728xf32, #tpu.memory_space<hbm>> -> memref<65536xf32, #tpu.memory_space<hbm>>
    %dma_wait3A_583 = tpu.memref_slice %arg3[%mul3A_308] : memref<134217728xf32, #tpu.memory_space<hbm>> -> memref<65536xf32, #tpu.memory_space<hbm>>
    %dma_wait3A_584 = arith.constant 1280 : i32
    %dma_wait3A_585 = tpu.memref_slice %arg4[%dma_wait3A_584] : memref<69632xf32, #tpu.memory_space<vmem>> -> memref<65536xf32, #tpu.memory_space<vmem>>
    tpu.wait_dma2 semaphore(%arg5 : memref<!tpu.dma_semaphore, #tpu.memory_space<semaphore_mem>>) src(%dma_wait3A_585 : memref<65536xf32, #tpu.memory_space<vmem>>) dst(%dma_wait3A_583 : memref<65536xf32, #tpu.memory_space<hbm>>)
    %dma_wait3A_586 = arith.constant 1152 : i32
    %dma_wait3A_587 = tpu.memref_slice %arg4[%dma_wait3A_586] : memref<69632xf32, #tpu.memory_space<vmem>> -> memref<65536xf32, #tpu.memory_space<vmem>>
    %dma_wait3A_588 = tpu.memref_slice %arg3[%mul3A_322] : memref<134217728xf32, #tpu.memory_space<hbm>> -> memref<65536xf32, #tpu.memory_space<hbm>>
    %dma_wait3A_589 = tpu.memref_slice %arg3[%mul3A_322] : memref<134217728xf32, #tpu.memory_space<hbm>> -> memref<65536xf32, #tpu.memory_space<hbm>>
    %dma_wait3A_590 = arith.constant 1152 : i32
    %dma_wait3A_591 = tpu.memref_slice %arg4[%dma_wait3A_590] : memref<69632xf32, #tpu.memory_space<vmem>> -> memref<65536xf32, #tpu.memory_space<vmem>>
    tpu.wait_dma2 semaphore(%arg5 : memref<!tpu.dma_semaphore, #tpu.memory_space<semaphore_mem>>) src(%dma_wait3A_591 : memref<65536xf32, #tpu.memory_space<vmem>>) dst(%dma_wait3A_589 : memref<65536xf32, #tpu.memory_space<hbm>>)
    %dma_wait3A_592 = arith.constant 1024 : i32
    %dma_wait3A_593 = tpu.memref_slice %arg4[%dma_wait3A_592] : memref<69632xf32, #tpu.memory_space<vmem>> -> memref<65536xf32, #tpu.memory_space<vmem>>
    %dma_wait3A_594 = tpu.memref_slice %arg3[%mul3A_336] : memref<134217728xf32, #tpu.memory_space<hbm>> -> memref<65536xf32, #tpu.memory_space<hbm>>
    %dma_wait3A_595 = tpu.memref_slice %arg3[%mul3A_336] : memref<134217728xf32, #tpu.memory_space<hbm>> -> memref<65536xf32, #tpu.memory_space<hbm>>
    %dma_wait3A_596 = arith.constant 1024 : i32
    %dma_wait3A_597 = tpu.memref_slice %arg4[%dma_wait3A_596] : memref<69632xf32, #tpu.memory_space<vmem>> -> memref<65536xf32, #tpu.memory_space<vmem>>
    tpu.wait_dma2 semaphore(%arg5 : memref<!tpu.dma_semaphore, #tpu.memory_space<semaphore_mem>>) src(%dma_wait3A_597 : memref<65536xf32, #tpu.memory_space<vmem>>) dst(%dma_wait3A_595 : memref<65536xf32, #tpu.memory_space<hbm>>)
    %dma_wait3A_598 = arith.constant 896 : i32
    %dma_wait3A_599 = tpu.memref_slice %arg4[%dma_wait3A_598] : memref<69632xf32, #tpu.memory_space<vmem>> -> memref<65536xf32, #tpu.memory_space<vmem>>
    %dma_wait3A_600 = tpu.memref_slice %arg3[%mul3A_350] : memref<134217728xf32, #tpu.memory_space<hbm>> -> memref<65536xf32, #tpu.memory_space<hbm>>
    %dma_wait3A_601 = tpu.memref_slice %arg3[%mul3A_350] : memref<134217728xf32, #tpu.memory_space<hbm>> -> memref<65536xf32, #tpu.memory_space<hbm>>
    %dma_wait3A_602 = arith.constant 896 : i32
    %dma_wait3A_603 = tpu.memref_slice %arg4[%dma_wait3A_602] : memref<69632xf32, #tpu.memory_space<vmem>> -> memref<65536xf32, #tpu.memory_space<vmem>>
    tpu.wait_dma2 semaphore(%arg5 : memref<!tpu.dma_semaphore, #tpu.memory_space<semaphore_mem>>) src(%dma_wait3A_603 : memref<65536xf32, #tpu.memory_space<vmem>>) dst(%dma_wait3A_601 : memref<65536xf32, #tpu.memory_space<hbm>>)
    %dma_wait3A_604 = arith.constant 768 : i32
    %dma_wait3A_605 = tpu.memref_slice %arg4[%dma_wait3A_604] : memref<69632xf32, #tpu.memory_space<vmem>> -> memref<65536xf32, #tpu.memory_space<vmem>>
    %dma_wait3A_606 = tpu.memref_slice %arg3[%mul3A_364] : memref<134217728xf32, #tpu.memory_space<hbm>> -> memref<65536xf32, #tpu.memory_space<hbm>>
    %dma_wait3A_607 = tpu.memref_slice %arg3[%mul3A_364] : memref<134217728xf32, #tpu.memory_space<hbm>> -> memref<65536xf32, #tpu.memory_space<hbm>>
    %dma_wait3A_608 = arith.constant 768 : i32
    %dma_wait3A_609 = tpu.memref_slice %arg4[%dma_wait3A_608] : memref<69632xf32, #tpu.memory_space<vmem>> -> memref<65536xf32, #tpu.memory_space<vmem>>
    tpu.wait_dma2 semaphore(%arg5 : memref<!tpu.dma_semaphore, #tpu.memory_space<semaphore_mem>>) src(%dma_wait3A_609 : memref<65536xf32, #tpu.memory_space<vmem>>) dst(%dma_wait3A_607 : memref<65536xf32, #tpu.memory_space<hbm>>)
    %dma_wait3A_610 = arith.constant 640 : i32
    %dma_wait3A_611 = tpu.memref_slice %arg4[%dma_wait3A_610] : memref<69632xf32, #tpu.memory_space<vmem>> -> memref<65536xf32, #tpu.memory_space<vmem>>
    %dma_wait3A_612 = tpu.memref_slice %arg3[%mul3A_378] : memref<134217728xf32, #tpu.memory_space<hbm>> -> memref<65536xf32, #tpu.memory_space<hbm>>
    %dma_wait3A_613 = tpu.memref_slice %arg3[%mul3A_378] : memref<134217728xf32, #tpu.memory_space<hbm>> -> memref<65536xf32, #tpu.memory_space<hbm>>
    %dma_wait3A_614 = arith.constant 640 : i32
    %dma_wait3A_615 = tpu.memref_slice %arg4[%dma_wait3A_614] : memref<69632xf32, #tpu.memory_space<vmem>> -> memref<65536xf32, #tpu.memory_space<vmem>>
    tpu.wait_dma2 semaphore(%arg5 : memref<!tpu.dma_semaphore, #tpu.memory_space<semaphore_mem>>) src(%dma_wait3A_615 : memref<65536xf32, #tpu.memory_space<vmem>>) dst(%dma_wait3A_613 : memref<65536xf32, #tpu.memory_space<hbm>>)
    %dma_wait3A_616 = arith.constant 512 : i32
    %dma_wait3A_617 = tpu.memref_slice %arg4[%dma_wait3A_616] : memref<69632xf32, #tpu.memory_space<vmem>> -> memref<65536xf32, #tpu.memory_space<vmem>>
    %dma_wait3A_618 = tpu.memref_slice %arg3[%mul3A_392] : memref<134217728xf32, #tpu.memory_space<hbm>> -> memref<65536xf32, #tpu.memory_space<hbm>>
    %dma_wait3A_619 = tpu.memref_slice %arg3[%mul3A_392] : memref<134217728xf32, #tpu.memory_space<hbm>> -> memref<65536xf32, #tpu.memory_space<hbm>>
    %dma_wait3A_620 = arith.constant 512 : i32
    %dma_wait3A_621 = tpu.memref_slice %arg4[%dma_wait3A_620] : memref<69632xf32, #tpu.memory_space<vmem>> -> memref<65536xf32, #tpu.memory_space<vmem>>
    tpu.wait_dma2 semaphore(%arg5 : memref<!tpu.dma_semaphore, #tpu.memory_space<semaphore_mem>>) src(%dma_wait3A_621 : memref<65536xf32, #tpu.memory_space<vmem>>) dst(%dma_wait3A_619 : memref<65536xf32, #tpu.memory_space<hbm>>)
    %dma_wait3A_622 = arith.constant 384 : i32
    %dma_wait3A_623 = tpu.memref_slice %arg4[%dma_wait3A_622] : memref<69632xf32, #tpu.memory_space<vmem>> -> memref<65536xf32, #tpu.memory_space<vmem>>
    %dma_wait3A_624 = tpu.memref_slice %arg3[%mul3A_406] : memref<134217728xf32, #tpu.memory_space<hbm>> -> memref<65536xf32, #tpu.memory_space<hbm>>
    %dma_wait3A_625 = tpu.memref_slice %arg3[%mul3A_406] : memref<134217728xf32, #tpu.memory_space<hbm>> -> memref<65536xf32, #tpu.memory_space<hbm>>
    %dma_wait3A_626 = arith.constant 384 : i32
    %dma_wait3A_627 = tpu.memref_slice %arg4[%dma_wait3A_626] : memref<69632xf32, #tpu.memory_space<vmem>> -> memref<65536xf32, #tpu.memory_space<vmem>>
    tpu.wait_dma2 semaphore(%arg5 : memref<!tpu.dma_semaphore, #tpu.memory_space<semaphore_mem>>) src(%dma_wait3A_627 : memref<65536xf32, #tpu.memory_space<vmem>>) dst(%dma_wait3A_625 : memref<65536xf32, #tpu.memory_space<hbm>>)
    %dma_wait3A_628 = arith.constant 256 : i32
    %dma_wait3A_629 = tpu.memref_slice %arg4[%dma_wait3A_628] : memref<69632xf32, #tpu.memory_space<vmem>> -> memref<65536xf32, #tpu.memory_space<vmem>>
    %dma_wait3A_630 = tpu.memref_slice %arg3[%mul3A_420] : memref<134217728xf32, #tpu.memory_space<hbm>> -> memref<65536xf32, #tpu.memory_space<hbm>>
    %dma_wait3A_631 = tpu.memref_slice %arg3[%mul3A_420] : memref<134217728xf32, #tpu.memory_space<hbm>> -> memref<65536xf32, #tpu.memory_space<hbm>>
    %dma_wait3A_632 = arith.constant 256 : i32
    %dma_wait3A_633 = tpu.memref_slice %arg4[%dma_wait3A_632] : memref<69632xf32, #tpu.memory_space<vmem>> -> memref<65536xf32, #tpu.memory_space<vmem>>
    tpu.wait_dma2 semaphore(%arg5 : memref<!tpu.dma_semaphore, #tpu.memory_space<semaphore_mem>>) src(%dma_wait3A_633 : memref<65536xf32, #tpu.memory_space<vmem>>) dst(%dma_wait3A_631 : memref<65536xf32, #tpu.memory_space<hbm>>)
    %dma_wait3A_634 = arith.constant 128 : i32
    %dma_wait3A_635 = tpu.memref_slice %arg4[%dma_wait3A_634] : memref<69632xf32, #tpu.memory_space<vmem>> -> memref<65536xf32, #tpu.memory_space<vmem>>
    %dma_wait3A_636 = tpu.memref_slice %arg3[%mul3A_434] : memref<134217728xf32, #tpu.memory_space<hbm>> -> memref<65536xf32, #tpu.memory_space<hbm>>
    %dma_wait3A_637 = tpu.memref_slice %arg3[%mul3A_434] : memref<134217728xf32, #tpu.memory_space<hbm>> -> memref<65536xf32, #tpu.memory_space<hbm>>
    %dma_wait3A_638 = arith.constant 128 : i32
    %dma_wait3A_639 = tpu.memref_slice %arg4[%dma_wait3A_638] : memref<69632xf32, #tpu.memory_space<vmem>> -> memref<65536xf32, #tpu.memory_space<vmem>>
    tpu.wait_dma2 semaphore(%arg5 : memref<!tpu.dma_semaphore, #tpu.memory_space<semaphore_mem>>) src(%dma_wait3A_639 : memref<65536xf32, #tpu.memory_space<vmem>>) dst(%dma_wait3A_637 : memref<65536xf32, #tpu.memory_space<hbm>>)
    %dma_wait3A_640 = arith.constant 0 : i32
    %dma_wait3A_641 = tpu.memref_slice %arg4[%dma_wait3A_640] : memref<69632xf32, #tpu.memory_space<vmem>> -> memref<65536xf32, #tpu.memory_space<vmem>>
    %dma_wait3A_642 = tpu.memref_slice %arg3[%mul3A_448] : memref<134217728xf32, #tpu.memory_space<hbm>> -> memref<65536xf32, #tpu.memory_space<hbm>>
    %dma_wait3A_643 = tpu.memref_slice %arg3[%mul3A_448] : memref<134217728xf32, #tpu.memory_space<hbm>> -> memref<65536xf32, #tpu.memory_space<hbm>>
    %dma_wait3A_644 = arith.constant 0 : i32
    %dma_wait3A_645 = tpu.memref_slice %arg4[%dma_wait3A_644] : memref<69632xf32, #tpu.memory_space<vmem>> -> memref<65536xf32, #tpu.memory_space<vmem>>
    tpu.wait_dma2 semaphore(%arg5 : memref<!tpu.dma_semaphore, #tpu.memory_space<semaphore_mem>>) src(%dma_wait3A_645 : memref<65536xf32, #tpu.memory_space<vmem>>) dst(%dma_wait3A_643 : memref<65536xf32, #tpu.memory_space<hbm>>)
    %sub3A_646 = arith.constant 1535 : i32
    %sub3A_647 = arith.subi %sub3A_646, %mul3A_2 : i32
    %sub3A_648 = arith.constant 31 : i32
    %sub3A_649 = arith.subi %sub3A_647, %sub3A_648 : i32
    %mul3A_650 = arith.constant 128 : i32
    %mul3A_651 = arith.muli %sub3A_649, %mul3A_650 : i32
    "tpu.region"() ({
      %run_scoped3A = tpu.sem_alloc : memref<!tpu.dma_semaphore, #tpu.memory_space<semaphore_mem>>
      %dma_start3A_1292 = tpu.memref_slice %arg2[%mul3A_651] : memref<262144xf32, #tpu.memory_space<hbm>> -> memref<69632xf32, #tpu.memory_space<hbm>>
      %dma_start3A_1293 = tpu.memref_slice %arg2[%mul3A_651] : memref<262144xf32, #tpu.memory_space<hbm>> -> memref<69632xf32, #tpu.memory_space<hbm>>
      tpu.enqueue_dma source(%dma_start3A_1293 : memref<69632xf32, #tpu.memory_space<hbm>>) target(%arg4 : memref<69632xf32, #tpu.memory_space<vmem>>) target_semaphore(%run_scoped3A : memref<!tpu.dma_semaphore, #tpu.memory_space<semaphore_mem>>)
      %dma_wait3A_1294 = tpu.memref_slice %arg2[%mul3A_651] : memref<262144xf32, #tpu.memory_space<hbm>> -> memref<69632xf32, #tpu.memory_space<hbm>>
      %dma_wait3A_1295 = tpu.memref_slice %arg2[%mul3A_651] : memref<262144xf32, #tpu.memory_space<hbm>> -> memref<69632xf32, #tpu.memory_space<hbm>>
      tpu.wait_dma2 semaphore(%run_scoped3A : memref<!tpu.dma_semaphore, #tpu.memory_space<semaphore_mem>>) src(%dma_wait3A_1295 : memref<69632xf32, #tpu.memory_space<hbm>>) dst(%arg4 : memref<69632xf32, #tpu.memory_space<vmem>>)
      tpu.yield
    }) : () -> ()
    %add3A_652 = arith.constant 0 : i32
    %add3A_653 = arith.addi %mul3A_2, %add3A_652 : i32
    %mul3A_654 = arith.constant 1024 : i32
    %mul3A_655 = arith.muli %add3A_653, %mul3A_654 : i32
    %add3A_656 = arith.constant 512 : i32
    %add3A_657 = arith.addi %mul3A_655, %add3A_656 : i32
    %mul3A_658 = arith.constant 128 : i32
    %mul3A_659 = arith.muli %add3A_657, %mul3A_658 : i32
    %dma_start3A_660 = arith.constant 3968 : i32
    %dma_start3A_661 = tpu.memref_slice %arg4[%dma_start3A_660] : memref<69632xf32, #tpu.memory_space<vmem>> -> memref<65536xf32, #tpu.memory_space<vmem>>
    %dma_start3A_662 = tpu.memref_slice %arg3[%mul3A_659] : memref<134217728xf32, #tpu.memory_space<hbm>> -> memref<65536xf32, #tpu.memory_space<hbm>>
    %dma_start3A_663 = tpu.memref_slice %arg3[%mul3A_659] : memref<134217728xf32, #tpu.memory_space<hbm>> -> memref<65536xf32, #tpu.memory_space<hbm>>
    %dma_start3A_664 = arith.constant 3968 : i32
    %dma_start3A_665 = tpu.memref_slice %arg4[%dma_start3A_664] : memref<69632xf32, #tpu.memory_space<vmem>> -> memref<65536xf32, #tpu.memory_space<vmem>>
    tpu.enqueue_dma source(%dma_start3A_665 : memref<65536xf32, #tpu.memory_space<vmem>>) target(%dma_start3A_663 : memref<65536xf32, #tpu.memory_space<hbm>>) target_semaphore(%arg5 : memref<!tpu.dma_semaphore, #tpu.memory_space<semaphore_mem>>)
    %add3A_666 = arith.constant 1 : i32
    %add3A_667 = arith.addi %mul3A_2, %add3A_666 : i32
    %mul3A_668 = arith.constant 1024 : i32
    %mul3A_669 = arith.muli %add3A_667, %mul3A_668 : i32
    %add3A_670 = arith.constant 512 : i32
    %add3A_671 = arith.addi %mul3A_669, %add3A_670 : i32
    %mul3A_672 = arith.constant 128 : i32
    %mul3A_673 = arith.muli %add3A_671, %mul3A_672 : i32
    %dma_start3A_674 = arith.constant 3840 : i32
    %dma_start3A_675 = tpu.memref_slice %arg4[%dma_start3A_674] : memref<69632xf32, #tpu.memory_space<vmem>> -> memref<65536xf32, #tpu.memory_space<vmem>>
    %dma_start3A_676 = tpu.memref_slice %arg3[%mul3A_673] : memref<134217728xf32, #tpu.memory_space<hbm>> -> memref<65536xf32, #tpu.memory_space<hbm>>
    %dma_start3A_677 = tpu.memref_slice %arg3[%mul3A_673] : memref<134217728xf32, #tpu.memory_space<hbm>> -> memref<65536xf32, #tpu.memory_space<hbm>>
    %dma_start3A_678 = arith.constant 3840 : i32
    %dma_start3A_679 = tpu.memref_slice %arg4[%dma_start3A_678] : memref<69632xf32, #tpu.memory_space<vmem>> -> memref<65536xf32, #tpu.memory_space<vmem>>
    tpu.enqueue_dma source(%dma_start3A_679 : memref<65536xf32, #tpu.memory_space<vmem>>) target(%dma_start3A_677 : memref<65536xf32, #tpu.memory_space<hbm>>) target_semaphore(%arg5 : memref<!tpu.dma_semaphore, #tpu.memory_space<semaphore_mem>>)
    %add3A_680 = arith.constant 2 : i32
    %add3A_681 = arith.addi %mul3A_2, %add3A_680 : i32
    %mul3A_682 = arith.constant 1024 : i32
    %mul3A_683 = arith.muli %add3A_681, %mul3A_682 : i32
    %add3A_684 = arith.constant 512 : i32
    %add3A_685 = arith.addi %mul3A_683, %add3A_684 : i32
    %mul3A_686 = arith.constant 128 : i32
    %mul3A_687 = arith.muli %add3A_685, %mul3A_686 : i32
    %dma_start3A_688 = arith.constant 3712 : i32
    %dma_start3A_689 = tpu.memref_slice %arg4[%dma_start3A_688] : memref<69632xf32, #tpu.memory_space<vmem>> -> memref<65536xf32, #tpu.memory_space<vmem>>
    %dma_start3A_690 = tpu.memref_slice %arg3[%mul3A_687] : memref<134217728xf32, #tpu.memory_space<hbm>> -> memref<65536xf32, #tpu.memory_space<hbm>>
    %dma_start3A_691 = tpu.memref_slice %arg3[%mul3A_687] : memref<134217728xf32, #tpu.memory_space<hbm>> -> memref<65536xf32, #tpu.memory_space<hbm>>
    %dma_start3A_692 = arith.constant 3712 : i32
    %dma_start3A_693 = tpu.memref_slice %arg4[%dma_start3A_692] : memref<69632xf32, #tpu.memory_space<vmem>> -> memref<65536xf32, #tpu.memory_space<vmem>>
    tpu.enqueue_dma source(%dma_start3A_693 : memref<65536xf32, #tpu.memory_space<vmem>>) target(%dma_start3A_691 : memref<65536xf32, #tpu.memory_space<hbm>>) target_semaphore(%arg5 : memref<!tpu.dma_semaphore, #tpu.memory_space<semaphore_mem>>)
    %add3A_694 = arith.constant 3 : i32
    %add3A_695 = arith.addi %mul3A_2, %add3A_694 : i32
    %mul3A_696 = arith.constant 1024 : i32
    %mul3A_697 = arith.muli %add3A_695, %mul3A_696 : i32
    %add3A_698 = arith.constant 512 : i32
    %add3A_699 = arith.addi %mul3A_697, %add3A_698 : i32
    %mul3A_700 = arith.constant 128 : i32
    %mul3A_701 = arith.muli %add3A_699, %mul3A_700 : i32
    %dma_start3A_702 = arith.constant 3584 : i32
    %dma_start3A_703 = tpu.memref_slice %arg4[%dma_start3A_702] : memref<69632xf32, #tpu.memory_space<vmem>> -> memref<65536xf32, #tpu.memory_space<vmem>>
    %dma_start3A_704 = tpu.memref_slice %arg3[%mul3A_701] : memref<134217728xf32, #tpu.memory_space<hbm>> -> memref<65536xf32, #tpu.memory_space<hbm>>
    %dma_start3A_705 = tpu.memref_slice %arg3[%mul3A_701] : memref<134217728xf32, #tpu.memory_space<hbm>> -> memref<65536xf32, #tpu.memory_space<hbm>>
    %dma_start3A_706 = arith.constant 3584 : i32
    %dma_start3A_707 = tpu.memref_slice %arg4[%dma_start3A_706] : memref<69632xf32, #tpu.memory_space<vmem>> -> memref<65536xf32, #tpu.memory_space<vmem>>
    tpu.enqueue_dma source(%dma_start3A_707 : memref<65536xf32, #tpu.memory_space<vmem>>) target(%dma_start3A_705 : memref<65536xf32, #tpu.memory_space<hbm>>) target_semaphore(%arg5 : memref<!tpu.dma_semaphore, #tpu.memory_space<semaphore_mem>>)
    %add3A_708 = arith.constant 4 : i32
    %add3A_709 = arith.addi %mul3A_2, %add3A_708 : i32
    %mul3A_710 = arith.constant 1024 : i32
    %mul3A_711 = arith.muli %add3A_709, %mul3A_710 : i32
    %add3A_712 = arith.constant 512 : i32
    %add3A_713 = arith.addi %mul3A_711, %add3A_712 : i32
    %mul3A_714 = arith.constant 128 : i32
    %mul3A_715 = arith.muli %add3A_713, %mul3A_714 : i32
    %dma_start3A_716 = arith.constant 3456 : i32
    %dma_start3A_717 = tpu.memref_slice %arg4[%dma_start3A_716] : memref<69632xf32, #tpu.memory_space<vmem>> -> memref<65536xf32, #tpu.memory_space<vmem>>
    %dma_start3A_718 = tpu.memref_slice %arg3[%mul3A_715] : memref<134217728xf32, #tpu.memory_space<hbm>> -> memref<65536xf32, #tpu.memory_space<hbm>>
    %dma_start3A_719 = tpu.memref_slice %arg3[%mul3A_715] : memref<134217728xf32, #tpu.memory_space<hbm>> -> memref<65536xf32, #tpu.memory_space<hbm>>
    %dma_start3A_720 = arith.constant 3456 : i32
    %dma_start3A_721 = tpu.memref_slice %arg4[%dma_start3A_720] : memref<69632xf32, #tpu.memory_space<vmem>> -> memref<65536xf32, #tpu.memory_space<vmem>>
    tpu.enqueue_dma source(%dma_start3A_721 : memref<65536xf32, #tpu.memory_space<vmem>>) target(%dma_start3A_719 : memref<65536xf32, #tpu.memory_space<hbm>>) target_semaphore(%arg5 : memref<!tpu.dma_semaphore, #tpu.memory_space<semaphore_mem>>)
    %add3A_722 = arith.constant 5 : i32
    %add3A_723 = arith.addi %mul3A_2, %add3A_722 : i32
    %mul3A_724 = arith.constant 1024 : i32
    %mul3A_725 = arith.muli %add3A_723, %mul3A_724 : i32
    %add3A_726 = arith.constant 512 : i32
    %add3A_727 = arith.addi %mul3A_725, %add3A_726 : i32
    %mul3A_728 = arith.constant 128 : i32
    %mul3A_729 = arith.muli %add3A_727, %mul3A_728 : i32
    %dma_start3A_730 = arith.constant 3328 : i32
    %dma_start3A_731 = tpu.memref_slice %arg4[%dma_start3A_730] : memref<69632xf32, #tpu.memory_space<vmem>> -> memref<65536xf32, #tpu.memory_space<vmem>>
    %dma_start3A_732 = tpu.memref_slice %arg3[%mul3A_729] : memref<134217728xf32, #tpu.memory_space<hbm>> -> memref<65536xf32, #tpu.memory_space<hbm>>
    %dma_start3A_733 = tpu.memref_slice %arg3[%mul3A_729] : memref<134217728xf32, #tpu.memory_space<hbm>> -> memref<65536xf32, #tpu.memory_space<hbm>>
    %dma_start3A_734 = arith.constant 3328 : i32
    %dma_start3A_735 = tpu.memref_slice %arg4[%dma_start3A_734] : memref<69632xf32, #tpu.memory_space<vmem>> -> memref<65536xf32, #tpu.memory_space<vmem>>
    tpu.enqueue_dma source(%dma_start3A_735 : memref<65536xf32, #tpu.memory_space<vmem>>) target(%dma_start3A_733 : memref<65536xf32, #tpu.memory_space<hbm>>) target_semaphore(%arg5 : memref<!tpu.dma_semaphore, #tpu.memory_space<semaphore_mem>>)
    %add3A_736 = arith.constant 6 : i32
    %add3A_737 = arith.addi %mul3A_2, %add3A_736 : i32
    %mul3A_738 = arith.constant 1024 : i32
    %mul3A_739 = arith.muli %add3A_737, %mul3A_738 : i32
    %add3A_740 = arith.constant 512 : i32
    %add3A_741 = arith.addi %mul3A_739, %add3A_740 : i32
    %mul3A_742 = arith.constant 128 : i32
    %mul3A_743 = arith.muli %add3A_741, %mul3A_742 : i32
    %dma_start3A_744 = arith.constant 3200 : i32
    %dma_start3A_745 = tpu.memref_slice %arg4[%dma_start3A_744] : memref<69632xf32, #tpu.memory_space<vmem>> -> memref<65536xf32, #tpu.memory_space<vmem>>
    %dma_start3A_746 = tpu.memref_slice %arg3[%mul3A_743] : memref<134217728xf32, #tpu.memory_space<hbm>> -> memref<65536xf32, #tpu.memory_space<hbm>>
    %dma_start3A_747 = tpu.memref_slice %arg3[%mul3A_743] : memref<134217728xf32, #tpu.memory_space<hbm>> -> memref<65536xf32, #tpu.memory_space<hbm>>
    %dma_start3A_748 = arith.constant 3200 : i32
    %dma_start3A_749 = tpu.memref_slice %arg4[%dma_start3A_748] : memref<69632xf32, #tpu.memory_space<vmem>> -> memref<65536xf32, #tpu.memory_space<vmem>>
    tpu.enqueue_dma source(%dma_start3A_749 : memref<65536xf32, #tpu.memory_space<vmem>>) target(%dma_start3A_747 : memref<65536xf32, #tpu.memory_space<hbm>>) target_semaphore(%arg5 : memref<!tpu.dma_semaphore, #tpu.memory_space<semaphore_mem>>)
    %add3A_750 = arith.constant 7 : i32
    %add3A_751 = arith.addi %mul3A_2, %add3A_750 : i32
    %mul3A_752 = arith.constant 1024 : i32
    %mul3A_753 = arith.muli %add3A_751, %mul3A_752 : i32
    %add3A_754 = arith.constant 512 : i32
    %add3A_755 = arith.addi %mul3A_753, %add3A_754 : i32
    %mul3A_756 = arith.constant 128 : i32
    %mul3A_757 = arith.muli %add3A_755, %mul3A_756 : i32
    %dma_start3A_758 = arith.constant 3072 : i32
    %dma_start3A_759 = tpu.memref_slice %arg4[%dma_start3A_758] : memref<69632xf32, #tpu.memory_space<vmem>> -> memref<65536xf32, #tpu.memory_space<vmem>>
    %dma_start3A_760 = tpu.memref_slice %arg3[%mul3A_757] : memref<134217728xf32, #tpu.memory_space<hbm>> -> memref<65536xf32, #tpu.memory_space<hbm>>
    %dma_start3A_761 = tpu.memref_slice %arg3[%mul3A_757] : memref<134217728xf32, #tpu.memory_space<hbm>> -> memref<65536xf32, #tpu.memory_space<hbm>>
    %dma_start3A_762 = arith.constant 3072 : i32
    %dma_start3A_763 = tpu.memref_slice %arg4[%dma_start3A_762] : memref<69632xf32, #tpu.memory_space<vmem>> -> memref<65536xf32, #tpu.memory_space<vmem>>
    tpu.enqueue_dma source(%dma_start3A_763 : memref<65536xf32, #tpu.memory_space<vmem>>) target(%dma_start3A_761 : memref<65536xf32, #tpu.memory_space<hbm>>) target_semaphore(%arg5 : memref<!tpu.dma_semaphore, #tpu.memory_space<semaphore_mem>>)
    %add3A_764 = arith.constant 8 : i32
    %add3A_765 = arith.addi %mul3A_2, %add3A_764 : i32
    %mul3A_766 = arith.constant 1024 : i32
    %mul3A_767 = arith.muli %add3A_765, %mul3A_766 : i32
    %add3A_768 = arith.constant 512 : i32
    %add3A_769 = arith.addi %mul3A_767, %add3A_768 : i32
    %mul3A_770 = arith.constant 128 : i32
    %mul3A_771 = arith.muli %add3A_769, %mul3A_770 : i32
    %dma_start3A_772 = arith.constant 2944 : i32
    %dma_start3A_773 = tpu.memref_slice %arg4[%dma_start3A_772] : memref<69632xf32, #tpu.memory_space<vmem>> -> memref<65536xf32, #tpu.memory_space<vmem>>
    %dma_start3A_774 = tpu.memref_slice %arg3[%mul3A_771] : memref<134217728xf32, #tpu.memory_space<hbm>> -> memref<65536xf32, #tpu.memory_space<hbm>>
    %dma_start3A_775 = tpu.memref_slice %arg3[%mul3A_771] : memref<134217728xf32, #tpu.memory_space<hbm>> -> memref<65536xf32, #tpu.memory_space<hbm>>
    %dma_start3A_776 = arith.constant 2944 : i32
    %dma_start3A_777 = tpu.memref_slice %arg4[%dma_start3A_776] : memref<69632xf32, #tpu.memory_space<vmem>> -> memref<65536xf32, #tpu.memory_space<vmem>>
    tpu.enqueue_dma source(%dma_start3A_777 : memref<65536xf32, #tpu.memory_space<vmem>>) target(%dma_start3A_775 : memref<65536xf32, #tpu.memory_space<hbm>>) target_semaphore(%arg5 : memref<!tpu.dma_semaphore, #tpu.memory_space<semaphore_mem>>)
    %add3A_778 = arith.constant 9 : i32
    %add3A_779 = arith.addi %mul3A_2, %add3A_778 : i32
    %mul3A_780 = arith.constant 1024 : i32
    %mul3A_781 = arith.muli %add3A_779, %mul3A_780 : i32
    %add3A_782 = arith.constant 512 : i32
    %add3A_783 = arith.addi %mul3A_781, %add3A_782 : i32
    %mul3A_784 = arith.constant 128 : i32
    %mul3A_785 = arith.muli %add3A_783, %mul3A_784 : i32
    %dma_start3A_786 = arith.constant 2816 : i32
    %dma_start3A_787 = tpu.memref_slice %arg4[%dma_start3A_786] : memref<69632xf32, #tpu.memory_space<vmem>> -> memref<65536xf32, #tpu.memory_space<vmem>>
    %dma_start3A_788 = tpu.memref_slice %arg3[%mul3A_785] : memref<134217728xf32, #tpu.memory_space<hbm>> -> memref<65536xf32, #tpu.memory_space<hbm>>
    %dma_start3A_789 = tpu.memref_slice %arg3[%mul3A_785] : memref<134217728xf32, #tpu.memory_space<hbm>> -> memref<65536xf32, #tpu.memory_space<hbm>>
    %dma_start3A_790 = arith.constant 2816 : i32
    %dma_start3A_791 = tpu.memref_slice %arg4[%dma_start3A_790] : memref<69632xf32, #tpu.memory_space<vmem>> -> memref<65536xf32, #tpu.memory_space<vmem>>
    tpu.enqueue_dma source(%dma_start3A_791 : memref<65536xf32, #tpu.memory_space<vmem>>) target(%dma_start3A_789 : memref<65536xf32, #tpu.memory_space<hbm>>) target_semaphore(%arg5 : memref<!tpu.dma_semaphore, #tpu.memory_space<semaphore_mem>>)
    %add3A_792 = arith.constant 10 : i32
    %add3A_793 = arith.addi %mul3A_2, %add3A_792 : i32
    %mul3A_794 = arith.constant 1024 : i32
    %mul3A_795 = arith.muli %add3A_793, %mul3A_794 : i32
    %add3A_796 = arith.constant 512 : i32
    %add3A_797 = arith.addi %mul3A_795, %add3A_796 : i32
    %mul3A_798 = arith.constant 128 : i32
    %mul3A_799 = arith.muli %add3A_797, %mul3A_798 : i32
    %dma_start3A_800 = arith.constant 2688 : i32
    %dma_start3A_801 = tpu.memref_slice %arg4[%dma_start3A_800] : memref<69632xf32, #tpu.memory_space<vmem>> -> memref<65536xf32, #tpu.memory_space<vmem>>
    %dma_start3A_802 = tpu.memref_slice %arg3[%mul3A_799] : memref<134217728xf32, #tpu.memory_space<hbm>> -> memref<65536xf32, #tpu.memory_space<hbm>>
    %dma_start3A_803 = tpu.memref_slice %arg3[%mul3A_799] : memref<134217728xf32, #tpu.memory_space<hbm>> -> memref<65536xf32, #tpu.memory_space<hbm>>
    %dma_start3A_804 = arith.constant 2688 : i32
    %dma_start3A_805 = tpu.memref_slice %arg4[%dma_start3A_804] : memref<69632xf32, #tpu.memory_space<vmem>> -> memref<65536xf32, #tpu.memory_space<vmem>>
    tpu.enqueue_dma source(%dma_start3A_805 : memref<65536xf32, #tpu.memory_space<vmem>>) target(%dma_start3A_803 : memref<65536xf32, #tpu.memory_space<hbm>>) target_semaphore(%arg5 : memref<!tpu.dma_semaphore, #tpu.memory_space<semaphore_mem>>)
    %add3A_806 = arith.constant 11 : i32
    %add3A_807 = arith.addi %mul3A_2, %add3A_806 : i32
    %mul3A_808 = arith.constant 1024 : i32
    %mul3A_809 = arith.muli %add3A_807, %mul3A_808 : i32
    %add3A_810 = arith.constant 512 : i32
    %add3A_811 = arith.addi %mul3A_809, %add3A_810 : i32
    %mul3A_812 = arith.constant 128 : i32
    %mul3A_813 = arith.muli %add3A_811, %mul3A_812 : i32
    %dma_start3A_814 = arith.constant 2560 : i32
    %dma_start3A_815 = tpu.memref_slice %arg4[%dma_start3A_814] : memref<69632xf32, #tpu.memory_space<vmem>> -> memref<65536xf32, #tpu.memory_space<vmem>>
    %dma_start3A_816 = tpu.memref_slice %arg3[%mul3A_813] : memref<134217728xf32, #tpu.memory_space<hbm>> -> memref<65536xf32, #tpu.memory_space<hbm>>
    %dma_start3A_817 = tpu.memref_slice %arg3[%mul3A_813] : memref<134217728xf32, #tpu.memory_space<hbm>> -> memref<65536xf32, #tpu.memory_space<hbm>>
    %dma_start3A_818 = arith.constant 2560 : i32
    %dma_start3A_819 = tpu.memref_slice %arg4[%dma_start3A_818] : memref<69632xf32, #tpu.memory_space<vmem>> -> memref<65536xf32, #tpu.memory_space<vmem>>
    tpu.enqueue_dma source(%dma_start3A_819 : memref<65536xf32, #tpu.memory_space<vmem>>) target(%dma_start3A_817 : memref<65536xf32, #tpu.memory_space<hbm>>) target_semaphore(%arg5 : memref<!tpu.dma_semaphore, #tpu.memory_space<semaphore_mem>>)
    %add3A_820 = arith.constant 12 : i32
    %add3A_821 = arith.addi %mul3A_2, %add3A_820 : i32
    %mul3A_822 = arith.constant 1024 : i32
    %mul3A_823 = arith.muli %add3A_821, %mul3A_822 : i32
    %add3A_824 = arith.constant 512 : i32
    %add3A_825 = arith.addi %mul3A_823, %add3A_824 : i32
    %mul3A_826 = arith.constant 128 : i32
    %mul3A_827 = arith.muli %add3A_825, %mul3A_826 : i32
    %dma_start3A_828 = arith.constant 2432 : i32
    %dma_start3A_829 = tpu.memref_slice %arg4[%dma_start3A_828] : memref<69632xf32, #tpu.memory_space<vmem>> -> memref<65536xf32, #tpu.memory_space<vmem>>
    %dma_start3A_830 = tpu.memref_slice %arg3[%mul3A_827] : memref<134217728xf32, #tpu.memory_space<hbm>> -> memref<65536xf32, #tpu.memory_space<hbm>>
    %dma_start3A_831 = tpu.memref_slice %arg3[%mul3A_827] : memref<134217728xf32, #tpu.memory_space<hbm>> -> memref<65536xf32, #tpu.memory_space<hbm>>
    %dma_start3A_832 = arith.constant 2432 : i32
    %dma_start3A_833 = tpu.memref_slice %arg4[%dma_start3A_832] : memref<69632xf32, #tpu.memory_space<vmem>> -> memref<65536xf32, #tpu.memory_space<vmem>>
    tpu.enqueue_dma source(%dma_start3A_833 : memref<65536xf32, #tpu.memory_space<vmem>>) target(%dma_start3A_831 : memref<65536xf32, #tpu.memory_space<hbm>>) target_semaphore(%arg5 : memref<!tpu.dma_semaphore, #tpu.memory_space<semaphore_mem>>)
    %add3A_834 = arith.constant 13 : i32
    %add3A_835 = arith.addi %mul3A_2, %add3A_834 : i32
    %mul3A_836 = arith.constant 1024 : i32
    %mul3A_837 = arith.muli %add3A_835, %mul3A_836 : i32
    %add3A_838 = arith.constant 512 : i32
    %add3A_839 = arith.addi %mul3A_837, %add3A_838 : i32
    %mul3A_840 = arith.constant 128 : i32
    %mul3A_841 = arith.muli %add3A_839, %mul3A_840 : i32
    %dma_start3A_842 = arith.constant 2304 : i32
    %dma_start3A_843 = tpu.memref_slice %arg4[%dma_start3A_842] : memref<69632xf32, #tpu.memory_space<vmem>> -> memref<65536xf32, #tpu.memory_space<vmem>>
    %dma_start3A_844 = tpu.memref_slice %arg3[%mul3A_841] : memref<134217728xf32, #tpu.memory_space<hbm>> -> memref<65536xf32, #tpu.memory_space<hbm>>
    %dma_start3A_845 = tpu.memref_slice %arg3[%mul3A_841] : memref<134217728xf32, #tpu.memory_space<hbm>> -> memref<65536xf32, #tpu.memory_space<hbm>>
    %dma_start3A_846 = arith.constant 2304 : i32
    %dma_start3A_847 = tpu.memref_slice %arg4[%dma_start3A_846] : memref<69632xf32, #tpu.memory_space<vmem>> -> memref<65536xf32, #tpu.memory_space<vmem>>
    tpu.enqueue_dma source(%dma_start3A_847 : memref<65536xf32, #tpu.memory_space<vmem>>) target(%dma_start3A_845 : memref<65536xf32, #tpu.memory_space<hbm>>) target_semaphore(%arg5 : memref<!tpu.dma_semaphore, #tpu.memory_space<semaphore_mem>>)
    %add3A_848 = arith.constant 14 : i32
    %add3A_849 = arith.addi %mul3A_2, %add3A_848 : i32
    %mul3A_850 = arith.constant 1024 : i32
    %mul3A_851 = arith.muli %add3A_849, %mul3A_850 : i32
    %add3A_852 = arith.constant 512 : i32
    %add3A_853 = arith.addi %mul3A_851, %add3A_852 : i32
    %mul3A_854 = arith.constant 128 : i32
    %mul3A_855 = arith.muli %add3A_853, %mul3A_854 : i32
    %dma_start3A_856 = arith.constant 2176 : i32
    %dma_start3A_857 = tpu.memref_slice %arg4[%dma_start3A_856] : memref<69632xf32, #tpu.memory_space<vmem>> -> memref<65536xf32, #tpu.memory_space<vmem>>
    %dma_start3A_858 = tpu.memref_slice %arg3[%mul3A_855] : memref<134217728xf32, #tpu.memory_space<hbm>> -> memref<65536xf32, #tpu.memory_space<hbm>>
    %dma_start3A_859 = tpu.memref_slice %arg3[%mul3A_855] : memref<134217728xf32, #tpu.memory_space<hbm>> -> memref<65536xf32, #tpu.memory_space<hbm>>
    %dma_start3A_860 = arith.constant 2176 : i32
    %dma_start3A_861 = tpu.memref_slice %arg4[%dma_start3A_860] : memref<69632xf32, #tpu.memory_space<vmem>> -> memref<65536xf32, #tpu.memory_space<vmem>>
    tpu.enqueue_dma source(%dma_start3A_861 : memref<65536xf32, #tpu.memory_space<vmem>>) target(%dma_start3A_859 : memref<65536xf32, #tpu.memory_space<hbm>>) target_semaphore(%arg5 : memref<!tpu.dma_semaphore, #tpu.memory_space<semaphore_mem>>)
    %add3A_862 = arith.constant 15 : i32
    %add3A_863 = arith.addi %mul3A_2, %add3A_862 : i32
    %mul3A_864 = arith.constant 1024 : i32
    %mul3A_865 = arith.muli %add3A_863, %mul3A_864 : i32
    %add3A_866 = arith.constant 512 : i32
    %add3A_867 = arith.addi %mul3A_865, %add3A_866 : i32
    %mul3A_868 = arith.constant 128 : i32
    %mul3A_869 = arith.muli %add3A_867, %mul3A_868 : i32
    %dma_start3A_870 = arith.constant 2048 : i32
    %dma_start3A_871 = tpu.memref_slice %arg4[%dma_start3A_870] : memref<69632xf32, #tpu.memory_space<vmem>> -> memref<65536xf32, #tpu.memory_space<vmem>>
    %dma_start3A_872 = tpu.memref_slice %arg3[%mul3A_869] : memref<134217728xf32, #tpu.memory_space<hbm>> -> memref<65536xf32, #tpu.memory_space<hbm>>
    %dma_start3A_873 = tpu.memref_slice %arg3[%mul3A_869] : memref<134217728xf32, #tpu.memory_space<hbm>> -> memref<65536xf32, #tpu.memory_space<hbm>>
    %dma_start3A_874 = arith.constant 2048 : i32
    %dma_start3A_875 = tpu.memref_slice %arg4[%dma_start3A_874] : memref<69632xf32, #tpu.memory_space<vmem>> -> memref<65536xf32, #tpu.memory_space<vmem>>
    tpu.enqueue_dma source(%dma_start3A_875 : memref<65536xf32, #tpu.memory_space<vmem>>) target(%dma_start3A_873 : memref<65536xf32, #tpu.memory_space<hbm>>) target_semaphore(%arg5 : memref<!tpu.dma_semaphore, #tpu.memory_space<semaphore_mem>>)
    %add3A_876 = arith.constant 16 : i32
    %add3A_877 = arith.addi %mul3A_2, %add3A_876 : i32
    %mul3A_878 = arith.constant 1024 : i32
    %mul3A_879 = arith.muli %add3A_877, %mul3A_878 : i32
    %add3A_880 = arith.constant 512 : i32
    %add3A_881 = arith.addi %mul3A_879, %add3A_880 : i32
    %mul3A_882 = arith.constant 128 : i32
    %mul3A_883 = arith.muli %add3A_881, %mul3A_882 : i32
    %dma_start3A_884 = arith.constant 1920 : i32
    %dma_start3A_885 = tpu.memref_slice %arg4[%dma_start3A_884] : memref<69632xf32, #tpu.memory_space<vmem>> -> memref<65536xf32, #tpu.memory_space<vmem>>
    %dma_start3A_886 = tpu.memref_slice %arg3[%mul3A_883] : memref<134217728xf32, #tpu.memory_space<hbm>> -> memref<65536xf32, #tpu.memory_space<hbm>>
    %dma_start3A_887 = tpu.memref_slice %arg3[%mul3A_883] : memref<134217728xf32, #tpu.memory_space<hbm>> -> memref<65536xf32, #tpu.memory_space<hbm>>
    %dma_start3A_888 = arith.constant 1920 : i32
    %dma_start3A_889 = tpu.memref_slice %arg4[%dma_start3A_888] : memref<69632xf32, #tpu.memory_space<vmem>> -> memref<65536xf32, #tpu.memory_space<vmem>>
    tpu.enqueue_dma source(%dma_start3A_889 : memref<65536xf32, #tpu.memory_space<vmem>>) target(%dma_start3A_887 : memref<65536xf32, #tpu.memory_space<hbm>>) target_semaphore(%arg5 : memref<!tpu.dma_semaphore, #tpu.memory_space<semaphore_mem>>)
    %add3A_890 = arith.constant 17 : i32
    %add3A_891 = arith.addi %mul3A_2, %add3A_890 : i32
    %mul3A_892 = arith.constant 1024 : i32
    %mul3A_893 = arith.muli %add3A_891, %mul3A_892 : i32
    %add3A_894 = arith.constant 512 : i32
    %add3A_895 = arith.addi %mul3A_893, %add3A_894 : i32
    %mul3A_896 = arith.constant 128 : i32
    %mul3A_897 = arith.muli %add3A_895, %mul3A_896 : i32
    %dma_start3A_898 = arith.constant 1792 : i32
    %dma_start3A_899 = tpu.memref_slice %arg4[%dma_start3A_898] : memref<69632xf32, #tpu.memory_space<vmem>> -> memref<65536xf32, #tpu.memory_space<vmem>>
    %dma_start3A_900 = tpu.memref_slice %arg3[%mul3A_897] : memref<134217728xf32, #tpu.memory_space<hbm>> -> memref<65536xf32, #tpu.memory_space<hbm>>
    %dma_start3A_901 = tpu.memref_slice %arg3[%mul3A_897] : memref<134217728xf32, #tpu.memory_space<hbm>> -> memref<65536xf32, #tpu.memory_space<hbm>>
    %dma_start3A_902 = arith.constant 1792 : i32
    %dma_start3A_903 = tpu.memref_slice %arg4[%dma_start3A_902] : memref<69632xf32, #tpu.memory_space<vmem>> -> memref<65536xf32, #tpu.memory_space<vmem>>
    tpu.enqueue_dma source(%dma_start3A_903 : memref<65536xf32, #tpu.memory_space<vmem>>) target(%dma_start3A_901 : memref<65536xf32, #tpu.memory_space<hbm>>) target_semaphore(%arg5 : memref<!tpu.dma_semaphore, #tpu.memory_space<semaphore_mem>>)
    %add3A_904 = arith.constant 18 : i32
    %add3A_905 = arith.addi %mul3A_2, %add3A_904 : i32
    %mul3A_906 = arith.constant 1024 : i32
    %mul3A_907 = arith.muli %add3A_905, %mul3A_906 : i32
    %add3A_908 = arith.constant 512 : i32
    %add3A_909 = arith.addi %mul3A_907, %add3A_908 : i32
    %mul3A_910 = arith.constant 128 : i32
    %mul3A_911 = arith.muli %add3A_909, %mul3A_910 : i32
    %dma_start3A_912 = arith.constant 1664 : i32
    %dma_start3A_913 = tpu.memref_slice %arg4[%dma_start3A_912] : memref<69632xf32, #tpu.memory_space<vmem>> -> memref<65536xf32, #tpu.memory_space<vmem>>
    %dma_start3A_914 = tpu.memref_slice %arg3[%mul3A_911] : memref<134217728xf32, #tpu.memory_space<hbm>> -> memref<65536xf32, #tpu.memory_space<hbm>>
    %dma_start3A_915 = tpu.memref_slice %arg3[%mul3A_911] : memref<134217728xf32, #tpu.memory_space<hbm>> -> memref<65536xf32, #tpu.memory_space<hbm>>
    %dma_start3A_916 = arith.constant 1664 : i32
    %dma_start3A_917 = tpu.memref_slice %arg4[%dma_start3A_916] : memref<69632xf32, #tpu.memory_space<vmem>> -> memref<65536xf32, #tpu.memory_space<vmem>>
    tpu.enqueue_dma source(%dma_start3A_917 : memref<65536xf32, #tpu.memory_space<vmem>>) target(%dma_start3A_915 : memref<65536xf32, #tpu.memory_space<hbm>>) target_semaphore(%arg5 : memref<!tpu.dma_semaphore, #tpu.memory_space<semaphore_mem>>)
    %add3A_918 = arith.constant 19 : i32
    %add3A_919 = arith.addi %mul3A_2, %add3A_918 : i32
    %mul3A_920 = arith.constant 1024 : i32
    %mul3A_921 = arith.muli %add3A_919, %mul3A_920 : i32
    %add3A_922 = arith.constant 512 : i32
    %add3A_923 = arith.addi %mul3A_921, %add3A_922 : i32
    %mul3A_924 = arith.constant 128 : i32
    %mul3A_925 = arith.muli %add3A_923, %mul3A_924 : i32
    %dma_start3A_926 = arith.constant 1536 : i32
    %dma_start3A_927 = tpu.memref_slice %arg4[%dma_start3A_926] : memref<69632xf32, #tpu.memory_space<vmem>> -> memref<65536xf32, #tpu.memory_space<vmem>>
    %dma_start3A_928 = tpu.memref_slice %arg3[%mul3A_925] : memref<134217728xf32, #tpu.memory_space<hbm>> -> memref<65536xf32, #tpu.memory_space<hbm>>
    %dma_start3A_929 = tpu.memref_slice %arg3[%mul3A_925] : memref<134217728xf32, #tpu.memory_space<hbm>> -> memref<65536xf32, #tpu.memory_space<hbm>>
    %dma_start3A_930 = arith.constant 1536 : i32
    %dma_start3A_931 = tpu.memref_slice %arg4[%dma_start3A_930] : memref<69632xf32, #tpu.memory_space<vmem>> -> memref<65536xf32, #tpu.memory_space<vmem>>
    tpu.enqueue_dma source(%dma_start3A_931 : memref<65536xf32, #tpu.memory_space<vmem>>) target(%dma_start3A_929 : memref<65536xf32, #tpu.memory_space<hbm>>) target_semaphore(%arg5 : memref<!tpu.dma_semaphore, #tpu.memory_space<semaphore_mem>>)
    %add3A_932 = arith.constant 20 : i32
    %add3A_933 = arith.addi %mul3A_2, %add3A_932 : i32
    %mul3A_934 = arith.constant 1024 : i32
    %mul3A_935 = arith.muli %add3A_933, %mul3A_934 : i32
    %add3A_936 = arith.constant 512 : i32
    %add3A_937 = arith.addi %mul3A_935, %add3A_936 : i32
    %mul3A_938 = arith.constant 128 : i32
    %mul3A_939 = arith.muli %add3A_937, %mul3A_938 : i32
    %dma_start3A_940 = arith.constant 1408 : i32
    %dma_start3A_941 = tpu.memref_slice %arg4[%dma_start3A_940] : memref<69632xf32, #tpu.memory_space<vmem>> -> memref<65536xf32, #tpu.memory_space<vmem>>
    %dma_start3A_942 = tpu.memref_slice %arg3[%mul3A_939] : memref<134217728xf32, #tpu.memory_space<hbm>> -> memref<65536xf32, #tpu.memory_space<hbm>>
    %dma_start3A_943 = tpu.memref_slice %arg3[%mul3A_939] : memref<134217728xf32, #tpu.memory_space<hbm>> -> memref<65536xf32, #tpu.memory_space<hbm>>
    %dma_start3A_944 = arith.constant 1408 : i32
    %dma_start3A_945 = tpu.memref_slice %arg4[%dma_start3A_944] : memref<69632xf32, #tpu.memory_space<vmem>> -> memref<65536xf32, #tpu.memory_space<vmem>>
    tpu.enqueue_dma source(%dma_start3A_945 : memref<65536xf32, #tpu.memory_space<vmem>>) target(%dma_start3A_943 : memref<65536xf32, #tpu.memory_space<hbm>>) target_semaphore(%arg5 : memref<!tpu.dma_semaphore, #tpu.memory_space<semaphore_mem>>)
    %add3A_946 = arith.constant 21 : i32
    %add3A_947 = arith.addi %mul3A_2, %add3A_946 : i32
    %mul3A_948 = arith.constant 1024 : i32
    %mul3A_949 = arith.muli %add3A_947, %mul3A_948 : i32
    %add3A_950 = arith.constant 512 : i32
    %add3A_951 = arith.addi %mul3A_949, %add3A_950 : i32
    %mul3A_952 = arith.constant 128 : i32
    %mul3A_953 = arith.muli %add3A_951, %mul3A_952 : i32
    %dma_start3A_954 = arith.constant 1280 : i32
    %dma_start3A_955 = tpu.memref_slice %arg4[%dma_start3A_954] : memref<69632xf32, #tpu.memory_space<vmem>> -> memref<65536xf32, #tpu.memory_space<vmem>>
    %dma_start3A_956 = tpu.memref_slice %arg3[%mul3A_953] : memref<134217728xf32, #tpu.memory_space<hbm>> -> memref<65536xf32, #tpu.memory_space<hbm>>
    %dma_start3A_957 = tpu.memref_slice %arg3[%mul3A_953] : memref<134217728xf32, #tpu.memory_space<hbm>> -> memref<65536xf32, #tpu.memory_space<hbm>>
    %dma_start3A_958 = arith.constant 1280 : i32
    %dma_start3A_959 = tpu.memref_slice %arg4[%dma_start3A_958] : memref<69632xf32, #tpu.memory_space<vmem>> -> memref<65536xf32, #tpu.memory_space<vmem>>
    tpu.enqueue_dma source(%dma_start3A_959 : memref<65536xf32, #tpu.memory_space<vmem>>) target(%dma_start3A_957 : memref<65536xf32, #tpu.memory_space<hbm>>) target_semaphore(%arg5 : memref<!tpu.dma_semaphore, #tpu.memory_space<semaphore_mem>>)
    %add3A_960 = arith.constant 22 : i32
    %add3A_961 = arith.addi %mul3A_2, %add3A_960 : i32
    %mul3A_962 = arith.constant 1024 : i32
    %mul3A_963 = arith.muli %add3A_961, %mul3A_962 : i32
    %add3A_964 = arith.constant 512 : i32
    %add3A_965 = arith.addi %mul3A_963, %add3A_964 : i32
    %mul3A_966 = arith.constant 128 : i32
    %mul3A_967 = arith.muli %add3A_965, %mul3A_966 : i32
    %dma_start3A_968 = arith.constant 1152 : i32
    %dma_start3A_969 = tpu.memref_slice %arg4[%dma_start3A_968] : memref<69632xf32, #tpu.memory_space<vmem>> -> memref<65536xf32, #tpu.memory_space<vmem>>
    %dma_start3A_970 = tpu.memref_slice %arg3[%mul3A_967] : memref<134217728xf32, #tpu.memory_space<hbm>> -> memref<65536xf32, #tpu.memory_space<hbm>>
    %dma_start3A_971 = tpu.memref_slice %arg3[%mul3A_967] : memref<134217728xf32, #tpu.memory_space<hbm>> -> memref<65536xf32, #tpu.memory_space<hbm>>
    %dma_start3A_972 = arith.constant 1152 : i32
    %dma_start3A_973 = tpu.memref_slice %arg4[%dma_start3A_972] : memref<69632xf32, #tpu.memory_space<vmem>> -> memref<65536xf32, #tpu.memory_space<vmem>>
    tpu.enqueue_dma source(%dma_start3A_973 : memref<65536xf32, #tpu.memory_space<vmem>>) target(%dma_start3A_971 : memref<65536xf32, #tpu.memory_space<hbm>>) target_semaphore(%arg5 : memref<!tpu.dma_semaphore, #tpu.memory_space<semaphore_mem>>)
    %add3A_974 = arith.constant 23 : i32
    %add3A_975 = arith.addi %mul3A_2, %add3A_974 : i32
    %mul3A_976 = arith.constant 1024 : i32
    %mul3A_977 = arith.muli %add3A_975, %mul3A_976 : i32
    %add3A_978 = arith.constant 512 : i32
    %add3A_979 = arith.addi %mul3A_977, %add3A_978 : i32
    %mul3A_980 = arith.constant 128 : i32
    %mul3A_981 = arith.muli %add3A_979, %mul3A_980 : i32
    %dma_start3A_982 = arith.constant 1024 : i32
    %dma_start3A_983 = tpu.memref_slice %arg4[%dma_start3A_982] : memref<69632xf32, #tpu.memory_space<vmem>> -> memref<65536xf32, #tpu.memory_space<vmem>>
    %dma_start3A_984 = tpu.memref_slice %arg3[%mul3A_981] : memref<134217728xf32, #tpu.memory_space<hbm>> -> memref<65536xf32, #tpu.memory_space<hbm>>
    %dma_start3A_985 = tpu.memref_slice %arg3[%mul3A_981] : memref<134217728xf32, #tpu.memory_space<hbm>> -> memref<65536xf32, #tpu.memory_space<hbm>>
    %dma_start3A_986 = arith.constant 1024 : i32
    %dma_start3A_987 = tpu.memref_slice %arg4[%dma_start3A_986] : memref<69632xf32, #tpu.memory_space<vmem>> -> memref<65536xf32, #tpu.memory_space<vmem>>
    tpu.enqueue_dma source(%dma_start3A_987 : memref<65536xf32, #tpu.memory_space<vmem>>) target(%dma_start3A_985 : memref<65536xf32, #tpu.memory_space<hbm>>) target_semaphore(%arg5 : memref<!tpu.dma_semaphore, #tpu.memory_space<semaphore_mem>>)
    %add3A_988 = arith.constant 24 : i32
    %add3A_989 = arith.addi %mul3A_2, %add3A_988 : i32
    %mul3A_990 = arith.constant 1024 : i32
    %mul3A_991 = arith.muli %add3A_989, %mul3A_990 : i32
    %add3A_992 = arith.constant 512 : i32
    %add3A_993 = arith.addi %mul3A_991, %add3A_992 : i32
    %mul3A_994 = arith.constant 128 : i32
    %mul3A_995 = arith.muli %add3A_993, %mul3A_994 : i32
    %dma_start3A_996 = arith.constant 896 : i32
    %dma_start3A_997 = tpu.memref_slice %arg4[%dma_start3A_996] : memref<69632xf32, #tpu.memory_space<vmem>> -> memref<65536xf32, #tpu.memory_space<vmem>>
    %dma_start3A_998 = tpu.memref_slice %arg3[%mul3A_995] : memref<134217728xf32, #tpu.memory_space<hbm>> -> memref<65536xf32, #tpu.memory_space<hbm>>
    %dma_start3A_999 = tpu.memref_slice %arg3[%mul3A_995] : memref<134217728xf32, #tpu.memory_space<hbm>> -> memref<65536xf32, #tpu.memory_space<hbm>>
    %dma_start3A_1000 = arith.constant 896 : i32
    %dma_start3A_1001 = tpu.memref_slice %arg4[%dma_start3A_1000] : memref<69632xf32, #tpu.memory_space<vmem>> -> memref<65536xf32, #tpu.memory_space<vmem>>
    tpu.enqueue_dma source(%dma_start3A_1001 : memref<65536xf32, #tpu.memory_space<vmem>>) target(%dma_start3A_999 : memref<65536xf32, #tpu.memory_space<hbm>>) target_semaphore(%arg5 : memref<!tpu.dma_semaphore, #tpu.memory_space<semaphore_mem>>)
    %add3A_1002 = arith.constant 25 : i32
    %add3A_1003 = arith.addi %mul3A_2, %add3A_1002 : i32
    %mul3A_1004 = arith.constant 1024 : i32
    %mul3A_1005 = arith.muli %add3A_1003, %mul3A_1004 : i32
    %add3A_1006 = arith.constant 512 : i32
    %add3A_1007 = arith.addi %mul3A_1005, %add3A_1006 : i32
    %mul3A_1008 = arith.constant 128 : i32
    %mul3A_1009 = arith.muli %add3A_1007, %mul3A_1008 : i32
    %dma_start3A_1010 = arith.constant 768 : i32
    %dma_start3A_1011 = tpu.memref_slice %arg4[%dma_start3A_1010] : memref<69632xf32, #tpu.memory_space<vmem>> -> memref<65536xf32, #tpu.memory_space<vmem>>
    %dma_start3A_1012 = tpu.memref_slice %arg3[%mul3A_1009] : memref<134217728xf32, #tpu.memory_space<hbm>> -> memref<65536xf32, #tpu.memory_space<hbm>>
    %dma_start3A_1013 = tpu.memref_slice %arg3[%mul3A_1009] : memref<134217728xf32, #tpu.memory_space<hbm>> -> memref<65536xf32, #tpu.memory_space<hbm>>
    %dma_start3A_1014 = arith.constant 768 : i32
    %dma_start3A_1015 = tpu.memref_slice %arg4[%dma_start3A_1014] : memref<69632xf32, #tpu.memory_space<vmem>> -> memref<65536xf32, #tpu.memory_space<vmem>>
    tpu.enqueue_dma source(%dma_start3A_1015 : memref<65536xf32, #tpu.memory_space<vmem>>) target(%dma_start3A_1013 : memref<65536xf32, #tpu.memory_space<hbm>>) target_semaphore(%arg5 : memref<!tpu.dma_semaphore, #tpu.memory_space<semaphore_mem>>)
    %add3A_1016 = arith.constant 26 : i32
    %add3A_1017 = arith.addi %mul3A_2, %add3A_1016 : i32
    %mul3A_1018 = arith.constant 1024 : i32
    %mul3A_1019 = arith.muli %add3A_1017, %mul3A_1018 : i32
    %add3A_1020 = arith.constant 512 : i32
    %add3A_1021 = arith.addi %mul3A_1019, %add3A_1020 : i32
    %mul3A_1022 = arith.constant 128 : i32
    %mul3A_1023 = arith.muli %add3A_1021, %mul3A_1022 : i32
    %dma_start3A_1024 = arith.constant 640 : i32
    %dma_start3A_1025 = tpu.memref_slice %arg4[%dma_start3A_1024] : memref<69632xf32, #tpu.memory_space<vmem>> -> memref<65536xf32, #tpu.memory_space<vmem>>
    %dma_start3A_1026 = tpu.memref_slice %arg3[%mul3A_1023] : memref<134217728xf32, #tpu.memory_space<hbm>> -> memref<65536xf32, #tpu.memory_space<hbm>>
    %dma_start3A_1027 = tpu.memref_slice %arg3[%mul3A_1023] : memref<134217728xf32, #tpu.memory_space<hbm>> -> memref<65536xf32, #tpu.memory_space<hbm>>
    %dma_start3A_1028 = arith.constant 640 : i32
    %dma_start3A_1029 = tpu.memref_slice %arg4[%dma_start3A_1028] : memref<69632xf32, #tpu.memory_space<vmem>> -> memref<65536xf32, #tpu.memory_space<vmem>>
    tpu.enqueue_dma source(%dma_start3A_1029 : memref<65536xf32, #tpu.memory_space<vmem>>) target(%dma_start3A_1027 : memref<65536xf32, #tpu.memory_space<hbm>>) target_semaphore(%arg5 : memref<!tpu.dma_semaphore, #tpu.memory_space<semaphore_mem>>)
    %add3A_1030 = arith.constant 27 : i32
    %add3A_1031 = arith.addi %mul3A_2, %add3A_1030 : i32
    %mul3A_1032 = arith.constant 1024 : i32
    %mul3A_1033 = arith.muli %add3A_1031, %mul3A_1032 : i32
    %add3A_1034 = arith.constant 512 : i32
    %add3A_1035 = arith.addi %mul3A_1033, %add3A_1034 : i32
    %mul3A_1036 = arith.constant 128 : i32
    %mul3A_1037 = arith.muli %add3A_1035, %mul3A_1036 : i32
    %dma_start3A_1038 = arith.constant 512 : i32
    %dma_start3A_1039 = tpu.memref_slice %arg4[%dma_start3A_1038] : memref<69632xf32, #tpu.memory_space<vmem>> -> memref<65536xf32, #tpu.memory_space<vmem>>
    %dma_start3A_1040 = tpu.memref_slice %arg3[%mul3A_1037] : memref<134217728xf32, #tpu.memory_space<hbm>> -> memref<65536xf32, #tpu.memory_space<hbm>>
    %dma_start3A_1041 = tpu.memref_slice %arg3[%mul3A_1037] : memref<134217728xf32, #tpu.memory_space<hbm>> -> memref<65536xf32, #tpu.memory_space<hbm>>
    %dma_start3A_1042 = arith.constant 512 : i32
    %dma_start3A_1043 = tpu.memref_slice %arg4[%dma_start3A_1042] : memref<69632xf32, #tpu.memory_space<vmem>> -> memref<65536xf32, #tpu.memory_space<vmem>>
    tpu.enqueue_dma source(%dma_start3A_1043 : memref<65536xf32, #tpu.memory_space<vmem>>) target(%dma_start3A_1041 : memref<65536xf32, #tpu.memory_space<hbm>>) target_semaphore(%arg5 : memref<!tpu.dma_semaphore, #tpu.memory_space<semaphore_mem>>)
    %add3A_1044 = arith.constant 28 : i32
    %add3A_1045 = arith.addi %mul3A_2, %add3A_1044 : i32
    %mul3A_1046 = arith.constant 1024 : i32
    %mul3A_1047 = arith.muli %add3A_1045, %mul3A_1046 : i32
    %add3A_1048 = arith.constant 512 : i32
    %add3A_1049 = arith.addi %mul3A_1047, %add3A_1048 : i32
    %mul3A_1050 = arith.constant 128 : i32
    %mul3A_1051 = arith.muli %add3A_1049, %mul3A_1050 : i32
    %dma_start3A_1052 = arith.constant 384 : i32
    %dma_start3A_1053 = tpu.memref_slice %arg4[%dma_start3A_1052] : memref<69632xf32, #tpu.memory_space<vmem>> -> memref<65536xf32, #tpu.memory_space<vmem>>
    %dma_start3A_1054 = tpu.memref_slice %arg3[%mul3A_1051] : memref<134217728xf32, #tpu.memory_space<hbm>> -> memref<65536xf32, #tpu.memory_space<hbm>>
    %dma_start3A_1055 = tpu.memref_slice %arg3[%mul3A_1051] : memref<134217728xf32, #tpu.memory_space<hbm>> -> memref<65536xf32, #tpu.memory_space<hbm>>
    %dma_start3A_1056 = arith.constant 384 : i32
    %dma_start3A_1057 = tpu.memref_slice %arg4[%dma_start3A_1056] : memref<69632xf32, #tpu.memory_space<vmem>> -> memref<65536xf32, #tpu.memory_space<vmem>>
    tpu.enqueue_dma source(%dma_start3A_1057 : memref<65536xf32, #tpu.memory_space<vmem>>) target(%dma_start3A_1055 : memref<65536xf32, #tpu.memory_space<hbm>>) target_semaphore(%arg5 : memref<!tpu.dma_semaphore, #tpu.memory_space<semaphore_mem>>)
    %add3A_1058 = arith.constant 29 : i32
    %add3A_1059 = arith.addi %mul3A_2, %add3A_1058 : i32
    %mul3A_1060 = arith.constant 1024 : i32
    %mul3A_1061 = arith.muli %add3A_1059, %mul3A_1060 : i32
    %add3A_1062 = arith.constant 512 : i32
    %add3A_1063 = arith.addi %mul3A_1061, %add3A_1062 : i32
    %mul3A_1064 = arith.constant 128 : i32
    %mul3A_1065 = arith.muli %add3A_1063, %mul3A_1064 : i32
    %dma_start3A_1066 = arith.constant 256 : i32
    %dma_start3A_1067 = tpu.memref_slice %arg4[%dma_start3A_1066] : memref<69632xf32, #tpu.memory_space<vmem>> -> memref<65536xf32, #tpu.memory_space<vmem>>
    %dma_start3A_1068 = tpu.memref_slice %arg3[%mul3A_1065] : memref<134217728xf32, #tpu.memory_space<hbm>> -> memref<65536xf32, #tpu.memory_space<hbm>>
    %dma_start3A_1069 = tpu.memref_slice %arg3[%mul3A_1065] : memref<134217728xf32, #tpu.memory_space<hbm>> -> memref<65536xf32, #tpu.memory_space<hbm>>
    %dma_start3A_1070 = arith.constant 256 : i32
    %dma_start3A_1071 = tpu.memref_slice %arg4[%dma_start3A_1070] : memref<69632xf32, #tpu.memory_space<vmem>> -> memref<65536xf32, #tpu.memory_space<vmem>>
    tpu.enqueue_dma source(%dma_start3A_1071 : memref<65536xf32, #tpu.memory_space<vmem>>) target(%dma_start3A_1069 : memref<65536xf32, #tpu.memory_space<hbm>>) target_semaphore(%arg5 : memref<!tpu.dma_semaphore, #tpu.memory_space<semaphore_mem>>)
    %add3A_1072 = arith.constant 30 : i32
    %add3A_1073 = arith.addi %mul3A_2, %add3A_1072 : i32
    %mul3A_1074 = arith.constant 1024 : i32
    %mul3A_1075 = arith.muli %add3A_1073, %mul3A_1074 : i32
    %add3A_1076 = arith.constant 512 : i32
    %add3A_1077 = arith.addi %mul3A_1075, %add3A_1076 : i32
    %mul3A_1078 = arith.constant 128 : i32
    %mul3A_1079 = arith.muli %add3A_1077, %mul3A_1078 : i32
    %dma_start3A_1080 = arith.constant 128 : i32
    %dma_start3A_1081 = tpu.memref_slice %arg4[%dma_start3A_1080] : memref<69632xf32, #tpu.memory_space<vmem>> -> memref<65536xf32, #tpu.memory_space<vmem>>
    %dma_start3A_1082 = tpu.memref_slice %arg3[%mul3A_1079] : memref<134217728xf32, #tpu.memory_space<hbm>> -> memref<65536xf32, #tpu.memory_space<hbm>>
    %dma_start3A_1083 = tpu.memref_slice %arg3[%mul3A_1079] : memref<134217728xf32, #tpu.memory_space<hbm>> -> memref<65536xf32, #tpu.memory_space<hbm>>
    %dma_start3A_1084 = arith.constant 128 : i32
    %dma_start3A_1085 = tpu.memref_slice %arg4[%dma_start3A_1084] : memref<69632xf32, #tpu.memory_space<vmem>> -> memref<65536xf32, #tpu.memory_space<vmem>>
    tpu.enqueue_dma source(%dma_start3A_1085 : memref<65536xf32, #tpu.memory_space<vmem>>) target(%dma_start3A_1083 : memref<65536xf32, #tpu.memory_space<hbm>>) target_semaphore(%arg5 : memref<!tpu.dma_semaphore, #tpu.memory_space<semaphore_mem>>)
    %add3A_1086 = arith.constant 31 : i32
    %add3A_1087 = arith.addi %mul3A_2, %add3A_1086 : i32
    %mul3A_1088 = arith.constant 1024 : i32
    %mul3A_1089 = arith.muli %add3A_1087, %mul3A_1088 : i32
    %add3A_1090 = arith.constant 512 : i32
    %add3A_1091 = arith.addi %mul3A_1089, %add3A_1090 : i32
    %mul3A_1092 = arith.constant 128 : i32
    %mul3A_1093 = arith.muli %add3A_1091, %mul3A_1092 : i32
    %dma_start3A_1094 = arith.constant 0 : i32
    %dma_start3A_1095 = tpu.memref_slice %arg4[%dma_start3A_1094] : memref<69632xf32, #tpu.memory_space<vmem>> -> memref<65536xf32, #tpu.memory_space<vmem>>
    %dma_start3A_1096 = tpu.memref_slice %arg3[%mul3A_1093] : memref<134217728xf32, #tpu.memory_space<hbm>> -> memref<65536xf32, #tpu.memory_space<hbm>>
    %dma_start3A_1097 = tpu.memref_slice %arg3[%mul3A_1093] : memref<134217728xf32, #tpu.memory_space<hbm>> -> memref<65536xf32, #tpu.memory_space<hbm>>
    %dma_start3A_1098 = arith.constant 0 : i32
    %dma_start3A_1099 = tpu.memref_slice %arg4[%dma_start3A_1098] : memref<69632xf32, #tpu.memory_space<vmem>> -> memref<65536xf32, #tpu.memory_space<vmem>>
    tpu.enqueue_dma source(%dma_start3A_1099 : memref<65536xf32, #tpu.memory_space<vmem>>) target(%dma_start3A_1097 : memref<65536xf32, #tpu.memory_space<hbm>>) target_semaphore(%arg5 : memref<!tpu.dma_semaphore, #tpu.memory_space<semaphore_mem>>)
    %dma_wait3A_1100 = arith.constant 3968 : i32
    %dma_wait3A_1101 = tpu.memref_slice %arg4[%dma_wait3A_1100] : memref<69632xf32, #tpu.memory_space<vmem>> -> memref<65536xf32, #tpu.memory_space<vmem>>
    %dma_wait3A_1102 = tpu.memref_slice %arg3[%mul3A_659] : memref<134217728xf32, #tpu.memory_space<hbm>> -> memref<65536xf32, #tpu.memory_space<hbm>>
    %dma_wait3A_1103 = tpu.memref_slice %arg3[%mul3A_659] : memref<134217728xf32, #tpu.memory_space<hbm>> -> memref<65536xf32, #tpu.memory_space<hbm>>
    %dma_wait3A_1104 = arith.constant 3968 : i32
    %dma_wait3A_1105 = tpu.memref_slice %arg4[%dma_wait3A_1104] : memref<69632xf32, #tpu.memory_space<vmem>> -> memref<65536xf32, #tpu.memory_space<vmem>>
    tpu.wait_dma2 semaphore(%arg5 : memref<!tpu.dma_semaphore, #tpu.memory_space<semaphore_mem>>) src(%dma_wait3A_1105 : memref<65536xf32, #tpu.memory_space<vmem>>) dst(%dma_wait3A_1103 : memref<65536xf32, #tpu.memory_space<hbm>>)
    %dma_wait3A_1106 = arith.constant 3840 : i32
    %dma_wait3A_1107 = tpu.memref_slice %arg4[%dma_wait3A_1106] : memref<69632xf32, #tpu.memory_space<vmem>> -> memref<65536xf32, #tpu.memory_space<vmem>>
    %dma_wait3A_1108 = tpu.memref_slice %arg3[%mul3A_673] : memref<134217728xf32, #tpu.memory_space<hbm>> -> memref<65536xf32, #tpu.memory_space<hbm>>
    %dma_wait3A_1109 = tpu.memref_slice %arg3[%mul3A_673] : memref<134217728xf32, #tpu.memory_space<hbm>> -> memref<65536xf32, #tpu.memory_space<hbm>>
    %dma_wait3A_1110 = arith.constant 3840 : i32
    %dma_wait3A_1111 = tpu.memref_slice %arg4[%dma_wait3A_1110] : memref<69632xf32, #tpu.memory_space<vmem>> -> memref<65536xf32, #tpu.memory_space<vmem>>
    tpu.wait_dma2 semaphore(%arg5 : memref<!tpu.dma_semaphore, #tpu.memory_space<semaphore_mem>>) src(%dma_wait3A_1111 : memref<65536xf32, #tpu.memory_space<vmem>>) dst(%dma_wait3A_1109 : memref<65536xf32, #tpu.memory_space<hbm>>)
    %dma_wait3A_1112 = arith.constant 3712 : i32
    %dma_wait3A_1113 = tpu.memref_slice %arg4[%dma_wait3A_1112] : memref<69632xf32, #tpu.memory_space<vmem>> -> memref<65536xf32, #tpu.memory_space<vmem>>
    %dma_wait3A_1114 = tpu.memref_slice %arg3[%mul3A_687] : memref<134217728xf32, #tpu.memory_space<hbm>> -> memref<65536xf32, #tpu.memory_space<hbm>>
    %dma_wait3A_1115 = tpu.memref_slice %arg3[%mul3A_687] : memref<134217728xf32, #tpu.memory_space<hbm>> -> memref<65536xf32, #tpu.memory_space<hbm>>
    %dma_wait3A_1116 = arith.constant 3712 : i32
    %dma_wait3A_1117 = tpu.memref_slice %arg4[%dma_wait3A_1116] : memref<69632xf32, #tpu.memory_space<vmem>> -> memref<65536xf32, #tpu.memory_space<vmem>>
    tpu.wait_dma2 semaphore(%arg5 : memref<!tpu.dma_semaphore, #tpu.memory_space<semaphore_mem>>) src(%dma_wait3A_1117 : memref<65536xf32, #tpu.memory_space<vmem>>) dst(%dma_wait3A_1115 : memref<65536xf32, #tpu.memory_space<hbm>>)
    %dma_wait3A_1118 = arith.constant 3584 : i32
    %dma_wait3A_1119 = tpu.memref_slice %arg4[%dma_wait3A_1118] : memref<69632xf32, #tpu.memory_space<vmem>> -> memref<65536xf32, #tpu.memory_space<vmem>>
    %dma_wait3A_1120 = tpu.memref_slice %arg3[%mul3A_701] : memref<134217728xf32, #tpu.memory_space<hbm>> -> memref<65536xf32, #tpu.memory_space<hbm>>
    %dma_wait3A_1121 = tpu.memref_slice %arg3[%mul3A_701] : memref<134217728xf32, #tpu.memory_space<hbm>> -> memref<65536xf32, #tpu.memory_space<hbm>>
    %dma_wait3A_1122 = arith.constant 3584 : i32
    %dma_wait3A_1123 = tpu.memref_slice %arg4[%dma_wait3A_1122] : memref<69632xf32, #tpu.memory_space<vmem>> -> memref<65536xf32, #tpu.memory_space<vmem>>
    tpu.wait_dma2 semaphore(%arg5 : memref<!tpu.dma_semaphore, #tpu.memory_space<semaphore_mem>>) src(%dma_wait3A_1123 : memref<65536xf32, #tpu.memory_space<vmem>>) dst(%dma_wait3A_1121 : memref<65536xf32, #tpu.memory_space<hbm>>)
    %dma_wait3A_1124 = arith.constant 3456 : i32
    %dma_wait3A_1125 = tpu.memref_slice %arg4[%dma_wait3A_1124] : memref<69632xf32, #tpu.memory_space<vmem>> -> memref<65536xf32, #tpu.memory_space<vmem>>
    %dma_wait3A_1126 = tpu.memref_slice %arg3[%mul3A_715] : memref<134217728xf32, #tpu.memory_space<hbm>> -> memref<65536xf32, #tpu.memory_space<hbm>>
    %dma_wait3A_1127 = tpu.memref_slice %arg3[%mul3A_715] : memref<134217728xf32, #tpu.memory_space<hbm>> -> memref<65536xf32, #tpu.memory_space<hbm>>
    %dma_wait3A_1128 = arith.constant 3456 : i32
    %dma_wait3A_1129 = tpu.memref_slice %arg4[%dma_wait3A_1128] : memref<69632xf32, #tpu.memory_space<vmem>> -> memref<65536xf32, #tpu.memory_space<vmem>>
    tpu.wait_dma2 semaphore(%arg5 : memref<!tpu.dma_semaphore, #tpu.memory_space<semaphore_mem>>) src(%dma_wait3A_1129 : memref<65536xf32, #tpu.memory_space<vmem>>) dst(%dma_wait3A_1127 : memref<65536xf32, #tpu.memory_space<hbm>>)
    %dma_wait3A_1130 = arith.constant 3328 : i32
    %dma_wait3A_1131 = tpu.memref_slice %arg4[%dma_wait3A_1130] : memref<69632xf32, #tpu.memory_space<vmem>> -> memref<65536xf32, #tpu.memory_space<vmem>>
    %dma_wait3A_1132 = tpu.memref_slice %arg3[%mul3A_729] : memref<134217728xf32, #tpu.memory_space<hbm>> -> memref<65536xf32, #tpu.memory_space<hbm>>
    %dma_wait3A_1133 = tpu.memref_slice %arg3[%mul3A_729] : memref<134217728xf32, #tpu.memory_space<hbm>> -> memref<65536xf32, #tpu.memory_space<hbm>>
    %dma_wait3A_1134 = arith.constant 3328 : i32
    %dma_wait3A_1135 = tpu.memref_slice %arg4[%dma_wait3A_1134] : memref<69632xf32, #tpu.memory_space<vmem>> -> memref<65536xf32, #tpu.memory_space<vmem>>
    tpu.wait_dma2 semaphore(%arg5 : memref<!tpu.dma_semaphore, #tpu.memory_space<semaphore_mem>>) src(%dma_wait3A_1135 : memref<65536xf32, #tpu.memory_space<vmem>>) dst(%dma_wait3A_1133 : memref<65536xf32, #tpu.memory_space<hbm>>)
    %dma_wait3A_1136 = arith.constant 3200 : i32
    %dma_wait3A_1137 = tpu.memref_slice %arg4[%dma_wait3A_1136] : memref<69632xf32, #tpu.memory_space<vmem>> -> memref<65536xf32, #tpu.memory_space<vmem>>
    %dma_wait3A_1138 = tpu.memref_slice %arg3[%mul3A_743] : memref<134217728xf32, #tpu.memory_space<hbm>> -> memref<65536xf32, #tpu.memory_space<hbm>>
    %dma_wait3A_1139 = tpu.memref_slice %arg3[%mul3A_743] : memref<134217728xf32, #tpu.memory_space<hbm>> -> memref<65536xf32, #tpu.memory_space<hbm>>
    %dma_wait3A_1140 = arith.constant 3200 : i32
    %dma_wait3A_1141 = tpu.memref_slice %arg4[%dma_wait3A_1140] : memref<69632xf32, #tpu.memory_space<vmem>> -> memref<65536xf32, #tpu.memory_space<vmem>>
    tpu.wait_dma2 semaphore(%arg5 : memref<!tpu.dma_semaphore, #tpu.memory_space<semaphore_mem>>) src(%dma_wait3A_1141 : memref<65536xf32, #tpu.memory_space<vmem>>) dst(%dma_wait3A_1139 : memref<65536xf32, #tpu.memory_space<hbm>>)
    %dma_wait3A_1142 = arith.constant 3072 : i32
    %dma_wait3A_1143 = tpu.memref_slice %arg4[%dma_wait3A_1142] : memref<69632xf32, #tpu.memory_space<vmem>> -> memref<65536xf32, #tpu.memory_space<vmem>>
    %dma_wait3A_1144 = tpu.memref_slice %arg3[%mul3A_757] : memref<134217728xf32, #tpu.memory_space<hbm>> -> memref<65536xf32, #tpu.memory_space<hbm>>
    %dma_wait3A_1145 = tpu.memref_slice %arg3[%mul3A_757] : memref<134217728xf32, #tpu.memory_space<hbm>> -> memref<65536xf32, #tpu.memory_space<hbm>>
    %dma_wait3A_1146 = arith.constant 3072 : i32
    %dma_wait3A_1147 = tpu.memref_slice %arg4[%dma_wait3A_1146] : memref<69632xf32, #tpu.memory_space<vmem>> -> memref<65536xf32, #tpu.memory_space<vmem>>
    tpu.wait_dma2 semaphore(%arg5 : memref<!tpu.dma_semaphore, #tpu.memory_space<semaphore_mem>>) src(%dma_wait3A_1147 : memref<65536xf32, #tpu.memory_space<vmem>>) dst(%dma_wait3A_1145 : memref<65536xf32, #tpu.memory_space<hbm>>)
    %dma_wait3A_1148 = arith.constant 2944 : i32
    %dma_wait3A_1149 = tpu.memref_slice %arg4[%dma_wait3A_1148] : memref<69632xf32, #tpu.memory_space<vmem>> -> memref<65536xf32, #tpu.memory_space<vmem>>
    %dma_wait3A_1150 = tpu.memref_slice %arg3[%mul3A_771] : memref<134217728xf32, #tpu.memory_space<hbm>> -> memref<65536xf32, #tpu.memory_space<hbm>>
    %dma_wait3A_1151 = tpu.memref_slice %arg3[%mul3A_771] : memref<134217728xf32, #tpu.memory_space<hbm>> -> memref<65536xf32, #tpu.memory_space<hbm>>
    %dma_wait3A_1152 = arith.constant 2944 : i32
    %dma_wait3A_1153 = tpu.memref_slice %arg4[%dma_wait3A_1152] : memref<69632xf32, #tpu.memory_space<vmem>> -> memref<65536xf32, #tpu.memory_space<vmem>>
    tpu.wait_dma2 semaphore(%arg5 : memref<!tpu.dma_semaphore, #tpu.memory_space<semaphore_mem>>) src(%dma_wait3A_1153 : memref<65536xf32, #tpu.memory_space<vmem>>) dst(%dma_wait3A_1151 : memref<65536xf32, #tpu.memory_space<hbm>>)
    %dma_wait3A_1154 = arith.constant 2816 : i32
    %dma_wait3A_1155 = tpu.memref_slice %arg4[%dma_wait3A_1154] : memref<69632xf32, #tpu.memory_space<vmem>> -> memref<65536xf32, #tpu.memory_space<vmem>>
    %dma_wait3A_1156 = tpu.memref_slice %arg3[%mul3A_785] : memref<134217728xf32, #tpu.memory_space<hbm>> -> memref<65536xf32, #tpu.memory_space<hbm>>
    %dma_wait3A_1157 = tpu.memref_slice %arg3[%mul3A_785] : memref<134217728xf32, #tpu.memory_space<hbm>> -> memref<65536xf32, #tpu.memory_space<hbm>>
    %dma_wait3A_1158 = arith.constant 2816 : i32
    %dma_wait3A_1159 = tpu.memref_slice %arg4[%dma_wait3A_1158] : memref<69632xf32, #tpu.memory_space<vmem>> -> memref<65536xf32, #tpu.memory_space<vmem>>
    tpu.wait_dma2 semaphore(%arg5 : memref<!tpu.dma_semaphore, #tpu.memory_space<semaphore_mem>>) src(%dma_wait3A_1159 : memref<65536xf32, #tpu.memory_space<vmem>>) dst(%dma_wait3A_1157 : memref<65536xf32, #tpu.memory_space<hbm>>)
    %dma_wait3A_1160 = arith.constant 2688 : i32
    %dma_wait3A_1161 = tpu.memref_slice %arg4[%dma_wait3A_1160] : memref<69632xf32, #tpu.memory_space<vmem>> -> memref<65536xf32, #tpu.memory_space<vmem>>
    %dma_wait3A_1162 = tpu.memref_slice %arg3[%mul3A_799] : memref<134217728xf32, #tpu.memory_space<hbm>> -> memref<65536xf32, #tpu.memory_space<hbm>>
    %dma_wait3A_1163 = tpu.memref_slice %arg3[%mul3A_799] : memref<134217728xf32, #tpu.memory_space<hbm>> -> memref<65536xf32, #tpu.memory_space<hbm>>
    %dma_wait3A_1164 = arith.constant 2688 : i32
    %dma_wait3A_1165 = tpu.memref_slice %arg4[%dma_wait3A_1164] : memref<69632xf32, #tpu.memory_space<vmem>> -> memref<65536xf32, #tpu.memory_space<vmem>>
    tpu.wait_dma2 semaphore(%arg5 : memref<!tpu.dma_semaphore, #tpu.memory_space<semaphore_mem>>) src(%dma_wait3A_1165 : memref<65536xf32, #tpu.memory_space<vmem>>) dst(%dma_wait3A_1163 : memref<65536xf32, #tpu.memory_space<hbm>>)
    %dma_wait3A_1166 = arith.constant 2560 : i32
    %dma_wait3A_1167 = tpu.memref_slice %arg4[%dma_wait3A_1166] : memref<69632xf32, #tpu.memory_space<vmem>> -> memref<65536xf32, #tpu.memory_space<vmem>>
    %dma_wait3A_1168 = tpu.memref_slice %arg3[%mul3A_813] : memref<134217728xf32, #tpu.memory_space<hbm>> -> memref<65536xf32, #tpu.memory_space<hbm>>
    %dma_wait3A_1169 = tpu.memref_slice %arg3[%mul3A_813] : memref<134217728xf32, #tpu.memory_space<hbm>> -> memref<65536xf32, #tpu.memory_space<hbm>>
    %dma_wait3A_1170 = arith.constant 2560 : i32
    %dma_wait3A_1171 = tpu.memref_slice %arg4[%dma_wait3A_1170] : memref<69632xf32, #tpu.memory_space<vmem>> -> memref<65536xf32, #tpu.memory_space<vmem>>
    tpu.wait_dma2 semaphore(%arg5 : memref<!tpu.dma_semaphore, #tpu.memory_space<semaphore_mem>>) src(%dma_wait3A_1171 : memref<65536xf32, #tpu.memory_space<vmem>>) dst(%dma_wait3A_1169 : memref<65536xf32, #tpu.memory_space<hbm>>)
    %dma_wait3A_1172 = arith.constant 2432 : i32
    %dma_wait3A_1173 = tpu.memref_slice %arg4[%dma_wait3A_1172] : memref<69632xf32, #tpu.memory_space<vmem>> -> memref<65536xf32, #tpu.memory_space<vmem>>
    %dma_wait3A_1174 = tpu.memref_slice %arg3[%mul3A_827] : memref<134217728xf32, #tpu.memory_space<hbm>> -> memref<65536xf32, #tpu.memory_space<hbm>>
    %dma_wait3A_1175 = tpu.memref_slice %arg3[%mul3A_827] : memref<134217728xf32, #tpu.memory_space<hbm>> -> memref<65536xf32, #tpu.memory_space<hbm>>
    %dma_wait3A_1176 = arith.constant 2432 : i32
    %dma_wait3A_1177 = tpu.memref_slice %arg4[%dma_wait3A_1176] : memref<69632xf32, #tpu.memory_space<vmem>> -> memref<65536xf32, #tpu.memory_space<vmem>>
    tpu.wait_dma2 semaphore(%arg5 : memref<!tpu.dma_semaphore, #tpu.memory_space<semaphore_mem>>) src(%dma_wait3A_1177 : memref<65536xf32, #tpu.memory_space<vmem>>) dst(%dma_wait3A_1175 : memref<65536xf32, #tpu.memory_space<hbm>>)
    %dma_wait3A_1178 = arith.constant 2304 : i32
    %dma_wait3A_1179 = tpu.memref_slice %arg4[%dma_wait3A_1178] : memref<69632xf32, #tpu.memory_space<vmem>> -> memref<65536xf32, #tpu.memory_space<vmem>>
    %dma_wait3A_1180 = tpu.memref_slice %arg3[%mul3A_841] : memref<134217728xf32, #tpu.memory_space<hbm>> -> memref<65536xf32, #tpu.memory_space<hbm>>
    %dma_wait3A_1181 = tpu.memref_slice %arg3[%mul3A_841] : memref<134217728xf32, #tpu.memory_space<hbm>> -> memref<65536xf32, #tpu.memory_space<hbm>>
    %dma_wait3A_1182 = arith.constant 2304 : i32
    %dma_wait3A_1183 = tpu.memref_slice %arg4[%dma_wait3A_1182] : memref<69632xf32, #tpu.memory_space<vmem>> -> memref<65536xf32, #tpu.memory_space<vmem>>
    tpu.wait_dma2 semaphore(%arg5 : memref<!tpu.dma_semaphore, #tpu.memory_space<semaphore_mem>>) src(%dma_wait3A_1183 : memref<65536xf32, #tpu.memory_space<vmem>>) dst(%dma_wait3A_1181 : memref<65536xf32, #tpu.memory_space<hbm>>)
    %dma_wait3A_1184 = arith.constant 2176 : i32
    %dma_wait3A_1185 = tpu.memref_slice %arg4[%dma_wait3A_1184] : memref<69632xf32, #tpu.memory_space<vmem>> -> memref<65536xf32, #tpu.memory_space<vmem>>
    %dma_wait3A_1186 = tpu.memref_slice %arg3[%mul3A_855] : memref<134217728xf32, #tpu.memory_space<hbm>> -> memref<65536xf32, #tpu.memory_space<hbm>>
    %dma_wait3A_1187 = tpu.memref_slice %arg3[%mul3A_855] : memref<134217728xf32, #tpu.memory_space<hbm>> -> memref<65536xf32, #tpu.memory_space<hbm>>
    %dma_wait3A_1188 = arith.constant 2176 : i32
    %dma_wait3A_1189 = tpu.memref_slice %arg4[%dma_wait3A_1188] : memref<69632xf32, #tpu.memory_space<vmem>> -> memref<65536xf32, #tpu.memory_space<vmem>>
    tpu.wait_dma2 semaphore(%arg5 : memref<!tpu.dma_semaphore, #tpu.memory_space<semaphore_mem>>) src(%dma_wait3A_1189 : memref<65536xf32, #tpu.memory_space<vmem>>) dst(%dma_wait3A_1187 : memref<65536xf32, #tpu.memory_space<hbm>>)
    %dma_wait3A_1190 = arith.constant 2048 : i32
    %dma_wait3A_1191 = tpu.memref_slice %arg4[%dma_wait3A_1190] : memref<69632xf32, #tpu.memory_space<vmem>> -> memref<65536xf32, #tpu.memory_space<vmem>>
    %dma_wait3A_1192 = tpu.memref_slice %arg3[%mul3A_869] : memref<134217728xf32, #tpu.memory_space<hbm>> -> memref<65536xf32, #tpu.memory_space<hbm>>
    %dma_wait3A_1193 = tpu.memref_slice %arg3[%mul3A_869] : memref<134217728xf32, #tpu.memory_space<hbm>> -> memref<65536xf32, #tpu.memory_space<hbm>>
    %dma_wait3A_1194 = arith.constant 2048 : i32
    %dma_wait3A_1195 = tpu.memref_slice %arg4[%dma_wait3A_1194] : memref<69632xf32, #tpu.memory_space<vmem>> -> memref<65536xf32, #tpu.memory_space<vmem>>
    tpu.wait_dma2 semaphore(%arg5 : memref<!tpu.dma_semaphore, #tpu.memory_space<semaphore_mem>>) src(%dma_wait3A_1195 : memref<65536xf32, #tpu.memory_space<vmem>>) dst(%dma_wait3A_1193 : memref<65536xf32, #tpu.memory_space<hbm>>)
    %dma_wait3A_1196 = arith.constant 1920 : i32
    %dma_wait3A_1197 = tpu.memref_slice %arg4[%dma_wait3A_1196] : memref<69632xf32, #tpu.memory_space<vmem>> -> memref<65536xf32, #tpu.memory_space<vmem>>
    %dma_wait3A_1198 = tpu.memref_slice %arg3[%mul3A_883] : memref<134217728xf32, #tpu.memory_space<hbm>> -> memref<65536xf32, #tpu.memory_space<hbm>>
    %dma_wait3A_1199 = tpu.memref_slice %arg3[%mul3A_883] : memref<134217728xf32, #tpu.memory_space<hbm>> -> memref<65536xf32, #tpu.memory_space<hbm>>
    %dma_wait3A_1200 = arith.constant 1920 : i32
    %dma_wait3A_1201 = tpu.memref_slice %arg4[%dma_wait3A_1200] : memref<69632xf32, #tpu.memory_space<vmem>> -> memref<65536xf32, #tpu.memory_space<vmem>>
    tpu.wait_dma2 semaphore(%arg5 : memref<!tpu.dma_semaphore, #tpu.memory_space<semaphore_mem>>) src(%dma_wait3A_1201 : memref<65536xf32, #tpu.memory_space<vmem>>) dst(%dma_wait3A_1199 : memref<65536xf32, #tpu.memory_space<hbm>>)
    %dma_wait3A_1202 = arith.constant 1792 : i32
    %dma_wait3A_1203 = tpu.memref_slice %arg4[%dma_wait3A_1202] : memref<69632xf32, #tpu.memory_space<vmem>> -> memref<65536xf32, #tpu.memory_space<vmem>>
    %dma_wait3A_1204 = tpu.memref_slice %arg3[%mul3A_897] : memref<134217728xf32, #tpu.memory_space<hbm>> -> memref<65536xf32, #tpu.memory_space<hbm>>
    %dma_wait3A_1205 = tpu.memref_slice %arg3[%mul3A_897] : memref<134217728xf32, #tpu.memory_space<hbm>> -> memref<65536xf32, #tpu.memory_space<hbm>>
    %dma_wait3A_1206 = arith.constant 1792 : i32
    %dma_wait3A_1207 = tpu.memref_slice %arg4[%dma_wait3A_1206] : memref<69632xf32, #tpu.memory_space<vmem>> -> memref<65536xf32, #tpu.memory_space<vmem>>
    tpu.wait_dma2 semaphore(%arg5 : memref<!tpu.dma_semaphore, #tpu.memory_space<semaphore_mem>>) src(%dma_wait3A_1207 : memref<65536xf32, #tpu.memory_space<vmem>>) dst(%dma_wait3A_1205 : memref<65536xf32, #tpu.memory_space<hbm>>)
    %dma_wait3A_1208 = arith.constant 1664 : i32
    %dma_wait3A_1209 = tpu.memref_slice %arg4[%dma_wait3A_1208] : memref<69632xf32, #tpu.memory_space<vmem>> -> memref<65536xf32, #tpu.memory_space<vmem>>
    %dma_wait3A_1210 = tpu.memref_slice %arg3[%mul3A_911] : memref<134217728xf32, #tpu.memory_space<hbm>> -> memref<65536xf32, #tpu.memory_space<hbm>>
    %dma_wait3A_1211 = tpu.memref_slice %arg3[%mul3A_911] : memref<134217728xf32, #tpu.memory_space<hbm>> -> memref<65536xf32, #tpu.memory_space<hbm>>
    %dma_wait3A_1212 = arith.constant 1664 : i32
    %dma_wait3A_1213 = tpu.memref_slice %arg4[%dma_wait3A_1212] : memref<69632xf32, #tpu.memory_space<vmem>> -> memref<65536xf32, #tpu.memory_space<vmem>>
    tpu.wait_dma2 semaphore(%arg5 : memref<!tpu.dma_semaphore, #tpu.memory_space<semaphore_mem>>) src(%dma_wait3A_1213 : memref<65536xf32, #tpu.memory_space<vmem>>) dst(%dma_wait3A_1211 : memref<65536xf32, #tpu.memory_space<hbm>>)
    %dma_wait3A_1214 = arith.constant 1536 : i32
    %dma_wait3A_1215 = tpu.memref_slice %arg4[%dma_wait3A_1214] : memref<69632xf32, #tpu.memory_space<vmem>> -> memref<65536xf32, #tpu.memory_space<vmem>>
    %dma_wait3A_1216 = tpu.memref_slice %arg3[%mul3A_925] : memref<134217728xf32, #tpu.memory_space<hbm>> -> memref<65536xf32, #tpu.memory_space<hbm>>
    %dma_wait3A_1217 = tpu.memref_slice %arg3[%mul3A_925] : memref<134217728xf32, #tpu.memory_space<hbm>> -> memref<65536xf32, #tpu.memory_space<hbm>>
    %dma_wait3A_1218 = arith.constant 1536 : i32
    %dma_wait3A_1219 = tpu.memref_slice %arg4[%dma_wait3A_1218] : memref<69632xf32, #tpu.memory_space<vmem>> -> memref<65536xf32, #tpu.memory_space<vmem>>
    tpu.wait_dma2 semaphore(%arg5 : memref<!tpu.dma_semaphore, #tpu.memory_space<semaphore_mem>>) src(%dma_wait3A_1219 : memref<65536xf32, #tpu.memory_space<vmem>>) dst(%dma_wait3A_1217 : memref<65536xf32, #tpu.memory_space<hbm>>)
    %dma_wait3A_1220 = arith.constant 1408 : i32
    %dma_wait3A_1221 = tpu.memref_slice %arg4[%dma_wait3A_1220] : memref<69632xf32, #tpu.memory_space<vmem>> -> memref<65536xf32, #tpu.memory_space<vmem>>
    %dma_wait3A_1222 = tpu.memref_slice %arg3[%mul3A_939] : memref<134217728xf32, #tpu.memory_space<hbm>> -> memref<65536xf32, #tpu.memory_space<hbm>>
    %dma_wait3A_1223 = tpu.memref_slice %arg3[%mul3A_939] : memref<134217728xf32, #tpu.memory_space<hbm>> -> memref<65536xf32, #tpu.memory_space<hbm>>
    %dma_wait3A_1224 = arith.constant 1408 : i32
    %dma_wait3A_1225 = tpu.memref_slice %arg4[%dma_wait3A_1224] : memref<69632xf32, #tpu.memory_space<vmem>> -> memref<65536xf32, #tpu.memory_space<vmem>>
    tpu.wait_dma2 semaphore(%arg5 : memref<!tpu.dma_semaphore, #tpu.memory_space<semaphore_mem>>) src(%dma_wait3A_1225 : memref<65536xf32, #tpu.memory_space<vmem>>) dst(%dma_wait3A_1223 : memref<65536xf32, #tpu.memory_space<hbm>>)
    %dma_wait3A_1226 = arith.constant 1280 : i32
    %dma_wait3A_1227 = tpu.memref_slice %arg4[%dma_wait3A_1226] : memref<69632xf32, #tpu.memory_space<vmem>> -> memref<65536xf32, #tpu.memory_space<vmem>>
    %dma_wait3A_1228 = tpu.memref_slice %arg3[%mul3A_953] : memref<134217728xf32, #tpu.memory_space<hbm>> -> memref<65536xf32, #tpu.memory_space<hbm>>
    %dma_wait3A_1229 = tpu.memref_slice %arg3[%mul3A_953] : memref<134217728xf32, #tpu.memory_space<hbm>> -> memref<65536xf32, #tpu.memory_space<hbm>>
    %dma_wait3A_1230 = arith.constant 1280 : i32
    %dma_wait3A_1231 = tpu.memref_slice %arg4[%dma_wait3A_1230] : memref<69632xf32, #tpu.memory_space<vmem>> -> memref<65536xf32, #tpu.memory_space<vmem>>
    tpu.wait_dma2 semaphore(%arg5 : memref<!tpu.dma_semaphore, #tpu.memory_space<semaphore_mem>>) src(%dma_wait3A_1231 : memref<65536xf32, #tpu.memory_space<vmem>>) dst(%dma_wait3A_1229 : memref<65536xf32, #tpu.memory_space<hbm>>)
    %dma_wait3A_1232 = arith.constant 1152 : i32
    %dma_wait3A_1233 = tpu.memref_slice %arg4[%dma_wait3A_1232] : memref<69632xf32, #tpu.memory_space<vmem>> -> memref<65536xf32, #tpu.memory_space<vmem>>
    %dma_wait3A_1234 = tpu.memref_slice %arg3[%mul3A_967] : memref<134217728xf32, #tpu.memory_space<hbm>> -> memref<65536xf32, #tpu.memory_space<hbm>>
    %dma_wait3A_1235 = tpu.memref_slice %arg3[%mul3A_967] : memref<134217728xf32, #tpu.memory_space<hbm>> -> memref<65536xf32, #tpu.memory_space<hbm>>
    %dma_wait3A_1236 = arith.constant 1152 : i32
    %dma_wait3A_1237 = tpu.memref_slice %arg4[%dma_wait3A_1236] : memref<69632xf32, #tpu.memory_space<vmem>> -> memref<65536xf32, #tpu.memory_space<vmem>>
    tpu.wait_dma2 semaphore(%arg5 : memref<!tpu.dma_semaphore, #tpu.memory_space<semaphore_mem>>) src(%dma_wait3A_1237 : memref<65536xf32, #tpu.memory_space<vmem>>) dst(%dma_wait3A_1235 : memref<65536xf32, #tpu.memory_space<hbm>>)
    %dma_wait3A_1238 = arith.constant 1024 : i32
    %dma_wait3A_1239 = tpu.memref_slice %arg4[%dma_wait3A_1238] : memref<69632xf32, #tpu.memory_space<vmem>> -> memref<65536xf32, #tpu.memory_space<vmem>>
    %dma_wait3A_1240 = tpu.memref_slice %arg3[%mul3A_981] : memref<134217728xf32, #tpu.memory_space<hbm>> -> memref<65536xf32, #tpu.memory_space<hbm>>
    %dma_wait3A_1241 = tpu.memref_slice %arg3[%mul3A_981] : memref<134217728xf32, #tpu.memory_space<hbm>> -> memref<65536xf32, #tpu.memory_space<hbm>>
    %dma_wait3A_1242 = arith.constant 1024 : i32
    %dma_wait3A_1243 = tpu.memref_slice %arg4[%dma_wait3A_1242] : memref<69632xf32, #tpu.memory_space<vmem>> -> memref<65536xf32, #tpu.memory_space<vmem>>
    tpu.wait_dma2 semaphore(%arg5 : memref<!tpu.dma_semaphore, #tpu.memory_space<semaphore_mem>>) src(%dma_wait3A_1243 : memref<65536xf32, #tpu.memory_space<vmem>>) dst(%dma_wait3A_1241 : memref<65536xf32, #tpu.memory_space<hbm>>)
    %dma_wait3A_1244 = arith.constant 896 : i32
    %dma_wait3A_1245 = tpu.memref_slice %arg4[%dma_wait3A_1244] : memref<69632xf32, #tpu.memory_space<vmem>> -> memref<65536xf32, #tpu.memory_space<vmem>>
    %dma_wait3A_1246 = tpu.memref_slice %arg3[%mul3A_995] : memref<134217728xf32, #tpu.memory_space<hbm>> -> memref<65536xf32, #tpu.memory_space<hbm>>
    %dma_wait3A_1247 = tpu.memref_slice %arg3[%mul3A_995] : memref<134217728xf32, #tpu.memory_space<hbm>> -> memref<65536xf32, #tpu.memory_space<hbm>>
    %dma_wait3A_1248 = arith.constant 896 : i32
    %dma_wait3A_1249 = tpu.memref_slice %arg4[%dma_wait3A_1248] : memref<69632xf32, #tpu.memory_space<vmem>> -> memref<65536xf32, #tpu.memory_space<vmem>>
    tpu.wait_dma2 semaphore(%arg5 : memref<!tpu.dma_semaphore, #tpu.memory_space<semaphore_mem>>) src(%dma_wait3A_1249 : memref<65536xf32, #tpu.memory_space<vmem>>) dst(%dma_wait3A_1247 : memref<65536xf32, #tpu.memory_space<hbm>>)
    %dma_wait3A_1250 = arith.constant 768 : i32
    %dma_wait3A_1251 = tpu.memref_slice %arg4[%dma_wait3A_1250] : memref<69632xf32, #tpu.memory_space<vmem>> -> memref<65536xf32, #tpu.memory_space<vmem>>
    %dma_wait3A_1252 = tpu.memref_slice %arg3[%mul3A_1009] : memref<134217728xf32, #tpu.memory_space<hbm>> -> memref<65536xf32, #tpu.memory_space<hbm>>
    %dma_wait3A_1253 = tpu.memref_slice %arg3[%mul3A_1009] : memref<134217728xf32, #tpu.memory_space<hbm>> -> memref<65536xf32, #tpu.memory_space<hbm>>
    %dma_wait3A_1254 = arith.constant 768 : i32
    %dma_wait3A_1255 = tpu.memref_slice %arg4[%dma_wait3A_1254] : memref<69632xf32, #tpu.memory_space<vmem>> -> memref<65536xf32, #tpu.memory_space<vmem>>
    tpu.wait_dma2 semaphore(%arg5 : memref<!tpu.dma_semaphore, #tpu.memory_space<semaphore_mem>>) src(%dma_wait3A_1255 : memref<65536xf32, #tpu.memory_space<vmem>>) dst(%dma_wait3A_1253 : memref<65536xf32, #tpu.memory_space<hbm>>)
    %dma_wait3A_1256 = arith.constant 640 : i32
    %dma_wait3A_1257 = tpu.memref_slice %arg4[%dma_wait3A_1256] : memref<69632xf32, #tpu.memory_space<vmem>> -> memref<65536xf32, #tpu.memory_space<vmem>>
    %dma_wait3A_1258 = tpu.memref_slice %arg3[%mul3A_1023] : memref<134217728xf32, #tpu.memory_space<hbm>> -> memref<65536xf32, #tpu.memory_space<hbm>>
    %dma_wait3A_1259 = tpu.memref_slice %arg3[%mul3A_1023] : memref<134217728xf32, #tpu.memory_space<hbm>> -> memref<65536xf32, #tpu.memory_space<hbm>>
    %dma_wait3A_1260 = arith.constant 640 : i32
    %dma_wait3A_1261 = tpu.memref_slice %arg4[%dma_wait3A_1260] : memref<69632xf32, #tpu.memory_space<vmem>> -> memref<65536xf32, #tpu.memory_space<vmem>>
    tpu.wait_dma2 semaphore(%arg5 : memref<!tpu.dma_semaphore, #tpu.memory_space<semaphore_mem>>) src(%dma_wait3A_1261 : memref<65536xf32, #tpu.memory_space<vmem>>) dst(%dma_wait3A_1259 : memref<65536xf32, #tpu.memory_space<hbm>>)
    %dma_wait3A_1262 = arith.constant 512 : i32
    %dma_wait3A_1263 = tpu.memref_slice %arg4[%dma_wait3A_1262] : memref<69632xf32, #tpu.memory_space<vmem>> -> memref<65536xf32, #tpu.memory_space<vmem>>
    %dma_wait3A_1264 = tpu.memref_slice %arg3[%mul3A_1037] : memref<134217728xf32, #tpu.memory_space<hbm>> -> memref<65536xf32, #tpu.memory_space<hbm>>
    %dma_wait3A_1265 = tpu.memref_slice %arg3[%mul3A_1037] : memref<134217728xf32, #tpu.memory_space<hbm>> -> memref<65536xf32, #tpu.memory_space<hbm>>
    %dma_wait3A_1266 = arith.constant 512 : i32
    %dma_wait3A_1267 = tpu.memref_slice %arg4[%dma_wait3A_1266] : memref<69632xf32, #tpu.memory_space<vmem>> -> memref<65536xf32, #tpu.memory_space<vmem>>
    tpu.wait_dma2 semaphore(%arg5 : memref<!tpu.dma_semaphore, #tpu.memory_space<semaphore_mem>>) src(%dma_wait3A_1267 : memref<65536xf32, #tpu.memory_space<vmem>>) dst(%dma_wait3A_1265 : memref<65536xf32, #tpu.memory_space<hbm>>)
    %dma_wait3A_1268 = arith.constant 384 : i32
    %dma_wait3A_1269 = tpu.memref_slice %arg4[%dma_wait3A_1268] : memref<69632xf32, #tpu.memory_space<vmem>> -> memref<65536xf32, #tpu.memory_space<vmem>>
    %dma_wait3A_1270 = tpu.memref_slice %arg3[%mul3A_1051] : memref<134217728xf32, #tpu.memory_space<hbm>> -> memref<65536xf32, #tpu.memory_space<hbm>>
    %dma_wait3A_1271 = tpu.memref_slice %arg3[%mul3A_1051] : memref<134217728xf32, #tpu.memory_space<hbm>> -> memref<65536xf32, #tpu.memory_space<hbm>>
    %dma_wait3A_1272 = arith.constant 384 : i32
    %dma_wait3A_1273 = tpu.memref_slice %arg4[%dma_wait3A_1272] : memref<69632xf32, #tpu.memory_space<vmem>> -> memref<65536xf32, #tpu.memory_space<vmem>>
    tpu.wait_dma2 semaphore(%arg5 : memref<!tpu.dma_semaphore, #tpu.memory_space<semaphore_mem>>) src(%dma_wait3A_1273 : memref<65536xf32, #tpu.memory_space<vmem>>) dst(%dma_wait3A_1271 : memref<65536xf32, #tpu.memory_space<hbm>>)
    %dma_wait3A_1274 = arith.constant 256 : i32
    %dma_wait3A_1275 = tpu.memref_slice %arg4[%dma_wait3A_1274] : memref<69632xf32, #tpu.memory_space<vmem>> -> memref<65536xf32, #tpu.memory_space<vmem>>
    %dma_wait3A_1276 = tpu.memref_slice %arg3[%mul3A_1065] : memref<134217728xf32, #tpu.memory_space<hbm>> -> memref<65536xf32, #tpu.memory_space<hbm>>
    %dma_wait3A_1277 = tpu.memref_slice %arg3[%mul3A_1065] : memref<134217728xf32, #tpu.memory_space<hbm>> -> memref<65536xf32, #tpu.memory_space<hbm>>
    %dma_wait3A_1278 = arith.constant 256 : i32
    %dma_wait3A_1279 = tpu.memref_slice %arg4[%dma_wait3A_1278] : memref<69632xf32, #tpu.memory_space<vmem>> -> memref<65536xf32, #tpu.memory_space<vmem>>
    tpu.wait_dma2 semaphore(%arg5 : memref<!tpu.dma_semaphore, #tpu.memory_space<semaphore_mem>>) src(%dma_wait3A_1279 : memref<65536xf32, #tpu.memory_space<vmem>>) dst(%dma_wait3A_1277 : memref<65536xf32, #tpu.memory_space<hbm>>)
    %dma_wait3A_1280 = arith.constant 128 : i32
    %dma_wait3A_1281 = tpu.memref_slice %arg4[%dma_wait3A_1280] : memref<69632xf32, #tpu.memory_space<vmem>> -> memref<65536xf32, #tpu.memory_space<vmem>>
    %dma_wait3A_1282 = tpu.memref_slice %arg3[%mul3A_1079] : memref<134217728xf32, #tpu.memory_space<hbm>> -> memref<65536xf32, #tpu.memory_space<hbm>>
    %dma_wait3A_1283 = tpu.memref_slice %arg3[%mul3A_1079] : memref<134217728xf32, #tpu.memory_space<hbm>> -> memref<65536xf32, #tpu.memory_space<hbm>>
    %dma_wait3A_1284 = arith.constant 128 : i32
    %dma_wait3A_1285 = tpu.memref_slice %arg4[%dma_wait3A_1284] : memref<69632xf32, #tpu.memory_space<vmem>> -> memref<65536xf32, #tpu.memory_space<vmem>>
    tpu.wait_dma2 semaphore(%arg5 : memref<!tpu.dma_semaphore, #tpu.memory_space<semaphore_mem>>) src(%dma_wait3A_1285 : memref<65536xf32, #tpu.memory_space<vmem>>) dst(%dma_wait3A_1283 : memref<65536xf32, #tpu.memory_space<hbm>>)
    %dma_wait3A_1286 = arith.constant 0 : i32
    %dma_wait3A_1287 = tpu.memref_slice %arg4[%dma_wait3A_1286] : memref<69632xf32, #tpu.memory_space<vmem>> -> memref<65536xf32, #tpu.memory_space<vmem>>
    %dma_wait3A_1288 = tpu.memref_slice %arg3[%mul3A_1093] : memref<134217728xf32, #tpu.memory_space<hbm>> -> memref<65536xf32, #tpu.memory_space<hbm>>
    %dma_wait3A_1289 = tpu.memref_slice %arg3[%mul3A_1093] : memref<134217728xf32, #tpu.memory_space<hbm>> -> memref<65536xf32, #tpu.memory_space<hbm>>
    %dma_wait3A_1290 = arith.constant 0 : i32
    %dma_wait3A_1291 = tpu.memref_slice %arg4[%dma_wait3A_1290] : memref<69632xf32, #tpu.memory_space<vmem>> -> memref<65536xf32, #tpu.memory_space<vmem>>
    tpu.wait_dma2 semaphore(%arg5 : memref<!tpu.dma_semaphore, #tpu.memory_space<semaphore_mem>>) src(%dma_wait3A_1291 : memref<65536xf32, #tpu.memory_space<vmem>>) dst(%dma_wait3A_1289 : memref<65536xf32, #tpu.memory_space<hbm>>)
    return
  }
}

</mosaic_0001>

<sc_bundles>
// kernel: kernel.3.cloned.1.call-start
scs
__scs_entry_jumppad:
0x0: {  	(pc) =	sbr.rel $0x88, $3  }
0x1: {  	(tag) =	ssettag $0x0;
	lr =	simm.s32 $0x1  }
0x2: {  	[smem:$0x3FA0] =	sst lr;
	_ =	strace $0xD0000000  }
0x3: {  	_ = 	snop  }
0x4: {  	_ = 	snop  }
0x5: {  	_ = 	snop  }
0x6: {  	_ = 	snop  }
0x7: {  	_ = 	snop  }
__scs_overlays_trampoline_lowered:
0x8: {  	[smem:$0x3FAF] =	sst s0  }
0x9: {  	[smem:$0x3FB0] =	sst s1  }
0xa: {  	[smem:$0x3FB1] =	sst s2  }
0xb: {  	[smem:$0x3FB2] =	sst s3  }
0xc: {  	[smem:$0x3FB3] =	sst s4  }
0xd: {  	[smem:$0x3FB4] =	sst s5  }
0xe: {  	[smem:$0x3FB5] =	sst s6  }
0xf: {  	[smem:$0x3FB6] =	sst s7  }
0x10: {  	[smem:$0x3FB7] =	sst s8  }
0x11: {  	[smem:$0x3FB8] =	sst s9;
	s0 =	simm.s32 @!p0 $0x0  }
0x12: {  	s1 =	sld [smem:$0x3F9E];
	s0 =	simm.s32 @p0 $0x1  }
0x13: {  	[smem:$0x3FB9] =	sst s0;
	s0 =	simm.s32 @!p1 $0x0  }
0x14: {  	s2 =	sld [smem:$0x3F9D];
	s0 =	simm.s32 @p1 $0x1  }
0x15: {  	[smem:$0x3FBA] =	sst s0;
	s0 =	simm.s32 @!p2 $0x0  }
0x16: {  	s3 =	sld [smem:$0x3FDB];
	s0 =	simm.s32 @p2 $0x1  }
0x17: {  	s4 =	simm.s32 $0x1BF5;
	[smem:$0x3FBC] =	sst s0  }
0x18: {  	s0 =	sld [smem:$0x3F9F];
	_ =	swait.ge [sflag:s4], $0x0  }
0x19: {  	s7 =	sld [smem:$0x3FA0]  }
0x1a: {  	s8 =	sadd.s32 $0xFFFFE003, lr  }
0x1b: {  	s9 =	sadd.s32 $0xFFFFFEF7, lr;
	s5 =	simm.s32 $0xFFFFFFFF;
	p2 =	slt.u32 s8, $0xFFFFF086  }
0x1c: {  	p1 =	slt.u32 s9, $0xF7A;
	s5 =	simm.s32 @!p2 $0x0  }
0x1d: {  	s5 =	simm.s32 @p1 $0x1;
	p0 =	seq.s32 s7, s2  }
0x1e: {  	s7 =	smul.u32 @!p0 $0xF7A, s2;
	p2 =	seq.s32 @!p0 s5, $0x0  }
0x1f: {  	s9 =	smul.u32 $0xF7A, s1;
	s8 =	simm.s32 @!p0 $0x1BF5;
	p2 =	por !p2, p0  }
0x20: {  	[sflag:s8] =	ssyncset.s32 @!p0 $0xFFFFF086;
	s6 =	sadd.s32 @!p0 s3, s7;
	s7 =	simm.s32 @!p0 $0x108  }
0x21: {  	s3 =	sadd.s32 s3, s9;
	s6 =	sadd.s32 @!p0 $0x88, s6;
	s7 =	simm.s32 @p2 $0x1082  }
0x22: {  	[simem:s7], [sflag:s8] =	dma.local @!p0 [hbm:s6], $0xF7A  }
0x23: {  	s9 =	sor.u32 $0xD0000000, s2;
	s6 =	simm.s32 $0x108;
	_ =	swait.ge @!p0 [sflag:s8], $0x0  }
0x24: {  	s3 =	sadd.s32 $0x88, s3;
	s6 =	simm.s32 @!p1 $0x1082;
	[sflag:s4] =	ssyncset.s32 $0xFFFFF086  }
0x25: {  	[simem:s6], [sflag:s4] =	dma.local [hbm:s3], $0xF7A  }
0x26: {  	[smem:$0x3FA0] =	sst s1;
	(tag) =	ssettag s2;
	_ =	strace s9  }
0x27: {  	s1 =	sld [smem:$0x3FB0]  }
0x28: {  	s2 =	sld [smem:$0x3FB1]  }
0x29: {  	s4 =	sld [smem:$0x3FB3]  }
0x2a: {  	p0 =	seq.s32 s5, $0x0;
	s5 =	sld [smem:$0x3FB4]  }
0x2b: {  	s6 =	sld [smem:$0x3FB5]  }
0x2c: {  	s7 =	sld [smem:$0x3FB6]  }
0x2d: {  	s3 =	simm.s32 $0x108;
	s8 =	sld [smem:$0x3FB7]  }
0x2e: {  	s3 =	simm.s32 @!p0 $0x1082;
	s9 =	sld [smem:$0x3FB8]  }
0x2f: {  	lr =	sadd.s32 s0, s3;
	s0 =	sld [smem:$0x3FAF]  }
0x30: {  	s3 =	sld [smem:$0x3FB2]  }
0x31: {  	[smem:$0x3FBB] =	sst s10  }
0x32: {  	s10 =	sld [smem:$0x3FB9];
	_ =	sdelay $0x3  }
0x33: {  	p0 =	seq.s32 s10, $0x1;
	s10 =	sld [smem:$0x3FBB];
	_ =	sdelay $0x3  }
0x34: {  	[smem:$0x3FBB] =	sst s10  }
0x35: {  	s10 =	sld [smem:$0x3FBA];
	_ =	sdelay $0x3  }
0x36: {  	p1 =	seq.s32 s10, $0x1;
	s10 =	sld [smem:$0x3FBB];
	_ =	sdelay $0x3  }
0x37: {  	[smem:$0x3FBB] =	sst s10  }
0x38: {  	s10 =	sld [smem:$0x3FBC]  }
0x39: {  	_ = 	snop;
	(pc) =	sbr.ind lr, $3  }
0x3a: {  	_ = 	snop  }
0x3b: {  	_ = 	snop  }
0x3c: {  	p2 =	seq.s32 s10, $0x1;
	s10 =	sld [smem:$0x3FBB]  }
0x3d: {  	_ =	shalt  }
0x3e: {  	_ =	shalt  }
0x3f: {  	_ =	shalt  }
0x40: {  	_ =	shalt  }
0x41: {  	_ =	shalt  }
0x42: {  	_ =	shalt  }
0x43: {  	_ =	shalt  }
0x44: {  	_ =	shalt  }
0x45: {  	_ =	shalt  }
0x46: {  	_ =	shalt  }
0x47: {  	_ =	shalt  }
0x48: {  	_ =	shalt  }
0x49: {  	_ =	shalt  }
0x4a: {  	_ =	shalt  }
0x4b: {  	_ =	shalt  }
0x4c: {  	_ =	shalt  }
0x4d: {  	_ =	shalt  }
0x4e: {  	_ =	shalt  }
0x4f: {  	_ =	shalt  }
0x50: {  	_ =	shalt  }
0x51: {  	_ =	shalt  }
0x52: {  	_ =	shalt  }
0x53: {  	_ =	shalt  }
0x54: {  	_ =	shalt  }
0x55: {  	_ =	shalt  }
0x56: {  	_ =	shalt  }
0x57: {  	_ =	shalt  }
0x58: {  	_ =	shalt  }
0x59: {  	_ =	shalt  }
0x5a: {  	_ =	shalt  }
0x5b: {  	_ =	shalt  }
0x5c: {  	_ =	shalt  }
0x5d: {  	_ =	shalt  }
0x5e: {  	_ =	shalt  }
0x5f: {  	_ =	shalt  }
0x60: {  	_ =	shalt  }
0x61: {  	_ =	shalt  }
0x62: {  	_ =	shalt  }
0x63: {  	_ =	shalt  }
0x64: {  	_ =	shalt  }
0x65: {  	_ =	shalt  }
0x66: {  	_ =	shalt  }
0x67: {  	_ =	shalt  }
0x68: {  	_ =	shalt  }
0x69: {  	_ =	shalt  }
0x6a: {  	_ =	shalt  }
0x6b: {  	_ =	shalt  }
0x6c: {  	_ =	shalt  }
0x6d: {  	_ =	shalt  }
0x6e: {  	_ =	shalt  }
0x6f: {  	_ =	shalt  }
0x70: {  	_ =	shalt  }
0x71: {  	_ =	shalt  }
0x72: {  	_ =	shalt  }
0x73: {  	_ =	shalt  }
0x74: {  	_ =	shalt  }
0x75: {  	_ =	shalt  }
0x76: {  	_ =	shalt  }
0x77: {  	_ =	shalt  }
0x78: {  	_ =	shalt  }
0x79: {  	_ =	shalt  }
0x7a: {  	_ =	shalt  }
0x7b: {  	_ =	shalt  }
0x7c: {  	_ =	shalt  }
0x7d: {  	_ =	shalt  }
0x7e: {  	_ =	shalt  }
0x7f: {  	_ =	shalt  }
0x80: {  	_ =	shalt  }
0x81: {  	_ =	shalt  }
0x82: {  	_ =	shalt  }
0x83: {  	_ =	shalt  }
0x84: {  	_ =	shalt  }
0x85: {  	_ =	shalt  }
0x86: {  	_ =	shalt  }
0x87: {  	_ =	shalt  }
.Lfunc_end0:
.L_simem_size_0:
called_computation_lowered:
.L_overlay_start_0:
0x88: {  	s2 =	sld [smem:$0x3FD9]  }
0x89: {  	s3 =	sld [smem:$0x3FFE];
	_ =	sdelay $0x1  }
0x8a: {  	s1 =	srdreg.scid  }
0x8b: {  	s0 =	sand.u32 $0x1, s1  }
0x8c: {  	s17 =	sshll.u32 s0, $0xA;
	s2 =	sadd.s32 s3, s2  }
0x8d: {  	s2 =	sadd.s32 s2, s17  }
0x8e: {  	[smem:$0x3FC7] =	sst s2  }
0x8f: {  	_ = 	snop  }
0x90: {  	s2 =	sld [smem:$0x3FD0];
	(tm) =	ssettm $0x1  }
0x91: {  	s18 =	sld [smem:$0x3FFB];
	_ =	sdelay $0x3  }
0x92: {  	_ =	strace s18  }
0x93: {  	s3 =	sld [smem:$0x3FFC];
	_ =	sdelay $0x3  }
0x94: {  	_ =	strace s3  }
0x95: {  	s3 =	sld [smem:$0x3FFD];
	_ =	sdelay $0x3  }
0x96: {  	_ =	strace s3  }
0x97: {  	_ =	strace $0x8FFFFFFF  }
0x98: {  	s19 =	sld [smem:$0x3FDB];
	_ =	sdelay $0x1  }
0x99: {  	s4 =	simm.s32 $_scs_section_size  }
0x9a: {  	s5 =	simm.s32 $_size__tile_overlayer_lowered;
	s6 =	simm.s32 $_tile_overlayer_lowered  }
0x9b: {  	s22 =	simm.s32 $0x1BFF;
	s21 =	sshll.u32 s6, $0x1;
	s3 =	sadd.s32 s4, s19  }
0x9c: {  	s7 =	simm.s32 $0x0;
	s20 =	sshll.u32 s5, $0x1;
	s5 =	sadd.s32 s21, s3  }
0x9d: {  	[timem:s7], [sflag:s22] =	dma.local [hbm:s5], s20  }
0x9e: {  	_ =	swait.ge [sflag:s22], s20  }
0x9f: {  	s4 =	ssub.s32 $0x0, s20;
	[sflag:s22] =	ssyncset.done $0x0  }
0xa0: {  	[sflag:s22] =	ssyncadd.s32 s4;
	_ =	sdelay $0x1  }
0xa1: {  	s23 =	simm.s32 $0x1B8B  }
0xa2: {  	_ =	swait.ge [sflag:s23], $0x1  }
0xa3: {  	[sflag:s23] =	ssyncset.done $0x0  }
0xa4: {  	s25 =	simm.s32 $0x1B8E;
	s24 =	sld [smem:$0x3FFE];
	[sflag:s23] =	ssyncadd.s32 $0xFFFFFFFF  }
0xa5: {  	s26 =	simm.s32 $execute0_lowered;
	[smem:$0x3FD2] =	sst s25  }
0xa6: {  	s5 =	sshll.u32 s26, $0x1;
	_ =	strace $0x80000046;
	[dreg:$0x1] =	wrdreg $0xFFFFFFFF  }
0xa7: {  	s28 =	simm.s32 $_size_execute0_lowered;
	s3 =	sadd.s32 s3, s5;
	[dreg:$0x0] =	wrdreg $0x0  }
0xa8: {  	s5 =	sshll.u32 s28, $0x1;
	[dreg:$0x2] =	wrdreg s3  }
0xa9: {  	[dreg:$0x3] =	wrdreg s5  }
0xaa: {  	[dreg:$0x4] =	wrdreg $0xC0  }
0xab: {  	_ =	task [dreg:s7], $0x5FFFF  }
0xac: {  	[dreg:$0x1] =	wrdreg $0xFFFFFFFF  }
0xad: {  	[dreg:$0x0] =	wrdreg $0x60  }
0xae: {  	[dreg:$0x2] =	wrdreg s24  }
0xaf: {  	[dreg:$0x3] =	wrdreg s2  }
0xb0: {  	[dreg:$0x4] =	wrdreg $0x9  }
0xb1: {  	_ =	task.clear_ibuf [dreg:s7], $0x5FFFF;
	_ =	strace $0x90000046  }
0xb2: {  	s29 =	simm.s32 $0x9;
	_ =	strace $0x80000048  }
0xb3: {  	_ =	swait.ge [sflag:s29], $0x1  }
0xb4: {  	[sflag:s29] =	ssyncadd.s32 $0xFFFFFFFF  }
0xb5: {  	_ =	strace $0x90000048  }
0xb6: {  	_ =	sfence  }
0xb7: {  	s30 =	sld [smem:$0x0];
	_ =	sdelay $0x2  }
0xb8: {  	s31 =	sshll.u32 s1, $0xD;
	s1 =	sshrl.u32 s1, $0x2  }
0xb9: {  	s3 =	sand.u32 $0x4000, s31;
	s1 =	sadd.s32 s1, s30  }
0xba: {  	s0 =	sor.u32 s3, s0;
	s1 =	sshll.u32 s1, $0x11  }
0xbb: {  	s0 =	sor.u32 s1, s0  }
0xbc: {  	s0 =	sadd.s32 $0x8F2B, s0  }
0xbd: {  	[sflag:s0] =	ssyncadd.remote.s32 $0x1  }
0xbe: {  	_ =	sfence.sel $0xFFFF  }
0xbf: {  	[dreg:$0x0] =	wrdreg $0xFFFFFFFF;
	(pc) =	sbr.abs _section_cstart, $3  }
0xc0: {  	[dreg:$0x1] =	wrdreg $0xFFFFFFFF  }
0xc1: {  	_ =	task.clear_ibuf [dreg:s7], $0x2FFFF;
	_ =	strace $0x9FFFFFFF  }
0xc2: {  	(tm) =	ssettm $0x7FFFFFFF  }
0xc3: {  	_ =	shalt  }
tec
execute0_lowered:
.L_overlay_start_1:
0x0: {  	(tag) =	ssettag $0x1  }
0x1: {  	s0 =	srdreg.scid;
	s2 =	stileid.u32  }
0x2: {  	s0 =	sand.u32 $0x1, s0;
	s2 =	sshll.u32 s2, $0x1  }
0x3: {  	s5 =	sor.u32 s0, s2  }
0x4: {  	s4 =	rddreg [dreg:$0x1];
	s3 =	sshll.u32 s5, $0xC;
	s5 =	sshll.u32 s5, $0x13  }
0x5: {  	s1 =	rddreg [dreg:$0x0];
	s2 =	simm.s32 $0x0;
	s31 =	sadd.s32 s4, s5  }
0x6: {  	[smem:$0x7FF] =	sst s2;
	s4 =	sadd.s32 $0x4000, s31  }
0x7: {  	_ =	strace $0x80000047;
	s19 =	sadd.s32 $0x8000, s31;
	[dreg:$0x4] =	wrdreg s4  }
0x8: {  	s20 =	sadd.s32 $0xC000, s31;
	[dreg:$0x5] =	wrdreg s19  }
0x9: {  	s21 =	sadd.s32 $0x10000, s31;
	[dreg:$0x6] =	wrdreg s20  }
0xa: {  	s22 =	sadd.s32 $0x14000, s31;
	[dreg:$0x7] =	wrdreg s21  }
0xb: {  	s23 =	sadd.s32 $0x18000, s31;
	[dreg:$0x8] =	wrdreg s22  }
0xc: {  	s24 =	sadd.s32 $0x1C000, s31;
	[dreg:$0x9] =	wrdreg s23  }
0xd: {  	s25 =	sadd.s32 $0x20000, s31;
	[dreg:$0xa] =	wrdreg s24  }
0xe: {  	s26 =	sadd.s32 $0x24000, s31;
	[dreg:$0xb] =	wrdreg s25  }
0xf: {  	s28 =	sadd.s32 $0x28000, s31;
	[dreg:$0xc] =	wrdreg s26  }
0x10: {  	s29 =	sadd.s32 $0x2C000, s31;
	[dreg:$0xd] =	wrdreg s28  }
0x11: {  	s30 =	sadd.s32 $0x30000, s31;
	[dreg:$0xe] =	wrdreg s29  }
0x12: {  	s5 =	sadd.s32 $0x34000, s31;
	[dreg:$0xf] =	wrdreg s30  }
0x13: {  	s7 =	sadd.s32 $0x3C000, s31;
	[dreg:$0x10] =	wrdreg s5  }
0x14: {  	s8 =	sadd.s32 $0x40000, s31;
	[dreg:$0x12] =	wrdreg s7  }
0x15: {  	s9 =	sadd.s32 $0x44000, s31;
	[dreg:$0x13] =	wrdreg s8  }
0x16: {  	s10 =	sadd.s32 $0x48000, s31;
	[dreg:$0x14] =	wrdreg s9  }
0x17: {  	s11 =	sadd.s32 $0x4C000, s31;
	[dreg:$0x15] =	wrdreg s10  }
0x18: {  	s12 =	sadd.s32 $0x50000, s31;
	[dreg:$0x16] =	wrdreg s11  }
0x19: {  	s13 =	sadd.s32 $0x54000, s31;
	[dreg:$0x17] =	wrdreg s12  }
0x1a: {  	s14 =	sadd.s32 $0x58000, s31;
	[dreg:$0x18] =	wrdreg s13  }
0x1b: {  	s15 =	sadd.s32 $0x5C000, s31;
	[dreg:$0x19] =	wrdreg s14  }
0x1c: {  	s1 =	sadd.s32 $0x400, s1;
	s16 =	sadd.s32 $0x60000, s31;
	[dreg:$0x1a] =	wrdreg s15  }
0x1d: {  	s6 =	sshrl.u32 s3, $0x3;
	s17 =	sadd.s32 $0x64000, s31;
	[dreg:$0x1b] =	wrdreg s16  }
0x1e: {  	s6 =	sxor.u32 $0x3E00, s6;
	s18 =	sadd.s32 $0x68000, s31;
	[dreg:$0x1c] =	wrdreg s17  }
0x1f: {  	s6 =	sadd.s32 s1, s6;
	[dreg:$0x1d] =	wrdreg s18  }
0x20: {  	s19 =	sadd.s32 $0x6C000, s31;
	[dreg:$0x3] =	wrdreg s6  }
0x21: {  	s20 =	sadd.s32 $0x70000, s31;
	[dreg:$0x1e] =	wrdreg s19  }
0x22: {  	s21 =	sadd.s32 $0x74000, s31;
	[dreg:$0x1f] =	wrdreg s20  }
0x23: {  	s3 =	ssub.s32 $0x2F000, s3;
	s22 =	sadd.s32 $0x78000, s31;
	[smem:$0x7DA] =	sst s21  }
0x24: {  	s3 =	sshrl.u32 s3, $0x3;
	s23 =	sadd.s32 $0x7C000, s31;
	[smem:$0x7DB] =	sst s22  }
0x25: {  	s1 =	sadd.s32 s1, s3;
	[smem:$0x7DC] =	sst s23  }
0x26: {  	s24 =	sadd.s32 $0x2000, s31;
	[smem:$0x7DD] =	sst s1  }
0x27: {  	s25 =	sadd.s32 $0x6000, s31;
	[smem:$0x7DE] =	sst s24  }
0x28: {  	s26 =	sadd.s32 $0xA000, s31;
	[smem:$0x7DF] =	sst s25  }
0x29: {  	s28 =	sadd.s32 $0xE000, s31;
	[smem:$0x7E0] =	sst s26  }
0x2a: {  	s29 =	sadd.s32 $0x12000, s31;
	[smem:$0x7E1] =	sst s28  }
0x2b: {  	s30 =	sadd.s32 $0x16000, s31;
	[smem:$0x7E2] =	sst s29  }
0x2c: {  	s3 =	sadd.s32 $0x1A000, s31;
	[smem:$0x7E3] =	sst s30  }
0x2d: {  	s4 =	sadd.s32 $0x1E000, s31;
	[smem:$0x7E4] =	sst s3  }
0x2e: {  	s5 =	sadd.s32 $0x22000, s31;
	[smem:$0x7E5] =	sst s4  }
0x2f: {  	s7 =	sadd.s32 $0x2A000, s31;
	[smem:$0x7E6] =	sst s5  }
0x30: {  	s8 =	sadd.s32 $0x2E000, s31;
	[smem:$0x7E8] =	sst s7  }
0x31: {  	s9 =	sadd.s32 $0x32000, s31;
	[smem:$0x7E9] =	sst s8  }
0x32: {  	s10 =	sadd.s32 $0x36000, s31;
	[smem:$0x7EA] =	sst s9  }
0x33: {  	s11 =	sadd.s32 $0x3A000, s31;
	[smem:$0x7EB] =	sst s10  }
0x34: {  	s12 =	sadd.s32 $0x3E000, s31;
	[smem:$0x7EC] =	sst s11  }
0x35: {  	s13 =	sadd.s32 $0x42000, s31;
	[smem:$0x7ED] =	sst s12  }
0x36: {  	s14 =	sadd.s32 $0x46000, s31;
	[smem:$0x7EE] =	sst s13  }
0x37: {  	s15 =	sadd.s32 $0x4A000, s31;
	[smem:$0x7EF] =	sst s14  }
0x38: {  	s16 =	sadd.s32 $0x4E000, s31;
	[smem:$0x7F0] =	sst s15  }
0x39: {  	s17 =	sadd.s32 $0x52000, s31;
	[smem:$0x7F1] =	sst s16  }
0x3a: {  	s18 =	sadd.s32 $0x56000, s31;
	[smem:$0x7F2] =	sst s17  }
0x3b: {  	p0 =	por $0x0, $0x0;
	s6 =	sadd.s32 $0x38000, s31;
	[smem:$0x7F3] =	sst s18  }
0x3c: {  	s0 =	ssub.s32 $0x2, s0;
	s19 =	sadd.s32 $0x5A000, s31;
	[dreg:$0x11] =	wrdreg s6  }
0x3d: {  	s20 =	sadd.s32 $0x5E000, s31;
	s21 =	sadd.s32 $0x62000, s31;
	[smem:$0x7F4] =	sst s19  }
0x3e: {  	s22 =	sadd.s32 $0x66000, s31;
	s23 =	sadd.s32 $0x6A000, s31;
	[smem:$0x7F5] =	sst s20  }
0x3f: {  	s24 =	sadd.s32 $0x6E000, s31;
	s25 =	sadd.s32 $0x72000, s31;
	[smem:$0x7F6] =	sst s21  }
0x40: {  	s26 =	sadd.s32 $0x76000, s31;
	s28 =	sshrl.u32 s0, $0x1;
	[smem:$0x7F7] =	sst s22  }
0x41: {  	s29 =	sadd.s32 $0x7A000, s31;
	s30 =	sadd.s32 $0x7E000, s31;
	[smem:$0x7F8] =	sst s23  }
0x42: {  	s1 =	simm.s32 $0xF00;
	[smem:$0x7F9] =	sst s24;
	s0 =	ssub.s32 s0, s28  }
0x43: {  	s11 =	simm.s32 $0xD00;
	[smem:$0x7FA] =	sst s25;
	s3 =	smax.u32 s0, $0x1  }
0x44: {  	s10 =	simm.s32 $0xC80;
	[smem:$0x7FB] =	sst s26;
	p1 =	sne.s32 s3, $0x1  }
.Ltmp0:
0x45: {  	s5 =	simm.s32 $0xC00;
	[smem:$0x7FC] =	sst s29;
	(pc) =	sbr.rel @!p1 .LBB2_5-.Ltmp0, $4  }
0x46: {  	s4 =	simm.s32 $0xB80;
	s6 =	sadd.s32 $0x26000, s31;
	[smem:$0x7FD] =	sst s30  }
0x47: {  	s23 =	simm.s32 $0xF80;
	s21 =	simm.s32 $0xE00;
	s9 =	rddreg [dreg:$0x3]  }
0x48: {  	s19 =	simm.s32 $0xD80;
	[smem:$0x7E7] =	sst s6;
	s6 =	simm.s32 $0x2  }
0x49: {  	s0 =	simm.s32 $0xE80;
	s7 =	sadd.s32 $0xFFFFFFFF, s3;
	s3 =	simm.s32 $0x1  }
0x4a: {  	[tilespmem:s2], [sflag:$0x2] =	stream.linear.gather [hbm4b:s9+s2], $0x11000, $0x38;
	[tilespmem:$0x11000] =	vst v63  }
0x4b: {  	_ =	swait.ge [sflag:s6], $0x11000  }
0x4c: {  	[sflag:s6] =	ssyncset.done $0x0  }
0x4d: {  	s13 =	rddreg [dreg:$0x4];
	[sflag:s6] =	ssyncadd.s32 $0xFFFEF000  }
0x4e: {  	[hbm4b:s31+s2] =	stream.linear.scatter [tilespmem:s23], [sflag:$0x1], $0x10000, $0x38;
	[tilespmem:$0x11000] =	vst v63  }
0x4f: {  	s8 =	rddreg [dreg:$0x5]  }
0x50: {  	[hbm4b:s13+s2] =	stream.linear.scatter [tilespmem:s1], [sflag:$0x1], $0x10000, $0x38;
	[tilespmem:$0x11000] =	vst v63  }
0x51: {  	s14 =	rddreg [dreg:$0x6]  }
0x52: {  	[hbm4b:s8+s2] =	stream.linear.scatter [tilespmem:s0], [sflag:$0x1], $0x10000, $0x38;
	[tilespmem:$0x11000] =	vst v63  }
0x53: {  	s15 =	rddreg [dreg:$0x7]  }
0x54: {  	[hbm4b:s14+s2] =	stream.linear.scatter [tilespmem:s21], [sflag:$0x1], $0x10000, $0x38;
	[tilespmem:$0x11000] =	vst v63  }
0x55: {  	s16 =	rddreg [dreg:$0x8]  }
0x56: {  	[hbm4b:s15+s2] =	stream.linear.scatter [tilespmem:s19], [sflag:$0x1], $0x10000, $0x38;
	[tilespmem:$0x11000] =	vst v63  }
0x57: {  	s17 =	rddreg [dreg:$0x9]  }
0x58: {  	[hbm4b:s16+s2] =	stream.linear.scatter [tilespmem:s11], [sflag:$0x1], $0x10000, $0x38;
	[tilespmem:$0x11000] =	vst v63  }
0x59: {  	s18 =	rddreg [dreg:$0xa]  }
0x5a: {  	[hbm4b:s17+s2] =	stream.linear.scatter [tilespmem:s10], [sflag:$0x1], $0x10000, $0x38;
	[tilespmem:$0x11000] =	vst v63  }
0x5b: {  	s20 =	rddreg [dreg:$0xb]  }
0x5c: {  	[hbm4b:s18+s2] =	stream.linear.scatter [tilespmem:s5], [sflag:$0x1], $0x10000, $0x38;
	[tilespmem:$0x11000] =	vst v63  }
0x5d: {  	s22 =	rddreg [dreg:$0xc]  }
0x5e: {  	[hbm4b:s20+s2] =	stream.linear.scatter [tilespmem:s4], [sflag:$0x1], $0x10000, $0x38;
	[tilespmem:$0x11000] =	vst v63  }
0x5f: {  	s25 =	simm.s32 $0xB00;
	s24 =	rddreg [dreg:$0xd]  }
0x60: {  	[hbm4b:s22+s2] =	stream.linear.scatter [tilespmem:s25], [sflag:$0x1], $0x10000, $0x38;
	[tilespmem:$0x11000] =	vst v63  }
0x61: {  	s28 =	simm.s32 $0xA80;
	s26 =	rddreg [dreg:$0xe]  }
0x62: {  	[hbm4b:s24+s2] =	stream.linear.scatter [tilespmem:s28], [sflag:$0x1], $0x10000, $0x38;
	[tilespmem:$0x11000] =	vst v63  }
0x63: {  	s29 =	rddreg [dreg:$0xf];
	s13 =	simm.s32 $0xA00  }
0x64: {  	[hbm4b:s26+s2] =	stream.linear.scatter [tilespmem:s13], [sflag:$0x1], $0x10000, $0x38;
	[tilespmem:$0x11000] =	vst v63  }
0x65: {  	s30 =	simm.s32 $0x980;
	s12 =	rddreg [dreg:$0x11]  }
0x66: {  	[hbm4b:s29+s2] =	stream.linear.scatter [tilespmem:s30], [sflag:$0x1], $0x10000, $0x38;
	[tilespmem:$0x11000] =	vst v63  }
0x67: {  	s11 =	rddreg [dreg:$0x10];
	s29 =	simm.s32 $0x900  }
0x68: {  	[hbm4b:s11+s2] =	stream.linear.scatter [tilespmem:s29], [sflag:$0x1], $0x10000, $0x38;
	[tilespmem:$0x11000] =	vst v63  }
0x69: {  	s9 =	rddreg [dreg:$0x1c];
	s14 =	simm.s32 $0x880  }
0x6a: {  	[hbm4b:s12+s2] =	stream.linear.scatter [tilespmem:s14], [sflag:$0x1], $0x10000, $0x38;
	[tilespmem:$0x11000] =	vst v63  }
0x6b: {  	s15 =	rddreg [dreg:$0x12];
	s17 =	simm.s32 $0x800  }
0x6c: {  	[hbm4b:s15+s2] =	stream.linear.scatter [tilespmem:s17], [sflag:$0x1], $0x10000, $0x38;
	[tilespmem:$0x11000] =	vst v63  }
0x6d: {  	s16 =	rddreg [dreg:$0x13];
	s12 =	simm.s32 $0x780  }
0x6e: {  	[hbm4b:s16+s2] =	stream.linear.scatter [tilespmem:s12], [sflag:$0x1], $0x10000, $0x38;
	[tilespmem:$0x11000] =	vst v63  }
0x6f: {  	s18 =	rddreg [dreg:$0x14];
	s16 =	simm.s32 $0x700  }
0x70: {  	[hbm4b:s18+s2] =	stream.linear.scatter [tilespmem:s16], [sflag:$0x1], $0x10000, $0x38;
	[tilespmem:$0x11000] =	vst v63  }
0x71: {  	s20 =	rddreg [dreg:$0x15];
	s18 =	simm.s32 $0x680  }
0x72: {  	[hbm4b:s20+s2] =	stream.linear.scatter [tilespmem:s18], [sflag:$0x1], $0x10000, $0x38;
	[tilespmem:$0x11000] =	vst v63  }
0x73: {  	s22 =	rddreg [dreg:$0x16];
	s15 =	simm.s32 $0x600  }
0x74: {  	[hbm4b:s22+s2] =	stream.linear.scatter [tilespmem:s15], [sflag:$0x1], $0x10000, $0x38;
	[tilespmem:$0x11000] =	vst v63  }
0x75: {  	s24 =	rddreg [dreg:$0x17];
	s26 =	simm.s32 $0x580  }
0x76: {  	[hbm4b:s24+s2] =	stream.linear.scatter [tilespmem:s26], [sflag:$0x1], $0x10000, $0x38;
	[tilespmem:$0x11000] =	vst v63  }
0x77: {  	s11 =	rddreg [dreg:$0x18];
	s24 =	simm.s32 $0x500  }
0x78: {  	[hbm4b:s11+s2] =	stream.linear.scatter [tilespmem:s24], [sflag:$0x1], $0x10000, $0x38;
	[tilespmem:$0x11000] =	vst v63  }
0x79: {  	s20 =	rddreg [dreg:$0x19];
	s22 =	simm.s32 $0x480  }
0x7a: {  	[hbm4b:s20+s2] =	stream.linear.scatter [tilespmem:s22], [sflag:$0x1], $0x10000, $0x38;
	[tilespmem:$0x11000] =	vst v63  }
0x7b: {  	s11 =	rddreg [dreg:$0x1a];
	s20 =	simm.s32 $0x400  }
0x7c: {  	[hbm4b:s11+s2] =	stream.linear.scatter [tilespmem:s20], [sflag:$0x1], $0x10000, $0x38;
	[tilespmem:$0x11000] =	vst v63  }
0x7d: {  	s8 =	rddreg [dreg:$0x1b];
	s20 =	simm.s32 $0x380  }
0x7e: {  	[hbm4b:s8+s2] =	stream.linear.scatter [tilespmem:s20], [sflag:$0x1], $0x10000, $0x38;
	[tilespmem:$0x11000] =	vst v63  }
0x7f: {  	s11 =	simm.s32 $0x300;
	s8 =	rddreg [dreg:$0x1d]  }
0x80: {  	[hbm4b:s9+s2] =	stream.linear.scatter [tilespmem:s11], [sflag:$0x1], $0x10000, $0x38;
	[tilespmem:$0x11000] =	vst v63  }
0x81: {  	s9 =	rddreg [dreg:$0x1e];
	s11 =	simm.s32 $0x280  }
0x82: {  	[hbm4b:s8+s2] =	stream.linear.scatter [tilespmem:s11], [sflag:$0x1], $0x10000, $0x38;
	[tilespmem:$0x11000] =	vst v63  }
0x83: {  	s8 =	rddreg [dreg:$0x1f];
	s11 =	simm.s32 $0x200  }
0x84: {  	[hbm4b:s9+s2] =	stream.linear.scatter [tilespmem:s11], [sflag:$0x1], $0x10000, $0x38;
	[tilespmem:$0x11000] =	vst v63  }
0x85: {  	s9 =	sld [smem:$0x7DA];
	s11 =	simm.s32 $0x180  }
0x86: {  	[hbm4b:s8+s2] =	stream.linear.scatter [tilespmem:s11], [sflag:$0x1], $0x10000, $0x38;
	[tilespmem:$0x11000] =	vst v63  }
0x87: {  	s8 =	sld [smem:$0x7DB];
	s11 =	simm.s32 $0x100  }
0x88: {  	[hbm4b:s9+s2] =	stream.linear.scatter [tilespmem:s11], [sflag:$0x1], $0x10000, $0x38;
	[tilespmem:$0x11000] =	vst v63  }
0x89: {  	s9 =	sld [smem:$0x7DC];
	s11 =	simm.s32 $0x80  }
0x8a: {  	[hbm4b:s8+s2] =	stream.linear.scatter [tilespmem:s11], [sflag:$0x1], $0x10000, $0x38;
	[tilespmem:$0x11000] =	vst v63  }
0x8b: {  	_ = 	snop  }
0x8c: {  	[hbm4b:s9+s2] =	stream.linear.scatter [tilespmem:s2], [sflag:$0x1], $0x10000, $0x38;
	[tilespmem:$0x11000] =	vst v63  }
0x8d: {  	_ =	swait.ge [sflag:s3], $0x10000  }
0x8e: {  	[sflag:s3] =	ssyncset.done $0x0  }
0x8f: {  	[sflag:s3] =	ssyncadd.s32 $0xFFFF0000  }
0x90: {  	_ =	swait.ge [sflag:s3], $0x10000  }
0x91: {  	[sflag:s3] =	ssyncset.done $0x0  }
0x92: {  	[sflag:s3] =	ssyncadd.s32 $0xFFFF0000  }
0x93: {  	_ =	swait.ge [sflag:s3], $0x10000  }
0x94: {  	[sflag:s3] =	ssyncset.done $0x0  }
0x95: {  	[sflag:s3] =	ssyncadd.s32 $0xFFFF0000  }
0x96: {  	_ =	swait.ge [sflag:s3], $0x10000  }
0x97: {  	[sflag:s3] =	ssyncset.done $0x0  }
0x98: {  	[sflag:s3] =	ssyncadd.s32 $0xFFFF0000  }
0x99: {  	_ =	swait.ge [sflag:s3], $0x10000  }
0x9a: {  	[sflag:s3] =	ssyncset.done $0x0  }
0x9b: {  	[sflag:s3] =	ssyncadd.s32 $0xFFFF0000  }
0x9c: {  	_ =	swait.ge [sflag:s3], $0x10000  }
0x9d: {  	[sflag:s3] =	ssyncset.done $0x0  }
0x9e: {  	[sflag:s3] =	ssyncadd.s32 $0xFFFF0000  }
0x9f: {  	_ =	swait.ge [sflag:s3], $0x10000  }
0xa0: {  	[sflag:s3] =	ssyncset.done $0x0  }
0xa1: {  	[sflag:s3] =	ssyncadd.s32 $0xFFFF0000  }
0xa2: {  	_ =	swait.ge [sflag:s3], $0x10000  }
0xa3: {  	[sflag:s3] =	ssyncset.done $0x0  }
0xa4: {  	[sflag:s3] =	ssyncadd.s32 $0xFFFF0000  }
0xa5: {  	_ =	swait.ge [sflag:s3], $0x10000  }
0xa6: {  	[sflag:s3] =	ssyncset.done $0x0  }
0xa7: {  	[sflag:s3] =	ssyncadd.s32 $0xFFFF0000  }
0xa8: {  	_ =	swait.ge [sflag:s3], $0x10000  }
0xa9: {  	[sflag:s3] =	ssyncset.done $0x0  }
0xaa: {  	[sflag:s3] =	ssyncadd.s32 $0xFFFF0000  }
0xab: {  	_ =	swait.ge [sflag:s3], $0x10000  }
0xac: {  	[sflag:s3] =	ssyncset.done $0x0  }
0xad: {  	[sflag:s3] =	ssyncadd.s32 $0xFFFF0000  }
0xae: {  	_ =	swait.ge [sflag:s3], $0x10000  }
0xaf: {  	[sflag:s3] =	ssyncset.done $0x0  }
0xb0: {  	[sflag:s3] =	ssyncadd.s32 $0xFFFF0000  }
0xb1: {  	_ =	swait.ge [sflag:s3], $0x10000  }
0xb2: {  	[sflag:s3] =	ssyncset.done $0x0  }
0xb3: {  	[sflag:s3] =	ssyncadd.s32 $0xFFFF0000  }
0xb4: {  	_ =	swait.ge [sflag:s3], $0x10000  }
0xb5: {  	[sflag:s3] =	ssyncset.done $0x0  }
0xb6: {  	[sflag:s3] =	ssyncadd.s32 $0xFFFF0000  }
0xb7: {  	_ =	swait.ge [sflag:s3], $0x10000  }
0xb8: {  	[sflag:s3] =	ssyncset.done $0x0  }
0xb9: {  	[sflag:s3] =	ssyncadd.s32 $0xFFFF0000  }
0xba: {  	_ =	swait.ge [sflag:s3], $0x10000  }
0xbb: {  	[sflag:s3] =	ssyncset.done $0x0  }
0xbc: {  	[sflag:s3] =	ssyncadd.s32 $0xFFFF0000  }
0xbd: {  	_ =	swait.ge [sflag:s3], $0x10000  }
0xbe: {  	[sflag:s3] =	ssyncset.done $0x0  }
0xbf: {  	[sflag:s3] =	ssyncadd.s32 $0xFFFF0000  }
0xc0: {  	_ =	swait.ge [sflag:s3], $0x10000  }
0xc1: {  	[sflag:s3] =	ssyncset.done $0x0  }
0xc2: {  	[sflag:s3] =	ssyncadd.s32 $0xFFFF0000  }
0xc3: {  	_ =	swait.ge [sflag:s3], $0x10000  }
0xc4: {  	[sflag:s3] =	ssyncset.done $0x0  }
0xc5: {  	[sflag:s3] =	ssyncadd.s32 $0xFFFF0000  }
0xc6: {  	_ =	swait.ge [sflag:s3], $0x10000  }
0xc7: {  	[sflag:s3] =	ssyncset.done $0x0  }
0xc8: {  	[sflag:s3] =	ssyncadd.s32 $0xFFFF0000  }
0xc9: {  	_ =	swait.ge [sflag:s3], $0x10000  }
0xca: {  	[sflag:s3] =	ssyncset.done $0x0  }
0xcb: {  	[sflag:s3] =	ssyncadd.s32 $0xFFFF0000  }
0xcc: {  	_ =	swait.ge [sflag:s3], $0x10000  }
0xcd: {  	[sflag:s3] =	ssyncset.done $0x0  }
0xce: {  	[sflag:s3] =	ssyncadd.s32 $0xFFFF0000  }
0xcf: {  	_ =	swait.ge [sflag:s3], $0x10000  }
0xd0: {  	[sflag:s3] =	ssyncset.done $0x0  }
0xd1: {  	[sflag:s3] =	ssyncadd.s32 $0xFFFF0000  }
0xd2: {  	_ =	swait.ge [sflag:s3], $0x10000  }
0xd3: {  	[sflag:s3] =	ssyncset.done $0x0  }
0xd4: {  	[sflag:s3] =	ssyncadd.s32 $0xFFFF0000  }
0xd5: {  	_ =	swait.ge [sflag:s3], $0x10000  }
0xd6: {  	[sflag:s3] =	ssyncset.done $0x0  }
0xd7: {  	[sflag:s3] =	ssyncadd.s32 $0xFFFF0000  }
0xd8: {  	_ =	swait.ge [sflag:s3], $0x10000  }
0xd9: {  	[sflag:s3] =	ssyncset.done $0x0  }
0xda: {  	[sflag:s3] =	ssyncadd.s32 $0xFFFF0000  }
0xdb: {  	_ =	swait.ge [sflag:s3], $0x10000  }
0xdc: {  	[sflag:s3] =	ssyncset.done $0x0  }
0xdd: {  	[sflag:s3] =	ssyncadd.s32 $0xFFFF0000  }
0xde: {  	_ =	swait.ge [sflag:s3], $0x10000  }
0xdf: {  	[sflag:s3] =	ssyncset.done $0x0  }
0xe0: {  	[sflag:s3] =	ssyncadd.s32 $0xFFFF0000  }
0xe1: {  	_ =	swait.ge [sflag:s3], $0x10000  }
0xe2: {  	[sflag:s3] =	ssyncset.done $0x0  }
0xe3: {  	[sflag:s3] =	ssyncadd.s32 $0xFFFF0000  }
0xe4: {  	_ =	swait.ge [sflag:s3], $0x10000  }
0xe5: {  	[sflag:s3] =	ssyncset.done $0x0  }
0xe6: {  	[sflag:s3] =	ssyncadd.s32 $0xFFFF0000  }
0xe7: {  	_ =	swait.ge [sflag:s3], $0x10000  }
0xe8: {  	[sflag:s3] =	ssyncset.done $0x0  }
0xe9: {  	[sflag:s3] =	ssyncadd.s32 $0xFFFF0000  }
0xea: {  	_ =	swait.ge [sflag:s3], $0x10000  }
0xeb: {  	s9 =	sld [smem:$0x7DD]  }
0xec: {  	[sflag:s3] =	ssyncset.done $0x0  }
0xed: {  	s6 =	simm.s32 $0x2;
	[sflag:s3] =	ssyncadd.s32 $0xFFFF0000  }
0xee: {  	[tilespmem:s2], [sflag:$0x2] =	stream.linear.gather [hbm4b:s9+s2], $0x11000, $0x38;
	[tilespmem:$0x11000] =	vst v63  }
0xef: {  	_ =	swait.ge [sflag:s6], $0x11000  }
0xf0: {  	s9 =	sld [smem:$0x7DE]  }
0xf1: {  	[sflag:s6] =	ssyncset.done $0x0  }
0xf2: {  	[sflag:s6] =	ssyncadd.s32 $0xFFFEF000;
	s6 =	sld [smem:$0x7DF]  }
0xf3: {  	[hbm4b:s9+s2] =	stream.linear.scatter [tilespmem:s23], [sflag:$0x1], $0x10000, $0x38;
	[tilespmem:$0x11000] =	vst v63  }
0xf4: {  	s23 =	sld [smem:$0x7E0]  }
0xf5: {  	[hbm4b:s6+s2] =	stream.linear.scatter [tilespmem:s1], [sflag:$0x1], $0x10000, $0x38;
	[tilespmem:$0x11000] =	vst v63  }
0xf6: {  	s1 =	sld [smem:$0x7E1]  }
0xf7: {  	[hbm4b:s23+s2] =	stream.linear.scatter [tilespmem:s0], [sflag:$0x1], $0x10000, $0x38;
	[tilespmem:$0x11000] =	vst v63  }
0xf8: {  	s6 =	sld [smem:$0x7E2]  }
0xf9: {  	[hbm4b:s1+s2] =	stream.linear.scatter [tilespmem:s21], [sflag:$0x1], $0x10000, $0x38;
	[tilespmem:$0x11000] =	vst v63  }
0xfa: {  	s21 =	sld [smem:$0x7E3]  }
0xfb: {  	[hbm4b:s6+s2] =	stream.linear.scatter [tilespmem:s19], [sflag:$0x1], $0x10000, $0x38;
	[tilespmem:$0x11000] =	vst v63  }
0xfc: {  	s23 =	sld [smem:$0x7E4];
	s1 =	simm.s32 $0xD00  }
0xfd: {  	[hbm4b:s21+s2] =	stream.linear.scatter [tilespmem:s1], [sflag:$0x1], $0x10000, $0x38;
	[tilespmem:$0x11000] =	vst v63  }
0xfe: {  	s6 =	sld [smem:$0x7E5]  }
0xff: {  	[hbm4b:s23+s2] =	stream.linear.scatter [tilespmem:s10], [sflag:$0x1], $0x10000, $0x38;
	[tilespmem:$0x11000] =	vst v63  }
0x100: {  	s10 =	sld [smem:$0x7E6]  }
0x101: {  	[hbm4b:s6+s2] =	stream.linear.scatter [tilespmem:s5], [sflag:$0x1], $0x10000, $0x38;
	[tilespmem:$0x11000] =	vst v63  }
0x102: {  	s19 =	sld [smem:$0x7E7]  }
0x103: {  	[hbm4b:s10+s2] =	stream.linear.scatter [tilespmem:s4], [sflag:$0x1], $0x10000, $0x38;
	[tilespmem:$0x11000] =	vst v63  }
0x104: {  	s21 =	sld [smem:$0x7E8]  }
0x105: {  	[hbm4b:s19+s2] =	stream.linear.scatter [tilespmem:s25], [sflag:$0x1], $0x10000, $0x38;
	[tilespmem:$0x11000] =	vst v63  }
0x106: {  	s23 =	sld [smem:$0x7E9]  }
0x107: {  	[hbm4b:s21+s2] =	stream.linear.scatter [tilespmem:s28], [sflag:$0x1], $0x10000, $0x38;
	[tilespmem:$0x11000] =	vst v63  }
0x108: {  	s25 =	sld [smem:$0x7EA]  }
0x109: {  	[hbm4b:s23+s2] =	stream.linear.scatter [tilespmem:s13], [sflag:$0x1], $0x10000, $0x38;
	[tilespmem:$0x11000] =	vst v63  }
0x10a: {  	s28 =	sld [smem:$0x7EB]  }
0x10b: {  	[hbm4b:s25+s2] =	stream.linear.scatter [tilespmem:s30], [sflag:$0x1], $0x10000, $0x38;
	[tilespmem:$0x11000] =	vst v63  }
0x10c: {  	s0 =	sld [smem:$0x7EC]  }
0x10d: {  	[hbm4b:s28+s2] =	stream.linear.scatter [tilespmem:s29], [sflag:$0x1], $0x10000, $0x38;
	[tilespmem:$0x11000] =	vst v63  }
0x10e: {  	s1 =	sld [smem:$0x7ED]  }
0x10f: {  	[hbm4b:s0+s2] =	stream.linear.scatter [tilespmem:s14], [sflag:$0x1], $0x10000, $0x38;
	[tilespmem:$0x11000] =	vst v63  }
0x110: {  	s4 =	sld [smem:$0x7EE]  }
0x111: {  	[hbm4b:s1+s2] =	stream.linear.scatter [tilespmem:s17], [sflag:$0x1], $0x10000, $0x38;
	[tilespmem:$0x11000] =	vst v63  }
0x112: {  	s5 =	sld [smem:$0x7EF]  }
0x113: {  	[hbm4b:s4+s2] =	stream.linear.scatter [tilespmem:s12], [sflag:$0x1], $0x10000, $0x38;
	[tilespmem:$0x11000] =	vst v63  }
0x114: {  	s6 =	sld [smem:$0x7F0]  }
0x115: {  	[hbm4b:s5+s2] =	stream.linear.scatter [tilespmem:s16], [sflag:$0x1], $0x10000, $0x38;
	[tilespmem:$0x11000] =	vst v63  }
0x116: {  	s10 =	sld [smem:$0x7F1]  }
0x117: {  	[hbm4b:s6+s2] =	stream.linear.scatter [tilespmem:s18], [sflag:$0x1], $0x10000, $0x38;
	[tilespmem:$0x11000] =	vst v63  }
0x118: {  	s12 =	sld [smem:$0x7F2]  }
0x119: {  	[hbm4b:s10+s2] =	stream.linear.scatter [tilespmem:s15], [sflag:$0x1], $0x10000, $0x38;
	[tilespmem:$0x11000] =	vst v63  }
0x11a: {  	s13 =	sld [smem:$0x7F3]  }
0x11b: {  	[hbm4b:s12+s2] =	stream.linear.scatter [tilespmem:s26], [sflag:$0x1], $0x10000, $0x38;
	[tilespmem:$0x11000] =	vst v63  }
0x11c: {  	s14 =	sld [smem:$0x7F4]  }
0x11d: {  	[hbm4b:s13+s2] =	stream.linear.scatter [tilespmem:s24], [sflag:$0x1], $0x10000, $0x38;
	[tilespmem:$0x11000] =	vst v63  }
0x11e: {  	s15 =	sld [smem:$0x7F5]  }
0x11f: {  	[hbm4b:s14+s2] =	stream.linear.scatter [tilespmem:s22], [sflag:$0x1], $0x10000, $0x38;
	[tilespmem:$0x11000] =	vst v63  }
0x120: {  	s17 =	simm.s32 $0x400;
	s16 =	sld [smem:$0x7F6]  }
0x121: {  	[hbm4b:s15+s2] =	stream.linear.scatter [tilespmem:s17], [sflag:$0x1], $0x10000, $0x38;
	[tilespmem:$0x11000] =	vst v63  }
0x122: {  	s18 =	sld [smem:$0x7F7]  }
0x123: {  	[hbm4b:s16+s2] =	stream.linear.scatter [tilespmem:s20], [sflag:$0x1], $0x10000, $0x38;
	[tilespmem:$0x11000] =	vst v63  }
0x124: {  	s19 =	sld [smem:$0x7F8];
	s20 =	simm.s32 $0x300  }
0x125: {  	[hbm4b:s18+s2] =	stream.linear.scatter [tilespmem:s20], [sflag:$0x1], $0x10000, $0x38;
	[tilespmem:$0x11000] =	vst v63  }
0x126: {  	s21 =	sld [smem:$0x7F9];
	s22 =	simm.s32 $0x280  }
0x127: {  	[hbm4b:s19+s2] =	stream.linear.scatter [tilespmem:s22], [sflag:$0x1], $0x10000, $0x38;
	[tilespmem:$0x11000] =	vst v63  }
0x128: {  	s23 =	sld [smem:$0x7FA];
	s24 =	simm.s32 $0x200  }
0x129: {  	[hbm4b:s21+s2] =	stream.linear.scatter [tilespmem:s24], [sflag:$0x1], $0x10000, $0x38;
	[tilespmem:$0x11000] =	vst v63  }
0x12a: {  	s25 =	sld [smem:$0x7FB];
	s26 =	simm.s32 $0x180  }
0x12b: {  	[hbm4b:s23+s2] =	stream.linear.scatter [tilespmem:s26], [sflag:$0x1], $0x10000, $0x38;
	[tilespmem:$0x11000] =	vst v63  }
0x12c: {  	s28 =	sld [smem:$0x7FC];
	s29 =	simm.s32 $0x100  }
0x12d: {  	[hbm4b:s25+s2] =	stream.linear.scatter [tilespmem:s29], [sflag:$0x1], $0x10000, $0x38;
	[tilespmem:$0x11000] =	vst v63  }
0x12e: {  	s30 =	sld [smem:$0x7FD]  }
0x12f: {  	[hbm4b:s28+s2] =	stream.linear.scatter [tilespmem:s11], [sflag:$0x1], $0x10000, $0x38;
	[tilespmem:$0x11000] =	vst v63  }
0x130: {  	_ = 	snop  }
0x131: {  	[hbm4b:s30+s2] =	stream.linear.scatter [tilespmem:s2], [sflag:$0x1], $0x10000, $0x38;
	[tilespmem:$0x11000] =	vst v63  }
0x132: {  	_ =	swait.ge [sflag:s3], $0x10000  }
0x133: {  	[sflag:s3] =	ssyncset.done $0x0  }
0x134: {  	[sflag:s3] =	ssyncadd.s32 $0xFFFF0000  }
0x135: {  	_ =	swait.ge [sflag:s3], $0x10000  }
0x136: {  	[sflag:s3] =	ssyncset.done $0x0  }
0x137: {  	[sflag:s3] =	ssyncadd.s32 $0xFFFF0000  }
0x138: {  	_ =	swait.ge [sflag:s3], $0x10000  }
0x139: {  	[sflag:s3] =	ssyncset.done $0x0  }
0x13a: {  	[sflag:s3] =	ssyncadd.s32 $0xFFFF0000  }
0x13b: {  	_ =	swait.ge [sflag:s3], $0x10000  }
0x13c: {  	[sflag:s3] =	ssyncset.done $0x0  }
0x13d: {  	[sflag:s3] =	ssyncadd.s32 $0xFFFF0000  }
0x13e: {  	_ =	swait.ge [sflag:s3], $0x10000  }
0x13f: {  	[sflag:s3] =	ssyncset.done $0x0  }
0x140: {  	[sflag:s3] =	ssyncadd.s32 $0xFFFF0000  }
0x141: {  	_ =	swait.ge [sflag:s3], $0x10000  }
0x142: {  	[sflag:s3] =	ssyncset.done $0x0  }
0x143: {  	[sflag:s3] =	ssyncadd.s32 $0xFFFF0000  }
0x144: {  	_ =	swait.ge [sflag:s3], $0x10000  }
0x145: {  	[sflag:s3] =	ssyncset.done $0x0  }
0x146: {  	[sflag:s3] =	ssyncadd.s32 $0xFFFF0000  }
0x147: {  	_ =	swait.ge [sflag:s3], $0x10000  }
0x148: {  	[sflag:s3] =	ssyncset.done $0x0  }
0x149: {  	[sflag:s3] =	ssyncadd.s32 $0xFFFF0000  }
0x14a: {  	_ =	swait.ge [sflag:s3], $0x10000  }
0x14b: {  	[sflag:s3] =	ssyncset.done $0x0  }
0x14c: {  	[sflag:s3] =	ssyncadd.s32 $0xFFFF0000  }
0x14d: {  	_ =	swait.ge [sflag:s3], $0x10000  }
0x14e: {  	[sflag:s3] =	ssyncset.done $0x0  }
0x14f: {  	[sflag:s3] =	ssyncadd.s32 $0xFFFF0000  }
0x150: {  	_ =	swait.ge [sflag:s3], $0x10000  }
0x151: {  	[sflag:s3] =	ssyncset.done $0x0  }
0x152: {  	[sflag:s3] =	ssyncadd.s32 $0xFFFF0000  }
0x153: {  	_ =	swait.ge [sflag:s3], $0x10000  }
0x154: {  	[sflag:s3] =	ssyncset.done $0x0  }
0x155: {  	[sflag:s3] =	ssyncadd.s32 $0xFFFF0000  }
0x156: {  	_ =	swait.ge [sflag:s3], $0x10000  }
0x157: {  	[sflag:s3] =	ssyncset.done $0x0  }
0x158: {  	[sflag:s3] =	ssyncadd.s32 $0xFFFF0000  }
0x159: {  	_ =	swait.ge [sflag:s3], $0x10000  }
0x15a: {  	[sflag:s3] =	ssyncset.done $0x0  }
0x15b: {  	[sflag:s3] =	ssyncadd.s32 $0xFFFF0000  }
0x15c: {  	_ =	swait.ge [sflag:s3], $0x10000  }
0x15d: {  	[sflag:s3] =	ssyncset.done $0x0  }
0x15e: {  	[sflag:s3] =	ssyncadd.s32 $0xFFFF0000  }
0x15f: {  	_ =	swait.ge [sflag:s3], $0x10000  }
0x160: {  	[sflag:s3] =	ssyncset.done $0x0  }
0x161: {  	[sflag:s3] =	ssyncadd.s32 $0xFFFF0000  }
0x162: {  	_ =	swait.ge [sflag:s3], $0x10000  }
0x163: {  	[sflag:s3] =	ssyncset.done $0x0  }
0x164: {  	[sflag:s3] =	ssyncadd.s32 $0xFFFF0000  }
0x165: {  	_ =	swait.ge [sflag:s3], $0x10000  }
0x166: {  	[sflag:s3] =	ssyncset.done $0x0  }
0x167: {  	[sflag:s3] =	ssyncadd.s32 $0xFFFF0000  }
0x168: {  	_ =	swait.ge [sflag:s3], $0x10000  }
0x169: {  	[sflag:s3] =	ssyncset.done $0x0  }
0x16a: {  	[sflag:s3] =	ssyncadd.s32 $0xFFFF0000  }
0x16b: {  	_ =	swait.ge [sflag:s3], $0x10000  }
0x16c: {  	[sflag:s3] =	ssyncset.done $0x0  }
0x16d: {  	[sflag:s3] =	ssyncadd.s32 $0xFFFF0000  }
0x16e: {  	_ =	swait.ge [sflag:s3], $0x10000  }
0x16f: {  	[sflag:s3] =	ssyncset.done $0x0  }
0x170: {  	[sflag:s3] =	ssyncadd.s32 $0xFFFF0000  }
0x171: {  	_ =	swait.ge [sflag:s3], $0x10000  }
0x172: {  	[sflag:s3] =	ssyncset.done $0x0  }
0x173: {  	[sflag:s3] =	ssyncadd.s32 $0xFFFF0000  }
0x174: {  	_ =	swait.ge [sflag:s3], $0x10000  }
0x175: {  	[sflag:s3] =	ssyncset.done $0x0  }
0x176: {  	[sflag:s3] =	ssyncadd.s32 $0xFFFF0000  }
0x177: {  	_ =	swait.ge [sflag:s3], $0x10000  }
0x178: {  	[sflag:s3] =	ssyncset.done $0x0  }
0x179: {  	[sflag:s3] =	ssyncadd.s32 $0xFFFF0000  }
0x17a: {  	_ =	swait.ge [sflag:s3], $0x10000  }
0x17b: {  	[sflag:s3] =	ssyncset.done $0x0  }
0x17c: {  	[sflag:s3] =	ssyncadd.s32 $0xFFFF0000  }
0x17d: {  	_ =	swait.ge [sflag:s3], $0x10000  }
0x17e: {  	[sflag:s3] =	ssyncset.done $0x0  }
0x17f: {  	[sflag:s3] =	ssyncadd.s32 $0xFFFF0000  }
0x180: {  	_ =	swait.ge [sflag:s3], $0x10000  }
0x181: {  	[sflag:s3] =	ssyncset.done $0x0  }
0x182: {  	[sflag:s3] =	ssyncadd.s32 $0xFFFF0000  }
0x183: {  	_ =	swait.ge [sflag:s3], $0x10000  }
0x184: {  	[sflag:s3] =	ssyncset.done $0x0  }
0x185: {  	[sflag:s3] =	ssyncadd.s32 $0xFFFF0000  }
0x186: {  	_ =	swait.ge [sflag:s3], $0x10000  }
0x187: {  	[sflag:s3] =	ssyncset.done $0x0  }
0x188: {  	[sflag:s3] =	ssyncadd.s32 $0xFFFF0000  }
0x189: {  	_ =	swait.ge [sflag:s3], $0x10000  }
0x18a: {  	[sflag:s3] =	ssyncset.done $0x0  }
0x18b: {  	[sflag:s3] =	ssyncadd.s32 $0xFFFF0000  }
0x18c: {  	p1 =	sne.s32 s7, $0x1;
	_ =	swait.ge [sflag:s3], $0x10000  }
.Ltmp1:
0x18d: {  	[sflag:s3] =	ssyncset.done $0x0;
	(pc) =	sbr.rel @!p1 .LBB2_6-.Ltmp1, $4  }
0x18e: {  	[sflag:s3] =	ssyncadd.s32 $0xFFFF0000  }
0x18f: {  	_ =	swait.ge [sflag:s3], $0x10000  }
0x190: {  	p0 =	por $0x1, $0x1;
	s9 =	rddreg [dreg:$0x3]  }
0x191: {  	s8 =	sadd.s32 $0xFFFFFFFF, s7;
	[sflag:s3] =	ssyncset.done $0x0;
	[smem:$0x7D9] =	sst s31  }
0x192: {  	s1 =	simm.s32 $0xF80;
	s6 =	simm.s32 $0xF00;
	s25 =	simm.s32 $0xE80  }
0x193: {  	s5 =	simm.s32 $0xD80;
	s7 =	simm.s32 $0xD00;
	s11 =	simm.s32 $0xC80  }
0x194: {  	s28 =	simm.s32 $0xB00;
	s29 =	simm.s32 $0xA80;
	s13 =	simm.s32 $0xA00  }
0x195: {  	s31 =	simm.s32 $0x980;
	s30 =	simm.s32 $0x900;
	s14 =	simm.s32 $0x880  }
0x196: {  	s17 =	simm.s32 $0x800;
	s16 =	simm.s32 $0x700;
	s18 =	simm.s32 $0x680  }
0x197: {  	s15 =	simm.s32 $0x600;
	s24 =	simm.s32 $0x500;
	s22 =	simm.s32 $0x480  }
0x198: {  	s20 =	simm.s32 $0x380;
	s26 =	simm.s32 $0x300;
	s23 =	simm.s32 $0x80  }
.LBB2_3:
0x199: {  	[sflag:s3] =	ssyncadd.s32 $0xFFFF0000;
	s0 =	simm.s32 $0x2  }
0x19a: {  	[tilespmem:s2], [sflag:$0x2] =	stream.linear.gather [hbm4b:s9+s2], $0x11000, $0x38;
	[tilespmem:$0x11000] =	vst v63  }
0x19b: {  	_ =	swait.ge [sflag:s0], $0x11000  }
0x19c: {  	s4 =	sld [smem:$0x7D9]  }
0x19d: {  	[sflag:s0] =	ssyncset.done $0x0  }
0x19e: {  	s21 =	rddreg [dreg:$0x4];
	[sflag:s0] =	ssyncadd.s32 $0xFFFEF000  }
0x19f: {  	[hbm4b:s4+s2] =	stream.linear.scatter [tilespmem:s1], [sflag:$0x1], $0x10000, $0x38;
	[tilespmem:$0x11000] =	vst v63  }
0x1a0: {  	s10 =	rddreg [dreg:$0x5]  }
0x1a1: {  	[hbm4b:s21+s2] =	stream.linear.scatter [tilespmem:s6], [sflag:$0x1], $0x10000, $0x38;
	[tilespmem:$0x11000] =	vst v63  }
0x1a2: {  	s12 =	rddreg [dreg:$0x6]  }
0x1a3: {  	[hbm4b:s10+s2] =	stream.linear.scatter [tilespmem:s25], [sflag:$0x1], $0x10000, $0x38;
	[tilespmem:$0x11000] =	vst v63  }
0x1a4: {  	s19 =	rddreg [dreg:$0x7];
	s4 =	simm.s32 $0xE00  }
0x1a5: {  	[hbm4b:s12+s2] =	stream.linear.scatter [tilespmem:s4], [sflag:$0x1], $0x10000, $0x38;
	[tilespmem:$0x11000] =	vst v63  }
0x1a6: {  	s9 =	rddreg [dreg:$0xc]  }
0x1a7: {  	[hbm4b:s19+s2] =	stream.linear.scatter [tilespmem:s5], [sflag:$0x1], $0x10000, $0x38;
	[tilespmem:$0x11000] =	vst v63  }
0x1a8: {  	s21 =	rddreg [dreg:$0x8]  }
0x1a9: {  	[hbm4b:s21+s2] =	stream.linear.scatter [tilespmem:s7], [sflag:$0x1], $0x10000, $0x38;
	[tilespmem:$0x11000] =	vst v63  }
0x1aa: {  	s12 =	rddreg [dreg:$0x9]  }
0x1ab: {  	[hbm4b:s12+s2] =	stream.linear.scatter [tilespmem:s11], [sflag:$0x1], $0x10000, $0x38;
	[tilespmem:$0x11000] =	vst v63  }
0x1ac: {  	s19 =	rddreg [dreg:$0xa];
	s12 =	simm.s32 $0xC00  }
0x1ad: {  	[hbm4b:s19+s2] =	stream.linear.scatter [tilespmem:s12], [sflag:$0x1], $0x10000, $0x38;
	[tilespmem:$0x11000] =	vst v63  }
0x1ae: {  	s21 =	rddreg [dreg:$0xb];
	s19 =	simm.s32 $0xB80  }
0x1af: {  	[hbm4b:s21+s2] =	stream.linear.scatter [tilespmem:s19], [sflag:$0x1], $0x10000, $0x38;
	[tilespmem:$0x11000] =	vst v63  }
0x1b0: {  	s10 =	rddreg [dreg:$0x1b]  }
0x1b1: {  	[hbm4b:s9+s2] =	stream.linear.scatter [tilespmem:s28], [sflag:$0x1], $0x10000, $0x38;
	[tilespmem:$0x11000] =	vst v63  }
0x1b2: {  	s21 =	rddreg [dreg:$0xd]  }
0x1b3: {  	[hbm4b:s21+s2] =	stream.linear.scatter [tilespmem:s29], [sflag:$0x1], $0x10000, $0x38;
	[tilespmem:$0x11000] =	vst v63  }
0x1b4: {  	s12 =	rddreg [dreg:$0xe]  }
0x1b5: {  	[hbm4b:s12+s2] =	stream.linear.scatter [tilespmem:s13], [sflag:$0x1], $0x10000, $0x38;
	[tilespmem:$0x11000] =	vst v63  }
0x1b6: {  	s19 =	rddreg [dreg:$0xf]  }
0x1b7: {  	[hbm4b:s19+s2] =	stream.linear.scatter [tilespmem:s31], [sflag:$0x1], $0x10000, $0x38;
	[tilespmem:$0x11000] =	vst v63  }
0x1b8: {  	s21 =	rddreg [dreg:$0x10]  }
0x1b9: {  	[hbm4b:s21+s2] =	stream.linear.scatter [tilespmem:s30], [sflag:$0x1], $0x10000, $0x38;
	[tilespmem:$0x11000] =	vst v63  }
0x1ba: {  	s12 =	rddreg [dreg:$0x11]  }
0x1bb: {  	[hbm4b:s12+s2] =	stream.linear.scatter [tilespmem:s14], [sflag:$0x1], $0x10000, $0x38;
	[tilespmem:$0x11000] =	vst v63  }
0x1bc: {  	s19 =	rddreg [dreg:$0x12]  }
0x1bd: {  	[hbm4b:s19+s2] =	stream.linear.scatter [tilespmem:s17], [sflag:$0x1], $0x10000, $0x38;
	[tilespmem:$0x11000] =	vst v63  }
0x1be: {  	s21 =	rddreg [dreg:$0x13];
	s12 =	simm.s32 $0x780  }
0x1bf: {  	[hbm4b:s21+s2] =	stream.linear.scatter [tilespmem:s12], [sflag:$0x1], $0x10000, $0x38;
	[tilespmem:$0x11000] =	vst v63  }
0x1c0: {  	s19 =	rddreg [dreg:$0x14]  }
0x1c1: {  	[hbm4b:s19+s2] =	stream.linear.scatter [tilespmem:s16], [sflag:$0x1], $0x10000, $0x38;
	[tilespmem:$0x11000] =	vst v63  }
0x1c2: {  	s21 =	rddreg [dreg:$0x15]  }
0x1c3: {  	[hbm4b:s21+s2] =	stream.linear.scatter [tilespmem:s18], [sflag:$0x1], $0x10000, $0x38;
	[tilespmem:$0x11000] =	vst v63  }
0x1c4: {  	s19 =	rddreg [dreg:$0x16]  }
0x1c5: {  	[hbm4b:s19+s2] =	stream.linear.scatter [tilespmem:s15], [sflag:$0x1], $0x10000, $0x38;
	[tilespmem:$0x11000] =	vst v63  }
0x1c6: {  	s21 =	rddreg [dreg:$0x17];
	s19 =	simm.s32 $0x580  }
0x1c7: {  	[hbm4b:s21+s2] =	stream.linear.scatter [tilespmem:s19], [sflag:$0x1], $0x10000, $0x38;
	[tilespmem:$0x11000] =	vst v63  }
0x1c8: {  	s9 =	rddreg [dreg:$0x18]  }
0x1c9: {  	[hbm4b:s9+s2] =	stream.linear.scatter [tilespmem:s24], [sflag:$0x1], $0x10000, $0x38;
	[tilespmem:$0x11000] =	vst v63  }
0x1ca: {  	s21 =	rddreg [dreg:$0x19]  }
0x1cb: {  	[hbm4b:s21+s2] =	stream.linear.scatter [tilespmem:s22], [sflag:$0x1], $0x10000, $0x38;
	[tilespmem:$0x11000] =	vst v63  }
0x1cc: {  	s19 =	rddreg [dreg:$0x1a];
	s21 =	simm.s32 $0x400  }
0x1cd: {  	[hbm4b:s19+s2] =	stream.linear.scatter [tilespmem:s21], [sflag:$0x1], $0x10000, $0x38;
	[tilespmem:$0x11000] =	vst v63  }
0x1ce: {  	s9 =	rddreg [dreg:$0x1e]  }
0x1cf: {  	[hbm4b:s10+s2] =	stream.linear.scatter [tilespmem:s20], [sflag:$0x1], $0x10000, $0x38;
	[tilespmem:$0x11000] =	vst v63  }
0x1d0: {  	s21 =	rddreg [dreg:$0x1c]  }
0x1d1: {  	[hbm4b:s21+s2] =	stream.linear.scatter [tilespmem:s26], [sflag:$0x1], $0x10000, $0x38;
	[tilespmem:$0x11000] =	vst v63  }
0x1d2: {  	s19 =	rddreg [dreg:$0x1d];
	s21 =	simm.s32 $0x280  }
0x1d3: {  	[hbm4b:s19+s2] =	stream.linear.scatter [tilespmem:s21], [sflag:$0x1], $0x10000, $0x38;
	[tilespmem:$0x11000] =	vst v63  }
0x1d4: {  	s10 =	rddreg [dreg:$0x1f];
	s19 =	simm.s32 $0x200  }
0x1d5: {  	[hbm4b:s9+s2] =	stream.linear.scatter [tilespmem:s19], [sflag:$0x1], $0x10000, $0x38;
	[tilespmem:$0x11000] =	vst v63  }
0x1d6: {  	s21 =	simm.s32 $0x180;
	s9 =	sld [smem:$0x7DA]  }
0x1d7: {  	[hbm4b:s10+s2] =	stream.linear.scatter [tilespmem:s21], [sflag:$0x1], $0x10000, $0x38;
	[tilespmem:$0x11000] =	vst v63  }
0x1d8: {  	s10 =	sld [smem:$0x7DB];
	s21 =	simm.s32 $0x100  }
0x1d9: {  	[hbm4b:s9+s2] =	stream.linear.scatter [tilespmem:s21], [sflag:$0x1], $0x10000, $0x38;
	[tilespmem:$0x11000] =	vst v63  }
0x1da: {  	s9 =	sld [smem:$0x7DC]  }
0x1db: {  	[hbm4b:s10+s2] =	stream.linear.scatter [tilespmem:s23], [sflag:$0x1], $0x10000, $0x38;
	[tilespmem:$0x11000] =	vst v63  }
0x1dc: {  	_ = 	snop  }
0x1dd: {  	[hbm4b:s9+s2] =	stream.linear.scatter [tilespmem:s2], [sflag:$0x1], $0x10000, $0x38;
	[tilespmem:$0x11000] =	vst v63  }
0x1de: {  	_ =	swait.ge [sflag:s3], $0x10000  }
0x1df: {  	[sflag:s3] =	ssyncset.done $0x0  }
0x1e0: {  	[sflag:s3] =	ssyncadd.s32 $0xFFFF0000  }
0x1e1: {  	_ =	swait.ge [sflag:s3], $0x10000  }
0x1e2: {  	[sflag:s3] =	ssyncset.done $0x0  }
0x1e3: {  	[sflag:s3] =	ssyncadd.s32 $0xFFFF0000  }
0x1e4: {  	_ =	swait.ge [sflag:s3], $0x10000  }
0x1e5: {  	[sflag:s3] =	ssyncset.done $0x0  }
0x1e6: {  	[sflag:s3] =	ssyncadd.s32 $0xFFFF0000  }
0x1e7: {  	_ =	swait.ge [sflag:s3], $0x10000  }
0x1e8: {  	[sflag:s3] =	ssyncset.done $0x0  }
0x1e9: {  	[sflag:s3] =	ssyncadd.s32 $0xFFFF0000  }
0x1ea: {  	_ =	swait.ge [sflag:s3], $0x10000  }
0x1eb: {  	[sflag:s3] =	ssyncset.done $0x0  }
0x1ec: {  	[sflag:s3] =	ssyncadd.s32 $0xFFFF0000  }
0x1ed: {  	_ =	swait.ge [sflag:s3], $0x10000  }
0x1ee: {  	[sflag:s3] =	ssyncset.done $0x0  }
0x1ef: {  	[sflag:s3] =	ssyncadd.s32 $0xFFFF0000  }
0x1f0: {  	_ =	swait.ge [sflag:s3], $0x10000  }
0x1f1: {  	[sflag:s3] =	ssyncset.done $0x0  }
0x1f2: {  	[sflag:s3] =	ssyncadd.s32 $0xFFFF0000  }
0x1f3: {  	_ =	swait.ge [sflag:s3], $0x10000  }
0x1f4: {  	[sflag:s3] =	ssyncset.done $0x0  }
0x1f5: {  	[sflag:s3] =	ssyncadd.s32 $0xFFFF0000  }
0x1f6: {  	_ =	swait.ge [sflag:s3], $0x10000  }
0x1f7: {  	[sflag:s3] =	ssyncset.done $0x0  }
0x1f8: {  	[sflag:s3] =	ssyncadd.s32 $0xFFFF0000  }
0x1f9: {  	_ =	swait.ge [sflag:s3], $0x10000  }
0x1fa: {  	[sflag:s3] =	ssyncset.done $0x0  }
0x1fb: {  	[sflag:s3] =	ssyncadd.s32 $0xFFFF0000  }
0x1fc: {  	_ =	swait.ge [sflag:s3], $0x10000  }
0x1fd: {  	[sflag:s3] =	ssyncset.done $0x0  }
0x1fe: {  	[sflag:s3] =	ssyncadd.s32 $0xFFFF0000  }
0x1ff: {  	_ =	swait.ge [sflag:s3], $0x10000  }
0x200: {  	[sflag:s3] =	ssyncset.done $0x0  }
0x201: {  	[sflag:s3] =	ssyncadd.s32 $0xFFFF0000  }
0x202: {  	_ =	swait.ge [sflag:s3], $0x10000  }
0x203: {  	[sflag:s3] =	ssyncset.done $0x0  }
0x204: {  	[sflag:s3] =	ssyncadd.s32 $0xFFFF0000  }
0x205: {  	_ =	swait.ge [sflag:s3], $0x10000  }
0x206: {  	[sflag:s3] =	ssyncset.done $0x0  }
0x207: {  	[sflag:s3] =	ssyncadd.s32 $0xFFFF0000  }
0x208: {  	_ =	swait.ge [sflag:s3], $0x10000  }
0x209: {  	[sflag:s3] =	ssyncset.done $0x0  }
0x20a: {  	[sflag:s3] =	ssyncadd.s32 $0xFFFF0000  }
0x20b: {  	_ =	swait.ge [sflag:s3], $0x10000  }
0x20c: {  	[sflag:s3] =	ssyncset.done $0x0  }
0x20d: {  	[sflag:s3] =	ssyncadd.s32 $0xFFFF0000  }
0x20e: {  	_ =	swait.ge [sflag:s3], $0x10000  }
0x20f: {  	[sflag:s3] =	ssyncset.done $0x0  }
0x210: {  	[sflag:s3] =	ssyncadd.s32 $0xFFFF0000  }
0x211: {  	_ =	swait.ge [sflag:s3], $0x10000  }
0x212: {  	[sflag:s3] =	ssyncset.done $0x0  }
0x213: {  	[sflag:s3] =	ssyncadd.s32 $0xFFFF0000  }
0x214: {  	_ =	swait.ge [sflag:s3], $0x10000  }
0x215: {  	[sflag:s3] =	ssyncset.done $0x0  }
0x216: {  	[sflag:s3] =	ssyncadd.s32 $0xFFFF0000  }
0x217: {  	_ =	swait.ge [sflag:s3], $0x10000  }
0x218: {  	[sflag:s3] =	ssyncset.done $0x0  }
0x219: {  	[sflag:s3] =	ssyncadd.s32 $0xFFFF0000  }
0x21a: {  	_ =	swait.ge [sflag:s3], $0x10000  }
0x21b: {  	[sflag:s3] =	ssyncset.done $0x0  }
0x21c: {  	[sflag:s3] =	ssyncadd.s32 $0xFFFF0000  }
0x21d: {  	_ =	swait.ge [sflag:s3], $0x10000  }
0x21e: {  	[sflag:s3] =	ssyncset.done $0x0  }
0x21f: {  	[sflag:s3] =	ssyncadd.s32 $0xFFFF0000  }
0x220: {  	_ =	swait.ge [sflag:s3], $0x10000  }
0x221: {  	[sflag:s3] =	ssyncset.done $0x0  }
0x222: {  	[sflag:s3] =	ssyncadd.s32 $0xFFFF0000  }
0x223: {  	_ =	swait.ge [sflag:s3], $0x10000  }
0x224: {  	[sflag:s3] =	ssyncset.done $0x0  }
0x225: {  	[sflag:s3] =	ssyncadd.s32 $0xFFFF0000  }
0x226: {  	_ =	swait.ge [sflag:s3], $0x10000  }
0x227: {  	[sflag:s3] =	ssyncset.done $0x0  }
0x228: {  	[sflag:s3] =	ssyncadd.s32 $0xFFFF0000  }
0x229: {  	_ =	swait.ge [sflag:s3], $0x10000  }
0x22a: {  	[sflag:s3] =	ssyncset.done $0x0  }
0x22b: {  	[sflag:s3] =	ssyncadd.s32 $0xFFFF0000  }
0x22c: {  	_ =	swait.ge [sflag:s3], $0x10000  }
0x22d: {  	[sflag:s3] =	ssyncset.done $0x0  }
0x22e: {  	[sflag:s3] =	ssyncadd.s32 $0xFFFF0000  }
0x22f: {  	_ =	swait.ge [sflag:s3], $0x10000  }
0x230: {  	[sflag:s3] =	ssyncset.done $0x0  }
0x231: {  	[sflag:s3] =	ssyncadd.s32 $0xFFFF0000  }
0x232: {  	_ =	swait.ge [sflag:s3], $0x10000  }
0x233: {  	[sflag:s3] =	ssyncset.done $0x0  }
0x234: {  	[sflag:s3] =	ssyncadd.s32 $0xFFFF0000  }
0x235: {  	_ =	swait.ge [sflag:s3], $0x10000  }
0x236: {  	[sflag:s3] =	ssyncset.done $0x0  }
0x237: {  	[sflag:s3] =	ssyncadd.s32 $0xFFFF0000  }
0x238: {  	_ =	swait.ge [sflag:s3], $0x10000  }
0x239: {  	[sflag:s3] =	ssyncset.done $0x0  }
0x23a: {  	[sflag:s3] =	ssyncadd.s32 $0xFFFF0000  }
0x23b: {  	_ =	swait.ge [sflag:s3], $0x10000  }
0x23c: {  	s10 =	sld [smem:$0x7DD]  }
0x23d: {  	[sflag:s3] =	ssyncset.done $0x0  }
0x23e: {  	[sflag:s3] =	ssyncadd.s32 $0xFFFF0000  }
0x23f: {  	[tilespmem:s2], [sflag:$0x2] =	stream.linear.gather [hbm4b:s10+s2], $0x11000, $0x38;
	[tilespmem:$0x11000] =	vst v63  }
0x240: {  	_ =	swait.ge [sflag:s0], $0x11000  }
0x241: {  	s10 =	sld [smem:$0x7DE]  }
0x242: {  	[sflag:s0] =	ssyncset.done $0x0  }
0x243: {  	[sflag:s0] =	ssyncadd.s32 $0xFFFEF000;
	s0 =	sld [smem:$0x7DF]  }
0x244: {  	[hbm4b:s10+s2] =	stream.linear.scatter [tilespmem:s1], [sflag:$0x1], $0x10000, $0x38;
	[tilespmem:$0x11000] =	vst v63  }
0x245: {  	s9 =	sld [smem:$0x7E0]  }
0x246: {  	[hbm4b:s0+s2] =	stream.linear.scatter [tilespmem:s6], [sflag:$0x1], $0x10000, $0x38;
	[tilespmem:$0x11000] =	vst v63  }
0x247: {  	s0 =	sld [smem:$0x7E1]  }
0x248: {  	[hbm4b:s9+s2] =	stream.linear.scatter [tilespmem:s25], [sflag:$0x1], $0x10000, $0x38;
	[tilespmem:$0x11000] =	vst v63  }
0x249: {  	s9 =	sld [smem:$0x7E2]  }
0x24a: {  	[hbm4b:s0+s2] =	stream.linear.scatter [tilespmem:s4], [sflag:$0x1], $0x10000, $0x38;
	[tilespmem:$0x11000] =	vst v63  }
0x24b: {  	s0 =	sld [smem:$0x7E3]  }
0x24c: {  	[hbm4b:s9+s2] =	stream.linear.scatter [tilespmem:s5], [sflag:$0x1], $0x10000, $0x38;
	[tilespmem:$0x11000] =	vst v63  }
0x24d: {  	s4 =	sld [smem:$0x7E4]  }
0x24e: {  	[hbm4b:s0+s2] =	stream.linear.scatter [tilespmem:s7], [sflag:$0x1], $0x10000, $0x38;
	[tilespmem:$0x11000] =	vst v63  }
0x24f: {  	s0 =	sld [smem:$0x7E5]  }
0x250: {  	[hbm4b:s4+s2] =	stream.linear.scatter [tilespmem:s11], [sflag:$0x1], $0x10000, $0x38;
	[tilespmem:$0x11000] =	vst v63  }
0x251: {  	s9 =	sld [smem:$0x7E6];
	s4 =	simm.s32 $0xC00  }
0x252: {  	[hbm4b:s0+s2] =	stream.linear.scatter [tilespmem:s4], [sflag:$0x1], $0x10000, $0x38;
	[tilespmem:$0x11000] =	vst v63  }
0x253: {  	s10 =	sld [smem:$0x7E7];
	s4 =	simm.s32 $0xB80  }
0x254: {  	[hbm4b:s9+s2] =	stream.linear.scatter [tilespmem:s4], [sflag:$0x1], $0x10000, $0x38;
	[tilespmem:$0x11000] =	vst v63  }
0x255: {  	s4 =	sld [smem:$0x7E8]  }
0x256: {  	[hbm4b:s10+s2] =	stream.linear.scatter [tilespmem:s28], [sflag:$0x1], $0x10000, $0x38;
	[tilespmem:$0x11000] =	vst v63  }
0x257: {  	s0 =	sld [smem:$0x7E9]  }
0x258: {  	[hbm4b:s4+s2] =	stream.linear.scatter [tilespmem:s29], [sflag:$0x1], $0x10000, $0x38;
	[tilespmem:$0x11000] =	vst v63  }
0x259: {  	s4 =	sld [smem:$0x7EA]  }
0x25a: {  	[hbm4b:s0+s2] =	stream.linear.scatter [tilespmem:s13], [sflag:$0x1], $0x10000, $0x38;
	[tilespmem:$0x11000] =	vst v63  }
0x25b: {  	s0 =	sld [smem:$0x7EB]  }
0x25c: {  	[hbm4b:s4+s2] =	stream.linear.scatter [tilespmem:s31], [sflag:$0x1], $0x10000, $0x38;
	[tilespmem:$0x11000] =	vst v63  }
0x25d: {  	s4 =	sld [smem:$0x7EC]  }
0x25e: {  	[hbm4b:s0+s2] =	stream.linear.scatter [tilespmem:s30], [sflag:$0x1], $0x10000, $0x38;
	[tilespmem:$0x11000] =	vst v63  }
0x25f: {  	s0 =	sld [smem:$0x7ED]  }
0x260: {  	[hbm4b:s4+s2] =	stream.linear.scatter [tilespmem:s14], [sflag:$0x1], $0x10000, $0x38;
	[tilespmem:$0x11000] =	vst v63  }
0x261: {  	s4 =	sld [smem:$0x7EE]  }
0x262: {  	[hbm4b:s0+s2] =	stream.linear.scatter [tilespmem:s17], [sflag:$0x1], $0x10000, $0x38;
	[tilespmem:$0x11000] =	vst v63  }
0x263: {  	s0 =	sld [smem:$0x7EF]  }
0x264: {  	[hbm4b:s4+s2] =	stream.linear.scatter [tilespmem:s12], [sflag:$0x1], $0x10000, $0x38;
	[tilespmem:$0x11000] =	vst v63  }
0x265: {  	s4 =	sld [smem:$0x7F0]  }
0x266: {  	[hbm4b:s0+s2] =	stream.linear.scatter [tilespmem:s16], [sflag:$0x1], $0x10000, $0x38;
	[tilespmem:$0x11000] =	vst v63  }
0x267: {  	s12 =	sld [smem:$0x7F1]  }
0x268: {  	[hbm4b:s4+s2] =	stream.linear.scatter [tilespmem:s18], [sflag:$0x1], $0x10000, $0x38;
	[tilespmem:$0x11000] =	vst v63  }
0x269: {  	s0 =	sld [smem:$0x7F2]  }
0x26a: {  	[hbm4b:s12+s2] =	stream.linear.scatter [tilespmem:s15], [sflag:$0x1], $0x10000, $0x38;
	[tilespmem:$0x11000] =	vst v63  }
0x26b: {  	s10 =	sld [smem:$0x7F3];
	s4 =	simm.s32 $0x580  }
0x26c: {  	[hbm4b:s0+s2] =	stream.linear.scatter [tilespmem:s4], [sflag:$0x1], $0x10000, $0x38;
	[tilespmem:$0x11000] =	vst v63  }
0x26d: {  	s12 =	sld [smem:$0x7F4]  }
0x26e: {  	[hbm4b:s10+s2] =	stream.linear.scatter [tilespmem:s24], [sflag:$0x1], $0x10000, $0x38;
	[tilespmem:$0x11000] =	vst v63  }
0x26f: {  	s0 =	sld [smem:$0x7F5]  }
0x270: {  	[hbm4b:s12+s2] =	stream.linear.scatter [tilespmem:s22], [sflag:$0x1], $0x10000, $0x38;
	[tilespmem:$0x11000] =	vst v63  }
0x271: {  	s9 =	sld [smem:$0x7F6];
	s4 =	simm.s32 $0x400  }
0x272: {  	[hbm4b:s0+s2] =	stream.linear.scatter [tilespmem:s4], [sflag:$0x1], $0x10000, $0x38;
	[tilespmem:$0x11000] =	vst v63  }
0x273: {  	s12 =	sld [smem:$0x7F7]  }
0x274: {  	[hbm4b:s9+s2] =	stream.linear.scatter [tilespmem:s20], [sflag:$0x1], $0x10000, $0x38;
	[tilespmem:$0x11000] =	vst v63  }
0x275: {  	s0 =	sld [smem:$0x7F8]  }
0x276: {  	[hbm4b:s12+s2] =	stream.linear.scatter [tilespmem:s26], [sflag:$0x1], $0x10000, $0x38;
	[tilespmem:$0x11000] =	vst v63  }
0x277: {  	s4 =	sld [smem:$0x7F9];
	s12 =	simm.s32 $0x280  }
0x278: {  	[hbm4b:s0+s2] =	stream.linear.scatter [tilespmem:s12], [sflag:$0x1], $0x10000, $0x38;
	[tilespmem:$0x11000] =	vst v63  }
0x279: {  	s0 =	sld [smem:$0x7FA]  }
0x27a: {  	[hbm4b:s4+s2] =	stream.linear.scatter [tilespmem:s19], [sflag:$0x1], $0x10000, $0x38;
	[tilespmem:$0x11000] =	vst v63  }
0x27b: {  	s12 =	simm.s32 $0x180;
	s4 =	sld [smem:$0x7FB]  }
0x27c: {  	[hbm4b:s0+s2] =	stream.linear.scatter [tilespmem:s12], [sflag:$0x1], $0x10000, $0x38;
	[tilespmem:$0x11000] =	vst v63  }
0x27d: {  	s19 =	sld [smem:$0x7FC]  }
0x27e: {  	[hbm4b:s4+s2] =	stream.linear.scatter [tilespmem:s21], [sflag:$0x1], $0x10000, $0x38;
	[tilespmem:$0x11000] =	vst v63  }
0x27f: {  	s21 =	sld [smem:$0x7FD]  }
0x280: {  	[hbm4b:s19+s2] =	stream.linear.scatter [tilespmem:s23], [sflag:$0x1], $0x10000, $0x38;
	[tilespmem:$0x11000] =	vst v63  }
0x281: {  	_ = 	snop  }
0x282: {  	[hbm4b:s21+s2] =	stream.linear.scatter [tilespmem:s2], [sflag:$0x1], $0x10000, $0x38;
	[tilespmem:$0x11000] =	vst v63  }
0x283: {  	_ =	swait.ge [sflag:s3], $0x10000  }
0x284: {  	[sflag:s3] =	ssyncset.done $0x0  }
0x285: {  	[sflag:s3] =	ssyncadd.s32 $0xFFFF0000  }
0x286: {  	_ =	swait.ge [sflag:s3], $0x10000  }
0x287: {  	[sflag:s3] =	ssyncset.done $0x0  }
0x288: {  	[sflag:s3] =	ssyncadd.s32 $0xFFFF0000  }
0x289: {  	_ =	swait.ge [sflag:s3], $0x10000  }
0x28a: {  	[sflag:s3] =	ssyncset.done $0x0  }
0x28b: {  	[sflag:s3] =	ssyncadd.s32 $0xFFFF0000  }
0x28c: {  	_ =	swait.ge [sflag:s3], $0x10000  }
0x28d: {  	[sflag:s3] =	ssyncset.done $0x0  }
0x28e: {  	[sflag:s3] =	ssyncadd.s32 $0xFFFF0000  }
0x28f: {  	_ =	swait.ge [sflag:s3], $0x10000  }
0x290: {  	[sflag:s3] =	ssyncset.done $0x0  }
0x291: {  	[sflag:s3] =	ssyncadd.s32 $0xFFFF0000  }
0x292: {  	_ =	swait.ge [sflag:s3], $0x10000  }
0x293: {  	[sflag:s3] =	ssyncset.done $0x0  }
0x294: {  	[sflag:s3] =	ssyncadd.s32 $0xFFFF0000  }
0x295: {  	_ =	swait.ge [sflag:s3], $0x10000  }
0x296: {  	[sflag:s3] =	ssyncset.done $0x0  }
0x297: {  	[sflag:s3] =	ssyncadd.s32 $0xFFFF0000  }
0x298: {  	_ =	swait.ge [sflag:s3], $0x10000  }
0x299: {  	[sflag:s3] =	ssyncset.done $0x0  }
0x29a: {  	[sflag:s3] =	ssyncadd.s32 $0xFFFF0000  }
0x29b: {  	_ =	swait.ge [sflag:s3], $0x10000  }
0x29c: {  	[sflag:s3] =	ssyncset.done $0x0  }
0x29d: {  	[sflag:s3] =	ssyncadd.s32 $0xFFFF0000  }
0x29e: {  	_ =	swait.ge [sflag:s3], $0x10000  }
0x29f: {  	[sflag:s3] =	ssyncset.done $0x0  }
0x2a0: {  	[sflag:s3] =	ssyncadd.s32 $0xFFFF0000  }
0x2a1: {  	_ =	swait.ge [sflag:s3], $0x10000  }
0x2a2: {  	[sflag:s3] =	ssyncset.done $0x0  }
0x2a3: {  	[sflag:s3] =	ssyncadd.s32 $0xFFFF0000  }
0x2a4: {  	_ =	swait.ge [sflag:s3], $0x10000  }
0x2a5: {  	[sflag:s3] =	ssyncset.done $0x0  }
0x2a6: {  	[sflag:s3] =	ssyncadd.s32 $0xFFFF0000  }
0x2a7: {  	_ =	swait.ge [sflag:s3], $0x10000  }
0x2a8: {  	[sflag:s3] =	ssyncset.done $0x0  }
0x2a9: {  	[sflag:s3] =	ssyncadd.s32 $0xFFFF0000  }
0x2aa: {  	_ =	swait.ge [sflag:s3], $0x10000  }
0x2ab: {  	[sflag:s3] =	ssyncset.done $0x0  }
0x2ac: {  	[sflag:s3] =	ssyncadd.s32 $0xFFFF0000  }
0x2ad: {  	_ =	swait.ge [sflag:s3], $0x10000  }
0x2ae: {  	[sflag:s3] =	ssyncset.done $0x0  }
0x2af: {  	[sflag:s3] =	ssyncadd.s32 $0xFFFF0000  }
0x2b0: {  	_ =	swait.ge [sflag:s3], $0x10000  }
0x2b1: {  	[sflag:s3] =	ssyncset.done $0x0  }
0x2b2: {  	[sflag:s3] =	ssyncadd.s32 $0xFFFF0000  }
0x2b3: {  	_ =	swait.ge [sflag:s3], $0x10000  }
0x2b4: {  	[sflag:s3] =	ssyncset.done $0x0  }
0x2b5: {  	[sflag:s3] =	ssyncadd.s32 $0xFFFF0000  }
0x2b6: {  	_ =	swait.ge [sflag:s3], $0x10000  }
0x2b7: {  	[sflag:s3] =	ssyncset.done $0x0  }
0x2b8: {  	[sflag:s3] =	ssyncadd.s32 $0xFFFF0000  }
0x2b9: {  	_ =	swait.ge [sflag:s3], $0x10000  }
0x2ba: {  	[sflag:s3] =	ssyncset.done $0x0  }
0x2bb: {  	[sflag:s3] =	ssyncadd.s32 $0xFFFF0000  }
0x2bc: {  	_ =	swait.ge [sflag:s3], $0x10000  }
0x2bd: {  	[sflag:s3] =	ssyncset.done $0x0  }
0x2be: {  	[sflag:s3] =	ssyncadd.s32 $0xFFFF0000  }
0x2bf: {  	_ =	swait.ge [sflag:s3], $0x10000  }
0x2c0: {  	[sflag:s3] =	ssyncset.done $0x0  }
0x2c1: {  	[sflag:s3] =	ssyncadd.s32 $0xFFFF0000  }
0x2c2: {  	_ =	swait.ge [sflag:s3], $0x10000  }
0x2c3: {  	[sflag:s3] =	ssyncset.done $0x0  }
0x2c4: {  	[sflag:s3] =	ssyncadd.s32 $0xFFFF0000  }
0x2c5: {  	_ =	swait.ge [sflag:s3], $0x10000  }
0x2c6: {  	[sflag:s3] =	ssyncset.done $0x0  }
0x2c7: {  	[sflag:s3] =	ssyncadd.s32 $0xFFFF0000  }
0x2c8: {  	_ =	swait.ge [sflag:s3], $0x10000  }
0x2c9: {  	[sflag:s3] =	ssyncset.done $0x0  }
0x2ca: {  	[sflag:s3] =	ssyncadd.s32 $0xFFFF0000  }
0x2cb: {  	_ =	swait.ge [sflag:s3], $0x10000  }
0x2cc: {  	[sflag:s3] =	ssyncset.done $0x0  }
0x2cd: {  	[sflag:s3] =	ssyncadd.s32 $0xFFFF0000  }
0x2ce: {  	_ =	swait.ge [sflag:s3], $0x10000  }
0x2cf: {  	[sflag:s3] =	ssyncset.done $0x0  }
0x2d0: {  	[sflag:s3] =	ssyncadd.s32 $0xFFFF0000  }
0x2d1: {  	_ =	swait.ge [sflag:s3], $0x10000  }
0x2d2: {  	[sflag:s3] =	ssyncset.done $0x0  }
0x2d3: {  	[sflag:s3] =	ssyncadd.s32 $0xFFFF0000  }
0x2d4: {  	_ =	swait.ge [sflag:s3], $0x10000  }
0x2d5: {  	[sflag:s3] =	ssyncset.done $0x0  }
0x2d6: {  	[sflag:s3] =	ssyncadd.s32 $0xFFFF0000  }
0x2d7: {  	_ =	swait.ge [sflag:s3], $0x10000  }
0x2d8: {  	[sflag:s3] =	ssyncset.done $0x0  }
0x2d9: {  	[sflag:s3] =	ssyncadd.s32 $0xFFFF0000  }
0x2da: {  	_ =	swait.ge [sflag:s3], $0x10000  }
0x2db: {  	[sflag:s3] =	ssyncset.done $0x0  }
0x2dc: {  	p1 =	sne.s32 s8, $0x1;
	[sflag:s3] =	ssyncadd.s32 $0xFFFF0000  }
.Ltmp2:
0x2dd: {  	_ =	swait.ge [sflag:s3], $0x10000;
	(pc) =	sbr.rel @p1 .LBB2_3-.Ltmp2, $4  }
0x2de: {  	[sflag:s3] =	ssyncset.done $0x0  }
0x2df: {  	[sflag:s3] =	ssyncadd.s32 $0xFFFF0000  }
0x2e0: {  	_ =	swait.ge [sflag:s3], $0x10000  }
0x2e1: {  	s8 =	sadd.s32 $0xFFFFFFFF, s8;
	s9 =	rddreg [dreg:$0x3];
	[sflag:s3] =	ssyncset.done $0x0  }
0x2e2: {  	s4 =	simm.s32 $0xB80  }
0x2e3: {  	s5 =	simm.s32 $0xC00;
	s10 =	simm.s32 $0xC80;
	s19 =	simm.s32 $0xD80  }
0x2e4: {  	s21 =	simm.s32 $0xE00;
	s0 =	simm.s32 $0xE80;
	s1 =	simm.s32 $0xF00  }
0x2e5: {  	s23 =	simm.s32 $0xF80;
	s31 =	sld [smem:$0x7D9];
	s6 =	simm.s32 $0x2  }
.LBB2_5:
0x2e6: {  	[sflag:s3] =	ssyncadd.s32 @p0 $0xFFFF0000  }
0x2e7: {  	[tilespmem:s2], [sflag:$0x2] =	stream.linear.gather [hbm4b:s9+s2], $0x11000, $0x38;
	[tilespmem:$0x11000] =	vst v63  }
0x2e8: {  	_ =	swait.ge [sflag:s6], $0x11000  }
0x2e9: {  	[sflag:s6] =	ssyncset.done $0x0  }
0x2ea: {  	s8 =	rddreg [dreg:$0x4];
	[sflag:s6] =	ssyncadd.s32 $0xFFFEF000  }
0x2eb: {  	[hbm4b:s31+s2] =	stream.linear.scatter [tilespmem:s23], [sflag:$0x1], $0x10000, $0x38;
	[tilespmem:$0x11000] =	vst v63  }
0x2ec: {  	s7 =	rddreg [dreg:$0x5]  }
0x2ed: {  	[hbm4b:s8+s2] =	stream.linear.scatter [tilespmem:s1], [sflag:$0x1], $0x10000, $0x38;
	[tilespmem:$0x11000] =	vst v63  }
0x2ee: {  	s18 =	rddreg [dreg:$0x6]  }
0x2ef: {  	[hbm4b:s7+s2] =	stream.linear.scatter [tilespmem:s0], [sflag:$0x1], $0x10000, $0x38;
	[tilespmem:$0x11000] =	vst v63  }
0x2f0: {  	s20 =	rddreg [dreg:$0x7]  }
0x2f1: {  	[hbm4b:s18+s2] =	stream.linear.scatter [tilespmem:s21], [sflag:$0x1], $0x10000, $0x38;
	[tilespmem:$0x11000] =	vst v63  }
0x2f2: {  	s22 =	rddreg [dreg:$0x8]  }
0x2f3: {  	[hbm4b:s20+s2] =	stream.linear.scatter [tilespmem:s19], [sflag:$0x1], $0x10000, $0x38;
	[tilespmem:$0x11000] =	vst v63  }
0x2f4: {  	s9 =	simm.s32 $0xD00;
	s24 =	rddreg [dreg:$0xa]  }
0x2f5: {  	[hbm4b:s22+s2] =	stream.linear.scatter [tilespmem:s9], [sflag:$0x1], $0x10000, $0x38;
	[tilespmem:$0x11000] =	vst v63  }
0x2f6: {  	s23 =	rddreg [dreg:$0x9]  }
0x2f7: {  	[hbm4b:s23+s2] =	stream.linear.scatter [tilespmem:s10], [sflag:$0x1], $0x10000, $0x38;
	[tilespmem:$0x11000] =	vst v63  }
0x2f8: {  	s25 =	rddreg [dreg:$0xb]  }
0x2f9: {  	[hbm4b:s24+s2] =	stream.linear.scatter [tilespmem:s5], [sflag:$0x1], $0x10000, $0x38;
	[tilespmem:$0x11000] =	vst v63  }
0x2fa: {  	s26 =	rddreg [dreg:$0xc]  }
0x2fb: {  	[hbm4b:s25+s2] =	stream.linear.scatter [tilespmem:s4], [sflag:$0x1], $0x10000, $0x38;
	[tilespmem:$0x11000] =	vst v63  }
0x2fc: {  	s28 =	rddreg [dreg:$0xd];
	s10 =	simm.s32 $0xB00  }
0x2fd: {  	[hbm4b:s26+s2] =	stream.linear.scatter [tilespmem:s10], [sflag:$0x1], $0x10000, $0x38;
	[tilespmem:$0x11000] =	vst v63  }
0x2fe: {  	s29 =	rddreg [dreg:$0xe];
	s31 =	simm.s32 $0xA80  }
0x2ff: {  	[hbm4b:s28+s2] =	stream.linear.scatter [tilespmem:s31], [sflag:$0x1], $0x10000, $0x38;
	[tilespmem:$0x11000] =	vst v63  }
0x300: {  	s30 =	simm.s32 $0xA00;
	s11 =	rddreg [dreg:$0x13]  }
0x301: {  	[hbm4b:s29+s2] =	stream.linear.scatter [tilespmem:s30], [sflag:$0x1], $0x10000, $0x38;
	[tilespmem:$0x11000] =	vst v63  }
0x302: {  	s0 =	rddreg [dreg:$0xf];
	s29 =	simm.s32 $0x980  }
0x303: {  	[hbm4b:s0+s2] =	stream.linear.scatter [tilespmem:s29], [sflag:$0x1], $0x10000, $0x38;
	[tilespmem:$0x11000] =	vst v63  }
0x304: {  	s1 =	rddreg [dreg:$0x10];
	s28 =	simm.s32 $0x900  }
0x305: {  	[hbm4b:s1+s2] =	stream.linear.scatter [tilespmem:s28], [sflag:$0x1], $0x10000, $0x38;
	[tilespmem:$0x11000] =	vst v63  }
0x306: {  	s4 =	rddreg [dreg:$0x11];
	s26 =	simm.s32 $0x880  }
0x307: {  	[hbm4b:s4+s2] =	stream.linear.scatter [tilespmem:s26], [sflag:$0x1], $0x10000, $0x38;
	[tilespmem:$0x11000] =	vst v63  }
0x308: {  	s5 =	rddreg [dreg:$0x12];
	s25 =	simm.s32 $0x800  }
0x309: {  	[hbm4b:s5+s2] =	stream.linear.scatter [tilespmem:s25], [sflag:$0x1], $0x10000, $0x38;
	[tilespmem:$0x11000] =	vst v63  }
0x30a: {  	s12 =	rddreg [dreg:$0x14];
	s24 =	simm.s32 $0x780  }
0x30b: {  	[hbm4b:s11+s2] =	stream.linear.scatter [tilespmem:s24], [sflag:$0x1], $0x10000, $0x38;
	[tilespmem:$0x11000] =	vst v63  }
0x30c: {  	s13 =	rddreg [dreg:$0x15];
	s22 =	simm.s32 $0x700  }
0x30d: {  	[hbm4b:s12+s2] =	stream.linear.scatter [tilespmem:s22], [sflag:$0x1], $0x10000, $0x38;
	[tilespmem:$0x11000] =	vst v63  }
0x30e: {  	s14 =	rddreg [dreg:$0x16];
	s20 =	simm.s32 $0x680  }
0x30f: {  	[hbm4b:s13+s2] =	stream.linear.scatter [tilespmem:s20], [sflag:$0x1], $0x10000, $0x38;
	[tilespmem:$0x11000] =	vst v63  }
0x310: {  	s15 =	rddreg [dreg:$0x17];
	s18 =	simm.s32 $0x600  }
0x311: {  	[hbm4b:s14+s2] =	stream.linear.scatter [tilespmem:s18], [sflag:$0x1], $0x10000, $0x38;
	[tilespmem:$0x11000] =	vst v63  }
0x312: {  	s16 =	rddreg [dreg:$0x18];
	s23 =	simm.s32 $0x580  }
0x313: {  	[hbm4b:s15+s2] =	stream.linear.scatter [tilespmem:s23], [sflag:$0x1], $0x10000, $0x38;
	[tilespmem:$0x11000] =	vst v63  }
0x314: {  	s17 =	rddreg [dreg:$0x19];
	s21 =	simm.s32 $0x500  }
0x315: {  	[hbm4b:s16+s2] =	stream.linear.scatter [tilespmem:s21], [sflag:$0x1], $0x10000, $0x38;
	[tilespmem:$0x11000] =	vst v63  }
0x316: {  	s19 =	simm.s32 $0x480;
	s0 =	rddreg [dreg:$0x1a]  }
0x317: {  	[hbm4b:s17+s2] =	stream.linear.scatter [tilespmem:s19], [sflag:$0x1], $0x10000, $0x38;
	[tilespmem:$0x11000] =	vst v63  }
0x318: {  	s11 =	rddreg [dreg:$0x1b];
	s17 =	simm.s32 $0x400  }
0x319: {  	[hbm4b:s0+s2] =	stream.linear.scatter [tilespmem:s17], [sflag:$0x1], $0x10000, $0x38;
	[tilespmem:$0x11000] =	vst v63  }
0x31a: {  	s12 =	rddreg [dreg:$0x1c];
	s16 =	simm.s32 $0x380  }
0x31b: {  	[hbm4b:s11+s2] =	stream.linear.scatter [tilespmem:s16], [sflag:$0x1], $0x10000, $0x38;
	[tilespmem:$0x11000] =	vst v63  }
0x31c: {  	s13 =	rddreg [dreg:$0x1d];
	s15 =	simm.s32 $0x300  }
0x31d: {  	[hbm4b:s12+s2] =	stream.linear.scatter [tilespmem:s15], [sflag:$0x1], $0x10000, $0x38;
	[tilespmem:$0x11000] =	vst v63  }
0x31e: {  	s14 =	simm.s32 $0x280;
	s0 =	rddreg [dreg:$0x1e]  }
0x31f: {  	[hbm4b:s13+s2] =	stream.linear.scatter [tilespmem:s14], [sflag:$0x1], $0x10000, $0x38;
	[tilespmem:$0x11000] =	vst v63  }
0x320: {  	s11 =	rddreg [dreg:$0x1f];
	s13 =	simm.s32 $0x200  }
0x321: {  	[hbm4b:s0+s2] =	stream.linear.scatter [tilespmem:s13], [sflag:$0x1], $0x10000, $0x38;
	[tilespmem:$0x11000] =	vst v63  }
0x322: {  	s12 =	simm.s32 $0x180;
	s0 =	sld [smem:$0x7DA]  }
0x323: {  	[hbm4b:s11+s2] =	stream.linear.scatter [tilespmem:s12], [sflag:$0x1], $0x10000, $0x38;
	[tilespmem:$0x11000] =	vst v63  }
0x324: {  	s7 =	sld [smem:$0x7DB];
	s11 =	simm.s32 $0x100  }
0x325: {  	[hbm4b:s0+s2] =	stream.linear.scatter [tilespmem:s11], [sflag:$0x1], $0x10000, $0x38;
	[tilespmem:$0x11000] =	vst v63  }
0x326: {  	s8 =	sld [smem:$0x7DC];
	s0 =	simm.s32 $0x80  }
0x327: {  	[hbm4b:s7+s2] =	stream.linear.scatter [tilespmem:s0], [sflag:$0x1], $0x10000, $0x38;
	[tilespmem:$0x11000] =	vst v63  }
0x328: {  	_ = 	snop  }
0x329: {  	[hbm4b:s8+s2] =	stream.linear.scatter [tilespmem:s2], [sflag:$0x1], $0x10000, $0x38;
	[tilespmem:$0x11000] =	vst v63  }
0x32a: {  	_ =	swait.ge [sflag:s3], $0x10000  }
0x32b: {  	[sflag:s3] =	ssyncset.done $0x0  }
0x32c: {  	[sflag:s3] =	ssyncadd.s32 $0xFFFF0000  }
0x32d: {  	_ =	swait.ge [sflag:s3], $0x10000  }
0x32e: {  	[sflag:s3] =	ssyncset.done $0x0  }
0x32f: {  	[sflag:s3] =	ssyncadd.s32 $0xFFFF0000  }
0x330: {  	_ =	swait.ge [sflag:s3], $0x10000  }
0x331: {  	[sflag:s3] =	ssyncset.done $0x0  }
0x332: {  	[sflag:s3] =	ssyncadd.s32 $0xFFFF0000  }
0x333: {  	_ =	swait.ge [sflag:s3], $0x10000  }
0x334: {  	[sflag:s3] =	ssyncset.done $0x0  }
0x335: {  	[sflag:s3] =	ssyncadd.s32 $0xFFFF0000  }
0x336: {  	_ =	swait.ge [sflag:s3], $0x10000  }
0x337: {  	[sflag:s3] =	ssyncset.done $0x0  }
0x338: {  	[sflag:s3] =	ssyncadd.s32 $0xFFFF0000  }
0x339: {  	_ =	swait.ge [sflag:s3], $0x10000  }
0x33a: {  	[sflag:s3] =	ssyncset.done $0x0  }
0x33b: {  	[sflag:s3] =	ssyncadd.s32 $0xFFFF0000  }
0x33c: {  	_ =	swait.ge [sflag:s3], $0x10000  }
0x33d: {  	[sflag:s3] =	ssyncset.done $0x0  }
0x33e: {  	[sflag:s3] =	ssyncadd.s32 $0xFFFF0000  }
0x33f: {  	_ =	swait.ge [sflag:s3], $0x10000  }
0x340: {  	[sflag:s3] =	ssyncset.done $0x0  }
0x341: {  	[sflag:s3] =	ssyncadd.s32 $0xFFFF0000  }
0x342: {  	_ =	swait.ge [sflag:s3], $0x10000  }
0x343: {  	[sflag:s3] =	ssyncset.done $0x0  }
0x344: {  	[sflag:s3] =	ssyncadd.s32 $0xFFFF0000  }
0x345: {  	_ =	swait.ge [sflag:s3], $0x10000  }
0x346: {  	[sflag:s3] =	ssyncset.done $0x0  }
0x347: {  	[sflag:s3] =	ssyncadd.s32 $0xFFFF0000  }
0x348: {  	_ =	swait.ge [sflag:s3], $0x10000  }
0x349: {  	[sflag:s3] =	ssyncset.done $0x0  }
0x34a: {  	[sflag:s3] =	ssyncadd.s32 $0xFFFF0000  }
0x34b: {  	_ =	swait.ge [sflag:s3], $0x10000  }
0x34c: {  	[sflag:s3] =	ssyncset.done $0x0  }
0x34d: {  	[sflag:s3] =	ssyncadd.s32 $0xFFFF0000  }
0x34e: {  	_ =	swait.ge [sflag:s3], $0x10000  }
0x34f: {  	[sflag:s3] =	ssyncset.done $0x0  }
0x350: {  	[sflag:s3] =	ssyncadd.s32 $0xFFFF0000  }
0x351: {  	_ =	swait.ge [sflag:s3], $0x10000  }
0x352: {  	[sflag:s3] =	ssyncset.done $0x0  }
0x353: {  	[sflag:s3] =	ssyncadd.s32 $0xFFFF0000  }
0x354: {  	_ =	swait.ge [sflag:s3], $0x10000  }
0x355: {  	[sflag:s3] =	ssyncset.done $0x0  }
0x356: {  	[sflag:s3] =	ssyncadd.s32 $0xFFFF0000  }
0x357: {  	_ =	swait.ge [sflag:s3], $0x10000  }
0x358: {  	[sflag:s3] =	ssyncset.done $0x0  }
0x359: {  	[sflag:s3] =	ssyncadd.s32 $0xFFFF0000  }
0x35a: {  	_ =	swait.ge [sflag:s3], $0x10000  }
0x35b: {  	[sflag:s3] =	ssyncset.done $0x0  }
0x35c: {  	[sflag:s3] =	ssyncadd.s32 $0xFFFF0000  }
0x35d: {  	_ =	swait.ge [sflag:s3], $0x10000  }
0x35e: {  	[sflag:s3] =	ssyncset.done $0x0  }
0x35f: {  	[sflag:s3] =	ssyncadd.s32 $0xFFFF0000  }
0x360: {  	_ =	swait.ge [sflag:s3], $0x10000  }
0x361: {  	[sflag:s3] =	ssyncset.done $0x0  }
0x362: {  	[sflag:s3] =	ssyncadd.s32 $0xFFFF0000  }
0x363: {  	_ =	swait.ge [sflag:s3], $0x10000  }
0x364: {  	[sflag:s3] =	ssyncset.done $0x0  }
0x365: {  	[sflag:s3] =	ssyncadd.s32 $0xFFFF0000  }
0x366: {  	_ =	swait.ge [sflag:s3], $0x10000  }
0x367: {  	[sflag:s3] =	ssyncset.done $0x0  }
0x368: {  	[sflag:s3] =	ssyncadd.s32 $0xFFFF0000  }
0x369: {  	_ =	swait.ge [sflag:s3], $0x10000  }
0x36a: {  	[sflag:s3] =	ssyncset.done $0x0  }
0x36b: {  	[sflag:s3] =	ssyncadd.s32 $0xFFFF0000  }
0x36c: {  	_ =	swait.ge [sflag:s3], $0x10000  }
0x36d: {  	[sflag:s3] =	ssyncset.done $0x0  }
0x36e: {  	[sflag:s3] =	ssyncadd.s32 $0xFFFF0000  }
0x36f: {  	_ =	swait.ge [sflag:s3], $0x10000  }
0x370: {  	[sflag:s3] =	ssyncset.done $0x0  }
0x371: {  	[sflag:s3] =	ssyncadd.s32 $0xFFFF0000  }
0x372: {  	_ =	swait.ge [sflag:s3], $0x10000  }
0x373: {  	[sflag:s3] =	ssyncset.done $0x0  }
0x374: {  	[sflag:s3] =	ssyncadd.s32 $0xFFFF0000  }
0x375: {  	_ =	swait.ge [sflag:s3], $0x10000  }
0x376: {  	[sflag:s3] =	ssyncset.done $0x0  }
0x377: {  	[sflag:s3] =	ssyncadd.s32 $0xFFFF0000  }
0x378: {  	_ =	swait.ge [sflag:s3], $0x10000  }
0x379: {  	[sflag:s3] =	ssyncset.done $0x0  }
0x37a: {  	[sflag:s3] =	ssyncadd.s32 $0xFFFF0000  }
0x37b: {  	_ =	swait.ge [sflag:s3], $0x10000  }
0x37c: {  	[sflag:s3] =	ssyncset.done $0x0  }
0x37d: {  	[sflag:s3] =	ssyncadd.s32 $0xFFFF0000  }
0x37e: {  	_ =	swait.ge [sflag:s3], $0x10000  }
0x37f: {  	[sflag:s3] =	ssyncset.done $0x0  }
0x380: {  	[sflag:s3] =	ssyncadd.s32 $0xFFFF0000  }
0x381: {  	_ =	swait.ge [sflag:s3], $0x10000  }
0x382: {  	[sflag:s3] =	ssyncset.done $0x0  }
0x383: {  	[sflag:s3] =	ssyncadd.s32 $0xFFFF0000  }
0x384: {  	_ =	swait.ge [sflag:s3], $0x10000  }
0x385: {  	[sflag:s3] =	ssyncset.done $0x0  }
0x386: {  	[sflag:s3] =	ssyncadd.s32 $0xFFFF0000  }
0x387: {  	_ =	swait.ge [sflag:s3], $0x10000  }
0x388: {  	s0 =	sld [smem:$0x7DD]  }
0x389: {  	[sflag:s3] =	ssyncset.done $0x0  }
0x38a: {  	s6 =	simm.s32 $0x2;
	[sflag:s3] =	ssyncadd.s32 $0xFFFF0000  }
0x38b: {  	[tilespmem:s2], [sflag:$0x2] =	stream.linear.gather [hbm4b:s0+s2], $0x11000, $0x38;
	[tilespmem:$0x11000] =	vst v63  }
0x38c: {  	_ =	swait.ge [sflag:s6], $0x11000  }
0x38d: {  	s8 =	sld [smem:$0x7DE]  }
0x38e: {  	[sflag:s6] =	ssyncset.done $0x0  }
0x38f: {  	s5 =	simm.s32 $0xF80;
	s0 =	sld [smem:$0x7DF];
	[sflag:s6] =	ssyncadd.s32 $0xFFFEF000  }
0x390: {  	[hbm4b:s8+s2] =	stream.linear.scatter [tilespmem:s5], [sflag:$0x1], $0x10000, $0x38;
	[tilespmem:$0x11000] =	vst v63  }
0x391: {  	s4 =	simm.s32 $0xF00;
	s7 =	sld [smem:$0x7E0]  }
0x392: {  	[hbm4b:s0+s2] =	stream.linear.scatter [tilespmem:s4], [sflag:$0x1], $0x10000, $0x38;
	[tilespmem:$0x11000] =	vst v63  }
0x393: {  	s6 =	simm.s32 $0xE80;
	s8 =	sld [smem:$0x7E1]  }
0x394: {  	[hbm4b:s7+s2] =	stream.linear.scatter [tilespmem:s6], [sflag:$0x1], $0x10000, $0x38;
	[tilespmem:$0x11000] =	vst v63  }
0x395: {  	s1 =	simm.s32 $0xE00;
	s7 =	sld [smem:$0x7E2]  }
0x396: {  	[hbm4b:s8+s2] =	stream.linear.scatter [tilespmem:s1], [sflag:$0x1], $0x10000, $0x38;
	[tilespmem:$0x11000] =	vst v63  }
0x397: {  	s5 =	simm.s32 $0xD80;
	s8 =	sld [smem:$0x7E3]  }
0x398: {  	[hbm4b:s7+s2] =	stream.linear.scatter [tilespmem:s5], [sflag:$0x1], $0x10000, $0x38;
	[tilespmem:$0x11000] =	vst v63  }
0x399: {  	s6 =	sld [smem:$0x7E4]  }
0x39a: {  	[hbm4b:s8+s2] =	stream.linear.scatter [tilespmem:s9], [sflag:$0x1], $0x10000, $0x38;
	[tilespmem:$0x11000] =	vst v63  }
0x39b: {  	s7 =	sld [smem:$0x7E5];
	s8 =	simm.s32 $0xC80  }
0x39c: {  	[hbm4b:s6+s2] =	stream.linear.scatter [tilespmem:s8], [sflag:$0x1], $0x10000, $0x38;
	[tilespmem:$0x11000] =	vst v63  }
0x39d: {  	s5 =	simm.s32 $0xC00;
	s9 =	sld [smem:$0x7E6]  }
0x39e: {  	[hbm4b:s7+s2] =	stream.linear.scatter [tilespmem:s5], [sflag:$0x1], $0x10000, $0x38;
	[tilespmem:$0x11000] =	vst v63  }
0x39f: {  	s6 =	sld [smem:$0x7E7];
	s7 =	simm.s32 $0xB80  }
0x3a0: {  	[hbm4b:s9+s2] =	stream.linear.scatter [tilespmem:s7], [sflag:$0x1], $0x10000, $0x38;
	[tilespmem:$0x11000] =	vst v63  }
0x3a1: {  	s8 =	sld [smem:$0x7E8]  }
0x3a2: {  	[hbm4b:s6+s2] =	stream.linear.scatter [tilespmem:s10], [sflag:$0x1], $0x10000, $0x38;
	[tilespmem:$0x11000] =	vst v63  }
0x3a3: {  	s9 =	sld [smem:$0x7E9]  }
0x3a4: {  	[hbm4b:s8+s2] =	stream.linear.scatter [tilespmem:s31], [sflag:$0x1], $0x10000, $0x38;
	[tilespmem:$0x11000] =	vst v63  }
0x3a5: {  	s10 =	sld [smem:$0x7EA]  }
0x3a6: {  	[hbm4b:s9+s2] =	stream.linear.scatter [tilespmem:s30], [sflag:$0x1], $0x10000, $0x38;
	[tilespmem:$0x11000] =	vst v63  }
0x3a7: {  	s30 =	sld [smem:$0x7EB]  }
0x3a8: {  	[hbm4b:s10+s2] =	stream.linear.scatter [tilespmem:s29], [sflag:$0x1], $0x10000, $0x38;
	[tilespmem:$0x11000] =	vst v63  }
0x3a9: {  	s31 =	sld [smem:$0x7EC]  }
0x3aa: {  	[hbm4b:s30+s2] =	stream.linear.scatter [tilespmem:s28], [sflag:$0x1], $0x10000, $0x38;
	[tilespmem:$0x11000] =	vst v63  }
0x3ab: {  	s4 =	sld [smem:$0x7ED]  }
0x3ac: {  	[hbm4b:s31+s2] =	stream.linear.scatter [tilespmem:s26], [sflag:$0x1], $0x10000, $0x38;
	[tilespmem:$0x11000] =	vst v63  }
0x3ad: {  	s5 =	sld [smem:$0x7EE]  }
0x3ae: {  	[hbm4b:s4+s2] =	stream.linear.scatter [tilespmem:s25], [sflag:$0x1], $0x10000, $0x38;
	[tilespmem:$0x11000] =	vst v63  }
0x3af: {  	s6 =	sld [smem:$0x7EF]  }
0x3b0: {  	[hbm4b:s5+s2] =	stream.linear.scatter [tilespmem:s24], [sflag:$0x1], $0x10000, $0x38;
	[tilespmem:$0x11000] =	vst v63  }
0x3b1: {  	s7 =	sld [smem:$0x7F0]  }
0x3b2: {  	[hbm4b:s6+s2] =	stream.linear.scatter [tilespmem:s22], [sflag:$0x1], $0x10000, $0x38;
	[tilespmem:$0x11000] =	vst v63  }
0x3b3: {  	s8 =	sld [smem:$0x7F1]  }
0x3b4: {  	[hbm4b:s7+s2] =	stream.linear.scatter [tilespmem:s20], [sflag:$0x1], $0x10000, $0x38;
	[tilespmem:$0x11000] =	vst v63  }
0x3b5: {  	s9 =	sld [smem:$0x7F2]  }
0x3b6: {  	[hbm4b:s8+s2] =	stream.linear.scatter [tilespmem:s18], [sflag:$0x1], $0x10000, $0x38;
	[tilespmem:$0x11000] =	vst v63  }
0x3b7: {  	s10 =	sld [smem:$0x7F3]  }
0x3b8: {  	[hbm4b:s9+s2] =	stream.linear.scatter [tilespmem:s23], [sflag:$0x1], $0x10000, $0x38;
	[tilespmem:$0x11000] =	vst v63  }
0x3b9: {  	s18 =	sld [smem:$0x7F4]  }
0x3ba: {  	[hbm4b:s10+s2] =	stream.linear.scatter [tilespmem:s21], [sflag:$0x1], $0x10000, $0x38;
	[tilespmem:$0x11000] =	vst v63  }
0x3bb: {  	s20 =	sld [smem:$0x7F5]  }
0x3bc: {  	[hbm4b:s18+s2] =	stream.linear.scatter [tilespmem:s19], [sflag:$0x1], $0x10000, $0x38;
	[tilespmem:$0x11000] =	vst v63  }
0x3bd: {  	s21 =	sld [smem:$0x7F6]  }
0x3be: {  	[hbm4b:s20+s2] =	stream.linear.scatter [tilespmem:s17], [sflag:$0x1], $0x10000, $0x38;
	[tilespmem:$0x11000] =	vst v63  }
0x3bf: {  	s22 =	sld [smem:$0x7F7]  }
0x3c0: {  	[hbm4b:s21+s2] =	stream.linear.scatter [tilespmem:s16], [sflag:$0x1], $0x10000, $0x38;
	[tilespmem:$0x11000] =	vst v63  }
0x3c1: {  	s23 =	sld [smem:$0x7F8]  }
0x3c2: {  	[hbm4b:s22+s2] =	stream.linear.scatter [tilespmem:s15], [sflag:$0x1], $0x10000, $0x38;
	[tilespmem:$0x11000] =	vst v63  }
0x3c3: {  	s24 =	sld [smem:$0x7F9]  }
0x3c4: {  	[hbm4b:s23+s2] =	stream.linear.scatter [tilespmem:s14], [sflag:$0x1], $0x10000, $0x38;
	[tilespmem:$0x11000] =	vst v63  }
0x3c5: {  	s25 =	sld [smem:$0x7FA]  }
0x3c6: {  	[hbm4b:s24+s2] =	stream.linear.scatter [tilespmem:s13], [sflag:$0x1], $0x10000, $0x38;
	[tilespmem:$0x11000] =	vst v63  }
0x3c7: {  	s26 =	sld [smem:$0x7FB]  }
0x3c8: {  	[hbm4b:s25+s2] =	stream.linear.scatter [tilespmem:s12], [sflag:$0x1], $0x10000, $0x38;
	[tilespmem:$0x11000] =	vst v63  }
0x3c9: {  	s28 =	sld [smem:$0x7FC]  }
0x3ca: {  	[hbm4b:s26+s2] =	stream.linear.scatter [tilespmem:s11], [sflag:$0x1], $0x10000, $0x38;
	[tilespmem:$0x11000] =	vst v63  }
0x3cb: {  	s29 =	sld [smem:$0x7FD];
	s30 =	simm.s32 $0x80  }
0x3cc: {  	[hbm4b:s28+s2] =	stream.linear.scatter [tilespmem:s30], [sflag:$0x1], $0x10000, $0x38;
	[tilespmem:$0x11000] =	vst v63  }
0x3cd: {  	_ = 	snop  }
0x3ce: {  	[hbm4b:s29+s2] =	stream.linear.scatter [tilespmem:s2], [sflag:$0x1], $0x10000, $0x38;
	[tilespmem:$0x11000] =	vst v63  }
0x3cf: {  	_ =	swait.ge [sflag:s3], $0x10000  }
0x3d0: {  	[sflag:s3] =	ssyncset.done $0x0  }
0x3d1: {  	[sflag:s3] =	ssyncadd.s32 $0xFFFF0000  }
0x3d2: {  	_ =	swait.ge [sflag:s3], $0x10000  }
0x3d3: {  	[sflag:s3] =	ssyncset.done $0x0  }
0x3d4: {  	[sflag:s3] =	ssyncadd.s32 $0xFFFF0000  }
0x3d5: {  	_ =	swait.ge [sflag:s3], $0x10000  }
0x3d6: {  	[sflag:s3] =	ssyncset.done $0x0  }
0x3d7: {  	[sflag:s3] =	ssyncadd.s32 $0xFFFF0000  }
0x3d8: {  	_ =	swait.ge [sflag:s3], $0x10000  }
0x3d9: {  	[sflag:s3] =	ssyncset.done $0x0  }
0x3da: {  	[sflag:s3] =	ssyncadd.s32 $0xFFFF0000  }
0x3db: {  	_ =	swait.ge [sflag:s3], $0x10000  }
0x3dc: {  	[sflag:s3] =	ssyncset.done $0x0  }
0x3dd: {  	[sflag:s3] =	ssyncadd.s32 $0xFFFF0000  }
0x3de: {  	_ =	swait.ge [sflag:s3], $0x10000  }
0x3df: {  	[sflag:s3] =	ssyncset.done $0x0  }
0x3e0: {  	[sflag:s3] =	ssyncadd.s32 $0xFFFF0000  }
0x3e1: {  	_ =	swait.ge [sflag:s3], $0x10000  }
0x3e2: {  	[sflag:s3] =	ssyncset.done $0x0  }
0x3e3: {  	[sflag:s3] =	ssyncadd.s32 $0xFFFF0000  }
0x3e4: {  	_ =	swait.ge [sflag:s3], $0x10000  }
0x3e5: {  	[sflag:s3] =	ssyncset.done $0x0  }
0x3e6: {  	[sflag:s3] =	ssyncadd.s32 $0xFFFF0000  }
0x3e7: {  	_ =	swait.ge [sflag:s3], $0x10000  }
0x3e8: {  	[sflag:s3] =	ssyncset.done $0x0  }
0x3e9: {  	[sflag:s3] =	ssyncadd.s32 $0xFFFF0000  }
0x3ea: {  	_ =	swait.ge [sflag:s3], $0x10000  }
0x3eb: {  	[sflag:s3] =	ssyncset.done $0x0  }
0x3ec: {  	[sflag:s3] =	ssyncadd.s32 $0xFFFF0000  }
0x3ed: {  	_ =	swait.ge [sflag:s3], $0x10000  }
0x3ee: {  	[sflag:s3] =	ssyncset.done $0x0  }
0x3ef: {  	[sflag:s3] =	ssyncadd.s32 $0xFFFF0000  }
0x3f0: {  	_ =	swait.ge [sflag:s3], $0x10000  }
0x3f1: {  	[sflag:s3] =	ssyncset.done $0x0  }
0x3f2: {  	[sflag:s3] =	ssyncadd.s32 $0xFFFF0000  }
0x3f3: {  	_ =	swait.ge [sflag:s3], $0x10000  }
0x3f4: {  	[sflag:s3] =	ssyncset.done $0x0  }
0x3f5: {  	[sflag:s3] =	ssyncadd.s32 $0xFFFF0000  }
0x3f6: {  	_ =	swait.ge [sflag:s3], $0x10000  }
0x3f7: {  	[sflag:s3] =	ssyncset.done $0x0  }
0x3f8: {  	[sflag:s3] =	ssyncadd.s32 $0xFFFF0000  }
0x3f9: {  	_ =	swait.ge [sflag:s3], $0x10000  }
0x3fa: {  	[sflag:s3] =	ssyncset.done $0x0  }
0x3fb: {  	[sflag:s3] =	ssyncadd.s32 $0xFFFF0000  }
0x3fc: {  	_ =	swait.ge [sflag:s3], $0x10000  }
0x3fd: {  	[sflag:s3] =	ssyncset.done $0x0  }
0x3fe: {  	[sflag:s3] =	ssyncadd.s32 $0xFFFF0000  }
0x3ff: {  	_ =	swait.ge [sflag:s3], $0x10000  }
0x400: {  	[sflag:s3] =	ssyncset.done $0x0  }
0x401: {  	[sflag:s3] =	ssyncadd.s32 $0xFFFF0000  }
0x402: {  	_ =	swait.ge [sflag:s3], $0x10000  }
0x403: {  	[sflag:s3] =	ssyncset.done $0x0  }
0x404: {  	[sflag:s3] =	ssyncadd.s32 $0xFFFF0000  }
0x405: {  	_ =	swait.ge [sflag:s3], $0x10000  }
0x406: {  	[sflag:s3] =	ssyncset.done $0x0  }
0x407: {  	[sflag:s3] =	ssyncadd.s32 $0xFFFF0000  }
0x408: {  	_ =	swait.ge [sflag:s3], $0x10000  }
0x409: {  	[sflag:s3] =	ssyncset.done $0x0  }
0x40a: {  	[sflag:s3] =	ssyncadd.s32 $0xFFFF0000  }
0x40b: {  	_ =	swait.ge [sflag:s3], $0x10000  }
0x40c: {  	[sflag:s3] =	ssyncset.done $0x0  }
0x40d: {  	[sflag:s3] =	ssyncadd.s32 $0xFFFF0000  }
0x40e: {  	_ =	swait.ge [sflag:s3], $0x10000  }
0x40f: {  	[sflag:s3] =	ssyncset.done $0x0  }
0x410: {  	[sflag:s3] =	ssyncadd.s32 $0xFFFF0000  }
0x411: {  	_ =	swait.ge [sflag:s3], $0x10000  }
0x412: {  	[sflag:s3] =	ssyncset.done $0x0  }
0x413: {  	[sflag:s3] =	ssyncadd.s32 $0xFFFF0000  }
0x414: {  	_ =	swait.ge [sflag:s3], $0x10000  }
0x415: {  	[sflag:s3] =	ssyncset.done $0x0  }
0x416: {  	[sflag:s3] =	ssyncadd.s32 $0xFFFF0000  }
0x417: {  	_ =	swait.ge [sflag:s3], $0x10000  }
0x418: {  	[sflag:s3] =	ssyncset.done $0x0  }
0x419: {  	[sflag:s3] =	ssyncadd.s32 $0xFFFF0000  }
0x41a: {  	_ =	swait.ge [sflag:s3], $0x10000  }
0x41b: {  	[sflag:s3] =	ssyncset.done $0x0  }
0x41c: {  	[sflag:s3] =	ssyncadd.s32 $0xFFFF0000  }
0x41d: {  	_ =	swait.ge [sflag:s3], $0x10000  }
0x41e: {  	[sflag:s3] =	ssyncset.done $0x0  }
0x41f: {  	[sflag:s3] =	ssyncadd.s32 $0xFFFF0000  }
0x420: {  	_ =	swait.ge [sflag:s3], $0x10000  }
0x421: {  	[sflag:s3] =	ssyncset.done $0x0  }
0x422: {  	[sflag:s3] =	ssyncadd.s32 $0xFFFF0000  }
0x423: {  	_ =	swait.ge [sflag:s3], $0x10000  }
0x424: {  	[sflag:s3] =	ssyncset.done $0x0  }
0x425: {  	[sflag:s3] =	ssyncadd.s32 $0xFFFF0000  }
0x426: {  	_ =	swait.ge [sflag:s3], $0x10000  }
0x427: {  	[sflag:s3] =	ssyncset.done $0x0  }
0x428: {  	[sflag:s3] =	ssyncadd.s32 $0xFFFF0000  }
0x429: {  	_ =	swait.ge [sflag:s3], $0x10000  }
0x42a: {  	[sflag:s3] =	ssyncset.done $0x0  }
0x42b: {  	[sflag:s3] =	ssyncadd.s32 $0xFFFF0000  }
0x42c: {  	_ =	swait.ge [sflag:s3], $0x10000  }
0x42d: {  	[sflag:s3] =	ssyncset.done $0x0  }
0x42e: {  	[sflag:s3] =	ssyncadd.s32 $0xFFFF0000  }
0x42f: {  	_ =	sfence.sel $0x180000  }
0x430: {  	[bflag:$0x0] =	sbarrier.arrive $0xFFFF  }
0x431: {  	_ =	strace $0x90000047  }
0x432: {  	s31 =	stileid.u32;
	[bflag:$0x2] =	sbarrier.arrive $0xFFFF  }
0x433: {  	p0 =	sne.s32 s31, $0x0;
	s0 =	rddreg [dreg:$0x2]  }
0x434: {  	s0 =	sadd.s32 @!p0 $0x100000, s0  }
0x435: {  	[sflag:s0] =	ssyncadd.tile.s32 @!p0 $0x1;
	_ =	shalt  }
.LBB2_6:
.Ltmp3:
0x436: {  	(pc) =	sbr.rel .LBB2_5-.Ltmp3, $4  }
0x437: {  	s4 =	simm.s32 $0xB80  }
0x438: {  	s5 =	simm.s32 $0xC00;
	s10 =	simm.s32 $0xC80;
	s19 =	simm.s32 $0xD80  }
0x439: {  	s21 =	simm.s32 $0xE00;
	s0 =	simm.s32 $0xE80;
	s1 =	simm.s32 $0xF00  }
0x43a: {  	s23 =	simm.s32 $0xF80;
	s31 =	sld [smem:$0x7D9];
	s6 =	simm.s32 $0x2  }
.Lfunc_end2:
_tile_overlayer_lowered:
.L_overlay_start_2:
0x43b: {  	(tag) =	ssettag $0x2  }
0x43c: {  	s0 =	rddreg [dreg:$0x0];
	s2 =	stileid.u32  }
0x43d: {  	s1 =	rddreg [dreg:$0x1];
	p0 =	sne.s32 s2, $0x0  }
0x43e: {  	s3 =	rddreg [dreg:$0x2];
	[bflag:$0x3] =	sbarrier.arrive $0xFFFF;
	s2 =	simm.s32 @!p0 $0x1C02  }
0x43f: {  	[timem:s3], [sflag:s2] =	dma.local @!p0 [hbm:s0], s1  }
0x440: {  	s0 =	simm.s32 @!p0 $0x2  }
0x441: {  	_ =	swait.ge @!p0 [sflag:s0], s1  }
0x442: {  	s1 =	ssub.s32 @!p0 $0x0, s1;
	[sflag:s0] =	ssyncset.done @!p0 $0x0  }
0x443: {  	[sflag:s0] =	ssyncadd.s32 @!p0 s1  }
0x444: {  	[bflag:$0x3] =	sbarrier.arrive $0xFFFF  }
0x445: {  	_ =	shalt  }

</sc_bundles>
